<compile_context>
chip_gen: v7x
topology: tpu7x:2x2x1
jax: 0.10.2.dev20260603
libtpu: 0.0.44.dev20260713+nightly
codegen_flags: <defaults>
</compile_context>

<pallas_src>
import jax
import jax.numpy as jnp
from jax import lax
from jax.experimental import pallas as pl
from jax.experimental.pallas import tpu as pltpu
from jax.experimental.pallas import tpu_sc as plsc

N = 10000
NP = 10240
E = 320000
C = 128
NEG = 0.2

NW = 32
CHUNK = 128
NCHUNK = 79
EPW = NCHUNK * CHUNK
EP = NW * EPW
RPT = NP // 16
BLK = 1024
GRID = NP // BLK


def _mm_body(x_ref, w_ref, asrc_ref, adst_ref, xp_ref, as_ref, ad_ref):
    xp = jnp.dot(x_ref[...], w_ref[...], preferred_element_type=jnp.float32)
    xp_ref[...] = xp
    as_ref[...] = jnp.sum(xp * asrc_ref[...], axis=1)
    ad_ref[...] = jnp.sum(xp * adst_ref[...], axis=1)


def _mm_call(xpad, W, att_src, att_dst):
    return pl.pallas_call(
        _mm_body,
        grid=(GRID,),
        in_specs=[
            pl.BlockSpec((BLK, C), lambda i: (i, 0)),
            pl.BlockSpec((C, C), lambda i: (0, 0)),
            pl.BlockSpec((1, C), lambda i: (0, 0)),
            pl.BlockSpec((1, C), lambda i: (0, 0)),
        ],
        out_specs=[
            pl.BlockSpec((BLK, C), lambda i: (i, 0)),
            pl.BlockSpec((BLK,), lambda i: (i,)),
            pl.BlockSpec((BLK,), lambda i: (i,)),
        ],
        out_shape=[
            jax.ShapeDtypeStruct((NP, C), jnp.float32),
            jax.ShapeDtypeStruct((NP,), jnp.float32),
            jax.ShapeDtypeStruct((NP,), jnp.float32),
        ],
    )(xpad, W, att_src, att_dst)


def _sc_body(xp_hbm, asrc_hbm, adst_hbm, src_hbm, dst_hbm,
             accp_hbm, denp_hbm,
             asrc_t, adst_t, sidx, didx, wbuf, rows, den_l, acc_sh):
    c = lax.axis_index("c")
    s = lax.axis_index("s")
    wid = s * 2 + c

    pltpu.sync_copy(asrc_hbm, asrc_t)
    pltpu.sync_copy(adst_hbm, adst_t)

    zero16 = jnp.zeros((16,), jnp.float32)

    def zden(i, _):
        den_l[pl.ds(i * 16, 16)] = zero16
        return 0
    lax.fori_loop(0, NP // 16, zden, 0)

    def zrow(i, _):
        for j in range(8):
            rows[i, pl.ds(j * 16, 16)] = zero16
        return 0
    lax.fori_loop(0, CHUNK, zrow, 0)

    for r in range(RPT // CHUNK):
        pltpu.sync_copy(rows, acc_sh.at[pl.ds(s * RPT + r * CHUNK, CHUNK), :])
    plsc.subcore_barrier()

    def rmax(tbl):
        def body(i, m):
            return jnp.maximum(m, tbl[pl.ds(i * 16, 16)])
        m16 = lax.fori_loop(0, NP // 16, body,
                            jnp.full((16,), -jnp.inf, jnp.float32))
        m = m16[0]
        for i in range(1, 16):
            m = jnp.maximum(m, m16[i])
        return m
    M = rmax(asrc_t) + rmax(adst_t)

    ebase = wid * EPW

    def chunk_body(cidx, _):
        off = ebase + cidx * CHUNK
        pltpu.sync_copy(src_hbm.at[pl.ds(off, CHUNK)], sidx)
        pltpu.sync_copy(dst_hbm.at[pl.ds(off, CHUNK)], didx)
        for j in range(CHUNK // 16):
            si = sidx[pl.ds(j * 16, 16)]
            di = didx[pl.ds(j * 16, 16)]
            e = plsc.load_gather(asrc_t, [si]) + plsc.load_gather(adst_t, [di])
            e = jnp.where(e > 0, e, NEG * e)
            w = jnp.exp(e - M)
            wbuf[pl.ds(j * 16, 16)] = w
            plsc.addupdate_scatter(den_l, [di], w)
        pltpu.sync_copy(xp_hbm.at[sidx], rows)

        @plsc.parallel_loop(0, CHUNK, step=16)
        def _(r0):
            wv = wbuf[pl.ds(r0, 16)]
            for rr in range(16):
                wr = wv[rr]
                for j in range(8):
                    rows[r0 + rr, pl.ds(j * 16, 16)] = (
                        rows[r0 + rr, pl.ds(j * 16, 16)] * wr)
        pltpu.sync_copy(rows, acc_sh.at[didx], add=True)
        return 0
    lax.fori_loop(0, NCHUNK, chunk_body, 0)

    plsc.subcore_barrier()
    pltpu.sync_copy(acc_sh.at[pl.ds(s * RPT, RPT), :],
                    accp_hbm.at[c, pl.ds(s * RPT, RPT), :])
    pltpu.sync_copy(den_l, denp_hbm.at[wid])


def _sc_call(xp, asrc, adst, srcp, dstp):
    f = pl.kernel(
        _sc_body,
        out_type=(jax.ShapeDtypeStruct((2, NP, C), jnp.float32),
                  jax.ShapeDtypeStruct((NW, NP), jnp.float32)),
        mesh=plsc.VectorSubcoreMesh(core_axis_name="c", subcore_axis_name="s"),
        compiler_params=pltpu.CompilerParams(needs_layout_passes=False),
        scratch_types=[
            pltpu.VMEM((NP,), jnp.float32),
            pltpu.VMEM((NP,), jnp.float32),
            pltpu.VMEM((CHUNK,), jnp.int32),
            pltpu.VMEM((CHUNK,), jnp.int32),
            pltpu.VMEM((CHUNK,), jnp.float32),
            pltpu.VMEM((CHUNK, C), jnp.float32),
            pltpu.VMEM((NP,), jnp.float32),
            pltpu.VMEM_SHARED((NP, C), jnp.float32),
        ],
    )
    return f(xp, asrc, adst, srcp, dstp)


def _comb_body(acc_ref, den_ref, bias_ref, out_ref):
    a = acc_ref[0] + acc_ref[1]
    d = jnp.sum(den_ref[...], axis=0)
    out_ref[...] = a / (d + 1e-16)[:, None] + bias_ref[...]


def _comb_call(accp, denp, bias):
    return pl.pallas_call(
        _comb_body,
        grid=(GRID,),
        in_specs=[
            pl.BlockSpec((2, BLK, C), lambda i: (0, i, 0)),
            pl.BlockSpec((NW, BLK), lambda i: (0, i)),
            pl.BlockSpec((1, C), lambda i: (0, 0)),
        ],
        out_specs=pl.BlockSpec((BLK, C), lambda i: (i, 0)),
        out_shape=jax.ShapeDtypeStruct((NP, C), jnp.float32),
    )(accp, denp, bias)


def kernel(x, edge_index, W, att_src, att_dst, bias):
    xpad = jnp.pad(x, ((0, NP - N), (0, 0)))
    srcp = jnp.pad(edge_index[0], (0, EP - E), constant_values=NP - 1)
    dstp = jnp.pad(edge_index[1], (0, EP - E), constant_values=NP - 1)
    xp, asrc, adst = _mm_call(xpad, W, att_src.reshape(1, C),
                              att_dst.reshape(1, C))
    accp, denp = _sc_call(xp, asrc, adst, srcp, dstp)
    out = _comb_call(accp, denp, bias.reshape(1, C))
    return out[:N]

# --- scband reference (transcript-rebuilt; emitter-appended) ---
"""Pipeline reference for scband-gatlayer-68195490726428 (READ-ONLY COPY).

The authoritative reference and input builder live on the scoring server;
editing this copy changes nothing except your own understanding.
"""

import jax, jax.numpy as jnp
import numpy as np

N = 10000
E = 320000
F_IN = 128
H = 1
C = 128
NEG_SLOPE = 0.2


def setup_inputs(seed: int = 0) -> dict:
    key = jax.random.key(seed)
    k1, k2, k3, k4, k5 = jax.random.split(key, 5)
    x = jax.random.normal(k1, (N, F_IN), dtype=jnp.float32)
    edge_index = jax.random.randint(k2, (2, E), 0, N, dtype=jnp.int32)
    W = jax.random.normal(k3, (F_IN, H * C), dtype=jnp.float32) * (1.0 / np.sqrt(F_IN))
    att_src = jax.random.normal(k4, (H, C), dtype=jnp.float32) * (1.0 / np.sqrt(C))
    att_dst = jax.random.normal(k5, (H, C), dtype=jnp.float32) * (1.0 / np.sqrt(C))
    bias = jnp.zeros((H * C,), dtype=jnp.float32)
    return {"x": x, "edge_index": edge_index, "W": W, "att_src": att_src, "att_dst": att_dst, "bias": bias}


def reference(x, edge_index, W, att_src, att_dst, bias):
    # GATConv (PyG semantics), heads=1, concat=True
    xp = (x @ W).reshape(N, H, C)                      # [N, H, C]
    a_src = jnp.sum(xp * att_src[None, :, :], axis=-1)  # [N, H]
    a_dst = jnp.sum(xp * att_dst[None, :, :], axis=-1)  # [N, H]
    src = edge_index[0]
    dst = edge_index[1]
    e = a_src[src] + a_dst[dst]                          # [E, H] gather
    e = jnp.where(e > 0, e, NEG_SLOPE * e)               # leaky_relu(0.2)
    # segment softmax over incoming edges per destination node
    m = jax.ops.segment_max(e, dst, num_segments=N)      # [N, H]
    m = jnp.where(jnp.isfinite(m), m, 0.0)
    ex = jnp.exp(e - m[dst])                             # [E, H]
    denom = jax.ops.segment_sum(ex, dst, num_segments=N) # [N, H]
    alpha = ex / (denom[dst] + 1e-16)                    # [E, H]
    msg = xp[src] * alpha[:, :, None]                    # [E, H, C] gather
    out = jax.ops.segment_sum(msg, dst, num_segments=N)  # [N, H, C] scatter-add
    out = out.reshape(N, H * C) + bias[None, :]
    return out

if __name__ == "__main__":
    import jax
    _d = setup_inputs()
    print(jax.jit(kernel)(*tuple(_d.values())))

</pallas_src>

<mosaic_0001>
#map = affine_map<(d0, d1) -> (0, 0)>
#map1 = affine_map<(d0, d1) -> (0)>
#map2 = affine_map<(d0, d1) -> (0, 0, 0)>
module attributes {stable_mosaic.version = 14 : i64} {
  func.func @_sc_body(%arg0: i32, %arg1: i32, %arg2: memref<10240x128xf32, #tpu.memory_space<hbm>>, %arg3: memref<10240xf32, #tpu.memory_space<hbm>>, %arg4: memref<10240xf32, #tpu.memory_space<hbm>>, %arg5: memref<323584xi32, #tpu.memory_space<hbm>>, %arg6: memref<323584xi32, #tpu.memory_space<hbm>>, %arg7: memref<2x10240x128xf32, #tpu.memory_space<hbm>>, %arg8: memref<32x10240xf32, #tpu.memory_space<hbm>>, %arg9: memref<10240xf32, #tpu.memory_space<vmem>>, %arg10: memref<10240xf32, #tpu.memory_space<vmem>>, %arg11: memref<128xi32, #tpu.memory_space<vmem>>, %arg12: memref<128xi32, #tpu.memory_space<vmem>>, %arg13: memref<128xf32, #tpu.memory_space<vmem>>, %arg14: memref<128x128xf32, #tpu.memory_space<vmem>>, %arg15: memref<10240xf32, #tpu.memory_space<vmem>>, %arg16: memref<10240x128xf32, #tpu.memory_space<vmem_shared>>) attributes {dimension_semantics = [#tpu.dimension_semantics<core_parallel>, #tpu.dimension_semantics<subcore_parallel>], iteration_bounds = array<i64: 2, 16>, scalar_prefetch = 0 : i64, scratch_operands = 8 : i64, tpu.core_type = #tpu.core_type<sc_vector_subcore>, window_params = [{transform_indices = #map}, {transform_indices = #map1}, {transform_indices = #map1}, {transform_indices = #map1}, {transform_indices = #map1}, {transform_indices = #map2}, {transform_indices = #map}]} {
    %mul3A = arith.constant 2 : i32
    %mul3A_0 = arith.muli %arg1, %mul3A : i32
    %add3A = arith.addi %mul3A_0, %arg0 : i32
    "tpu.region"() ({
      %run_scoped3A = tpu.sem_alloc : memref<!tpu.dma_semaphore, #tpu.memory_space<semaphore_mem>>
      tpu.enqueue_dma source(%arg3 : memref<10240xf32, #tpu.memory_space<hbm>>) target(%arg9 : memref<10240xf32, #tpu.memory_space<vmem>>) target_semaphore(%run_scoped3A : memref<!tpu.dma_semaphore, #tpu.memory_space<semaphore_mem>>)
      tpu.wait_dma2 semaphore(%run_scoped3A : memref<!tpu.dma_semaphore, #tpu.memory_space<semaphore_mem>>) src(%arg3 : memref<10240xf32, #tpu.memory_space<hbm>>) dst(%arg9 : memref<10240xf32, #tpu.memory_space<vmem>>)
      tpu.yield
    }) : () -> ()
    "tpu.region"() ({
      %run_scoped3A = tpu.sem_alloc : memref<!tpu.dma_semaphore, #tpu.memory_space<semaphore_mem>>
      tpu.enqueue_dma source(%arg4 : memref<10240xf32, #tpu.memory_space<hbm>>) target(%arg10 : memref<10240xf32, #tpu.memory_space<vmem>>) target_semaphore(%run_scoped3A : memref<!tpu.dma_semaphore, #tpu.memory_space<semaphore_mem>>)
      tpu.wait_dma2 semaphore(%run_scoped3A : memref<!tpu.dma_semaphore, #tpu.memory_space<semaphore_mem>>) src(%arg4 : memref<10240xf32, #tpu.memory_space<hbm>>) dst(%arg10 : memref<10240xf32, #tpu.memory_space<vmem>>)
      tpu.yield
    }) : () -> ()
    %broadcast_in_dim3A = arith.constant 0.000000e+00 : f32
    %broadcast_in_dim3A_1 = vector.broadcast %broadcast_in_dim3A : f32 to vector<16xf32>
    %scan3A = arith.constant 0 : i32
    %scan3A_2 = arith.constant 0 : i32
    %scan3A_3 = arith.constant 640 : i32
    %scan3A_4 = arith.addi %scan3A_2, %scan3A_3 : i32
    %scan3A_5 = arith.constant 1 : i32
    %scan3A_6 = scf.for %scan3A_157 = %scan3A_2 to %scan3A_4 step %scan3A_5 iter_args(%scan3A_158 = %scan3A) -> (i32)  : i32 {
      %mul3A_159 = arith.constant 16 : i32
      %mul3A_160 = arith.muli %scan3A_157, %mul3A_159 : i32
      %swap3A = arith.index_cast %mul3A_160 : i32 to index
      %swap3A_161 = tpu.vector_load %arg15[%swap3A] {strides = array<i32>} : memref<10240xf32, #tpu.memory_space<vmem>>, vector<16xf32>,
      tpu.vector_store %arg15[%swap3A], %broadcast_in_dim3A_1 {strides = array<i32>} : memref<10240xf32, #tpu.memory_space<vmem>>, vector<16xf32>,
      %scan3A_162 = arith.constant 0 : i32
      scf.yield %scan3A_162 : i32
    }
    %scan3A_7 = arith.constant 640 : i32
    %scan3A_8 = arith.constant 0 : i32
    %scan3A_9 = arith.constant 0 : i32
    %scan3A_10 = arith.constant 128 : i32
    %scan3A_11 = arith.addi %scan3A_9, %scan3A_10 : i32
    %scan3A_12 = arith.constant 1 : i32
    %scan3A_13 = scf.for %scan3A_157 = %scan3A_9 to %scan3A_11 step %scan3A_12 iter_args(%scan3A_158 = %scan3A_8) -> (i32)  : i32 {
      %swap3A = arith.index_cast %scan3A_157 : i32 to index
      %swap3A_159 = arith.constant 0 : index
      %swap3A_160 = tpu.vector_load %arg14[%swap3A, %swap3A_159] {strides = array<i32>} : memref<128x128xf32, #tpu.memory_space<vmem>>, vector<16xf32>,
      tpu.vector_store %arg14[%swap3A, %swap3A_159], %broadcast_in_dim3A_1 {strides = array<i32>} : memref<128x128xf32, #tpu.memory_space<vmem>>, vector<16xf32>,
      %swap3A_161 = arith.index_cast %scan3A_157 : i32 to index
      %swap3A_162 = arith.constant 16 : index
      %swap3A_163 = tpu.vector_load %arg14[%swap3A_161, %swap3A_162] {strides = array<i32>} : memref<128x128xf32, #tpu.memory_space<vmem>>, vector<16xf32>,
      tpu.vector_store %arg14[%swap3A_161, %swap3A_162], %broadcast_in_dim3A_1 {strides = array<i32>} : memref<128x128xf32, #tpu.memory_space<vmem>>, vector<16xf32>,
      %swap3A_164 = arith.index_cast %scan3A_157 : i32 to index
      %swap3A_165 = arith.constant 32 : index
      %swap3A_166 = tpu.vector_load %arg14[%swap3A_164, %swap3A_165] {strides = array<i32>} : memref<128x128xf32, #tpu.memory_space<vmem>>, vector<16xf32>,
      tpu.vector_store %arg14[%swap3A_164, %swap3A_165], %broadcast_in_dim3A_1 {strides = array<i32>} : memref<128x128xf32, #tpu.memory_space<vmem>>, vector<16xf32>,
      %swap3A_167 = arith.index_cast %scan3A_157 : i32 to index
      %swap3A_168 = arith.constant 48 : index
      %swap3A_169 = tpu.vector_load %arg14[%swap3A_167, %swap3A_168] {strides = array<i32>} : memref<128x128xf32, #tpu.memory_space<vmem>>, vector<16xf32>,
      tpu.vector_store %arg14[%swap3A_167, %swap3A_168], %broadcast_in_dim3A_1 {strides = array<i32>} : memref<128x128xf32, #tpu.memory_space<vmem>>, vector<16xf32>,
      %swap3A_170 = arith.index_cast %scan3A_157 : i32 to index
      %swap3A_171 = arith.constant 64 : index
      %swap3A_172 = tpu.vector_load %arg14[%swap3A_170, %swap3A_171] {strides = array<i32>} : memref<128x128xf32, #tpu.memory_space<vmem>>, vector<16xf32>,
      tpu.vector_store %arg14[%swap3A_170, %swap3A_171], %broadcast_in_dim3A_1 {strides = array<i32>} : memref<128x128xf32, #tpu.memory_space<vmem>>, vector<16xf32>,
      %swap3A_173 = arith.index_cast %scan3A_157 : i32 to index
      %swap3A_174 = arith.constant 80 : index
      %swap3A_175 = tpu.vector_load %arg14[%swap3A_173, %swap3A_174] {strides = array<i32>} : memref<128x128xf32, #tpu.memory_space<vmem>>, vector<16xf32>,
      tpu.vector_store %arg14[%swap3A_173, %swap3A_174], %broadcast_in_dim3A_1 {strides = array<i32>} : memref<128x128xf32, #tpu.memory_space<vmem>>, vector<16xf32>,
      %swap3A_176 = arith.index_cast %scan3A_157 : i32 to index
      %swap3A_177 = arith.constant 96 : index
      %swap3A_178 = tpu.vector_load %arg14[%swap3A_176, %swap3A_177] {strides = array<i32>} : memref<128x128xf32, #tpu.memory_space<vmem>>, vector<16xf32>,
      tpu.vector_store %arg14[%swap3A_176, %swap3A_177], %broadcast_in_dim3A_1 {strides = array<i32>} : memref<128x128xf32, #tpu.memory_space<vmem>>, vector<16xf32>,
      %swap3A_179 = arith.index_cast %scan3A_157 : i32 to index
      %swap3A_180 = arith.constant 112 : index
      %swap3A_181 = tpu.vector_load %arg14[%swap3A_179, %swap3A_180] {strides = array<i32>} : memref<128x128xf32, #tpu.memory_space<vmem>>, vector<16xf32>,
      tpu.vector_store %arg14[%swap3A_179, %swap3A_180], %broadcast_in_dim3A_1 {strides = array<i32>} : memref<128x128xf32, #tpu.memory_space<vmem>>, vector<16xf32>,
      %scan3A_182 = arith.constant 0 : i32
      scf.yield %scan3A_182 : i32
    }
    %scan3A_14 = arith.constant 128 : i32
    %mul3A_15 = arith.constant 640 : i32
    %mul3A_16 = arith.muli %arg1, %mul3A_15 : i32
    %add3A_17 = arith.constant 0 : i32
    %add3A_18 = arith.addi %mul3A_16, %add3A_17 : i32
    "tpu.region"() ({
      %run_scoped3A = tpu.sem_alloc : memref<!tpu.dma_semaphore, #tpu.memory_space<semaphore_mem>>
      %dma_start3A = arith.constant 0 : i32
      %dma_start3A_157 = tpu.memref_slice %arg16[%add3A_18, %dma_start3A] : memref<10240x128xf32, #tpu.memory_space<vmem_shared>> -> memref<128x128xf32, #tpu.memory_space<vmem_shared>>
      %dma_start3A_158 = arith.constant 0 : i32
      %dma_start3A_159 = tpu.memref_slice %arg16[%add3A_18, %dma_start3A_158] : memref<10240x128xf32, #tpu.memory_space<vmem_shared>> -> memref<128x128xf32, #tpu.memory_space<vmem_shared>>
      tpu.enqueue_dma source(%arg14 : memref<128x128xf32, #tpu.memory_space<vmem>>) target(%dma_start3A_159 : memref<128x128xf32, #tpu.memory_space<vmem_shared>>) target_semaphore(%run_scoped3A : memref<!tpu.dma_semaphore, #tpu.memory_space<semaphore_mem>>)
      %dma_wait3A = arith.constant 0 : i32
      %dma_wait3A_160 = tpu.memref_slice %arg16[%add3A_18, %dma_wait3A] : memref<10240x128xf32, #tpu.memory_space<vmem_shared>> -> memref<128x128xf32, #tpu.memory_space<vmem_shared>>
      %dma_wait3A_161 = arith.constant 0 : i32
      %dma_wait3A_162 = tpu.memref_slice %arg16[%add3A_18, %dma_wait3A_161] : memref<10240x128xf32, #tpu.memory_space<vmem_shared>> -> memref<128x128xf32, #tpu.memory_space<vmem_shared>>
      tpu.wait_dma2 semaphore(%run_scoped3A : memref<!tpu.dma_semaphore, #tpu.memory_space<semaphore_mem>>) src(%arg14 : memref<128x128xf32, #tpu.memory_space<vmem>>) dst(%dma_wait3A_162 : memref<128x128xf32, #tpu.memory_space<vmem_shared>>)
      tpu.yield
    }) : () -> ()
    %mul3A_19 = arith.constant 640 : i32
    %mul3A_20 = arith.muli %arg1, %mul3A_19 : i32
    %add3A_21 = arith.constant 128 : i32
    %add3A_22 = arith.addi %mul3A_20, %add3A_21 : i32
    "tpu.region"() ({
      %run_scoped3A = tpu.sem_alloc : memref<!tpu.dma_semaphore, #tpu.memory_space<semaphore_mem>>
      %dma_start3A = arith.constant 0 : i32
      %dma_start3A_157 = tpu.memref_slice %arg16[%add3A_22, %dma_start3A] : memref<10240x128xf32, #tpu.memory_space<vmem_shared>> -> memref<128x128xf32, #tpu.memory_space<vmem_shared>>
      %dma_start3A_158 = arith.constant 0 : i32
      %dma_start3A_159 = tpu.memref_slice %arg16[%add3A_22, %dma_start3A_158] : memref<10240x128xf32, #tpu.memory_space<vmem_shared>> -> memref<128x128xf32, #tpu.memory_space<vmem_shared>>
      tpu.enqueue_dma source(%arg14 : memref<128x128xf32, #tpu.memory_space<vmem>>) target(%dma_start3A_159 : memref<128x128xf32, #tpu.memory_space<vmem_shared>>) target_semaphore(%run_scoped3A : memref<!tpu.dma_semaphore, #tpu.memory_space<semaphore_mem>>)
      %dma_wait3A = arith.constant 0 : i32
      %dma_wait3A_160 = tpu.memref_slice %arg16[%add3A_22, %dma_wait3A] : memref<10240x128xf32, #tpu.memory_space<vmem_shared>> -> memref<128x128xf32, #tpu.memory_space<vmem_shared>>
      %dma_wait3A_161 = arith.constant 0 : i32
      %dma_wait3A_162 = tpu.memref_slice %arg16[%add3A_22, %dma_wait3A_161] : memref<10240x128xf32, #tpu.memory_space<vmem_shared>> -> memref<128x128xf32, #tpu.memory_space<vmem_shared>>
      tpu.wait_dma2 semaphore(%run_scoped3A : memref<!tpu.dma_semaphore, #tpu.memory_space<semaphore_mem>>) src(%arg14 : memref<128x128xf32, #tpu.memory_space<vmem>>) dst(%dma_wait3A_162 : memref<128x128xf32, #tpu.memory_space<vmem_shared>>)
      tpu.yield
    }) : () -> ()
    %mul3A_23 = arith.constant 640 : i32
    %mul3A_24 = arith.muli %arg1, %mul3A_23 : i32
    %add3A_25 = arith.constant 256 : i32
    %add3A_26 = arith.addi %mul3A_24, %add3A_25 : i32
    "tpu.region"() ({
      %run_scoped3A = tpu.sem_alloc : memref<!tpu.dma_semaphore, #tpu.memory_space<semaphore_mem>>
      %dma_start3A = arith.constant 0 : i32
      %dma_start3A_157 = tpu.memref_slice %arg16[%add3A_26, %dma_start3A] : memref<10240x128xf32, #tpu.memory_space<vmem_shared>> -> memref<128x128xf32, #tpu.memory_space<vmem_shared>>
      %dma_start3A_158 = arith.constant 0 : i32
      %dma_start3A_159 = tpu.memref_slice %arg16[%add3A_26, %dma_start3A_158] : memref<10240x128xf32, #tpu.memory_space<vmem_shared>> -> memref<128x128xf32, #tpu.memory_space<vmem_shared>>
      tpu.enqueue_dma source(%arg14 : memref<128x128xf32, #tpu.memory_space<vmem>>) target(%dma_start3A_159 : memref<128x128xf32, #tpu.memory_space<vmem_shared>>) target_semaphore(%run_scoped3A : memref<!tpu.dma_semaphore, #tpu.memory_space<semaphore_mem>>)
      %dma_wait3A = arith.constant 0 : i32
      %dma_wait3A_160 = tpu.memref_slice %arg16[%add3A_26, %dma_wait3A] : memref<10240x128xf32, #tpu.memory_space<vmem_shared>> -> memref<128x128xf32, #tpu.memory_space<vmem_shared>>
      %dma_wait3A_161 = arith.constant 0 : i32
      %dma_wait3A_162 = tpu.memref_slice %arg16[%add3A_26, %dma_wait3A_161] : memref<10240x128xf32, #tpu.memory_space<vmem_shared>> -> memref<128x128xf32, #tpu.memory_space<vmem_shared>>
      tpu.wait_dma2 semaphore(%run_scoped3A : memref<!tpu.dma_semaphore, #tpu.memory_space<semaphore_mem>>) src(%arg14 : memref<128x128xf32, #tpu.memory_space<vmem>>) dst(%dma_wait3A_162 : memref<128x128xf32, #tpu.memory_space<vmem_shared>>)
      tpu.yield
    }) : () -> ()
    %mul3A_27 = arith.constant 640 : i32
    %mul3A_28 = arith.muli %arg1, %mul3A_27 : i32
    %add3A_29 = arith.constant 384 : i32
    %add3A_30 = arith.addi %mul3A_28, %add3A_29 : i32
    "tpu.region"() ({
      %run_scoped3A = tpu.sem_alloc : memref<!tpu.dma_semaphore, #tpu.memory_space<semaphore_mem>>
      %dma_start3A = arith.constant 0 : i32
      %dma_start3A_157 = tpu.memref_slice %arg16[%add3A_30, %dma_start3A] : memref<10240x128xf32, #tpu.memory_space<vmem_shared>> -> memref<128x128xf32, #tpu.memory_space<vmem_shared>>
      %dma_start3A_158 = arith.constant 0 : i32
      %dma_start3A_159 = tpu.memref_slice %arg16[%add3A_30, %dma_start3A_158] : memref<10240x128xf32, #tpu.memory_space<vmem_shared>> -> memref<128x128xf32, #tpu.memory_space<vmem_shared>>
      tpu.enqueue_dma source(%arg14 : memref<128x128xf32, #tpu.memory_space<vmem>>) target(%dma_start3A_159 : memref<128x128xf32, #tpu.memory_space<vmem_shared>>) target_semaphore(%run_scoped3A : memref<!tpu.dma_semaphore, #tpu.memory_space<semaphore_mem>>)
      %dma_wait3A = arith.constant 0 : i32
      %dma_wait3A_160 = tpu.memref_slice %arg16[%add3A_30, %dma_wait3A] : memref<10240x128xf32, #tpu.memory_space<vmem_shared>> -> memref<128x128xf32, #tpu.memory_space<vmem_shared>>
      %dma_wait3A_161 = arith.constant 0 : i32
      %dma_wait3A_162 = tpu.memref_slice %arg16[%add3A_30, %dma_wait3A_161] : memref<10240x128xf32, #tpu.memory_space<vmem_shared>> -> memref<128x128xf32, #tpu.memory_space<vmem_shared>>
      tpu.wait_dma2 semaphore(%run_scoped3A : memref<!tpu.dma_semaphore, #tpu.memory_space<semaphore_mem>>) src(%arg14 : memref<128x128xf32, #tpu.memory_space<vmem>>) dst(%dma_wait3A_162 : memref<128x128xf32, #tpu.memory_space<vmem_shared>>)
      tpu.yield
    }) : () -> ()
    %mul3A_31 = arith.constant 640 : i32
    %mul3A_32 = arith.muli %arg1, %mul3A_31 : i32
    %add3A_33 = arith.constant 512 : i32
    %add3A_34 = arith.addi %mul3A_32, %add3A_33 : i32
    "tpu.region"() ({
      %run_scoped3A = tpu.sem_alloc : memref<!tpu.dma_semaphore, #tpu.memory_space<semaphore_mem>>
      %dma_start3A = arith.constant 0 : i32
      %dma_start3A_157 = tpu.memref_slice %arg16[%add3A_34, %dma_start3A] : memref<10240x128xf32, #tpu.memory_space<vmem_shared>> -> memref<128x128xf32, #tpu.memory_space<vmem_shared>>
      %dma_start3A_158 = arith.constant 0 : i32
      %dma_start3A_159 = tpu.memref_slice %arg16[%add3A_34, %dma_start3A_158] : memref<10240x128xf32, #tpu.memory_space<vmem_shared>> -> memref<128x128xf32, #tpu.memory_space<vmem_shared>>
      tpu.enqueue_dma source(%arg14 : memref<128x128xf32, #tpu.memory_space<vmem>>) target(%dma_start3A_159 : memref<128x128xf32, #tpu.memory_space<vmem_shared>>) target_semaphore(%run_scoped3A : memref<!tpu.dma_semaphore, #tpu.memory_space<semaphore_mem>>)
      %dma_wait3A = arith.constant 0 : i32
      %dma_wait3A_160 = tpu.memref_slice %arg16[%add3A_34, %dma_wait3A] : memref<10240x128xf32, #tpu.memory_space<vmem_shared>> -> memref<128x128xf32, #tpu.memory_space<vmem_shared>>
      %dma_wait3A_161 = arith.constant 0 : i32
      %dma_wait3A_162 = tpu.memref_slice %arg16[%add3A_34, %dma_wait3A_161] : memref<10240x128xf32, #tpu.memory_space<vmem_shared>> -> memref<128x128xf32, #tpu.memory_space<vmem_shared>>
      tpu.wait_dma2 semaphore(%run_scoped3A : memref<!tpu.dma_semaphore, #tpu.memory_space<semaphore_mem>>) src(%arg14 : memref<128x128xf32, #tpu.memory_space<vmem>>) dst(%dma_wait3A_162 : memref<128x128xf32, #tpu.memory_space<vmem_shared>>)
      tpu.yield
    }) : () -> ()
    %barrier3A = arith.constant 0 : index
    tpu.barrier barrier_id(%barrier3A)
    %broadcast_in_dim3A_35 = arith.constant 0xFF800000 : f32
    %broadcast_in_dim3A_36 = vector.broadcast %broadcast_in_dim3A_35 : f32 to vector<16xf32>
    %scan3A_37 = arith.constant 0 : i32
    %scan3A_38 = arith.constant 640 : i32
    %scan3A_39 = arith.addi %scan3A_37, %scan3A_38 : i32
    %scan3A_40 = arith.constant 1 : i32
    %scan3A_41 = scf.for %scan3A_157 = %scan3A_37 to %scan3A_39 step %scan3A_40 iter_args(%scan3A_158 = %broadcast_in_dim3A_36) -> (vector<16xf32>)  : i32 {
      %mul3A_159 = arith.constant 16 : i32
      %mul3A_160 = arith.muli %scan3A_157, %mul3A_159 : i32
      %get3A = arith.index_cast %mul3A_160 : i32 to index
      %get3A_161 = tpu.vector_load %arg9[%get3A] {strides = array<i32>} : memref<10240xf32, #tpu.memory_space<vmem>>, vector<16xf32>,
      %max3A_162 = arith.maximumf %scan3A_158, %get3A_161 : vector<16xf32>
      scf.yield %max3A_162 : vector<16xf32>
    }
    %scan3A_42 = arith.constant 640 : i32
    %slice3A = vector.extract_strided_slice %scan3A_41 {offsets = [0], sizes = [1], strides = [1]} : vector<16xf32> to vector<1xf32>
    %squeeze3A = vector.extract %slice3A[0] : f32 from vector<1xf32>
    %slice3A_43 = vector.extract_strided_slice %scan3A_41 {offsets = [1], sizes = [1], strides = [1]} : vector<16xf32> to vector<1xf32>
    %squeeze3A_44 = vector.extract %slice3A_43[0] : f32 from vector<1xf32>
    %max3A = arith.maximumf %squeeze3A, %squeeze3A_44 : f32
    %slice3A_45 = vector.extract_strided_slice %scan3A_41 {offsets = [2], sizes = [1], strides = [1]} : vector<16xf32> to vector<1xf32>
    %squeeze3A_46 = vector.extract %slice3A_45[0] : f32 from vector<1xf32>
    %max3A_47 = arith.maximumf %max3A, %squeeze3A_46 : f32
    %slice3A_48 = vector.extract_strided_slice %scan3A_41 {offsets = [3], sizes = [1], strides = [1]} : vector<16xf32> to vector<1xf32>
    %squeeze3A_49 = vector.extract %slice3A_48[0] : f32 from vector<1xf32>
    %max3A_50 = arith.maximumf %max3A_47, %squeeze3A_49 : f32
    %slice3A_51 = vector.extract_strided_slice %scan3A_41 {offsets = [4], sizes = [1], strides = [1]} : vector<16xf32> to vector<1xf32>
    %squeeze3A_52 = vector.extract %slice3A_51[0] : f32 from vector<1xf32>
    %max3A_53 = arith.maximumf %max3A_50, %squeeze3A_52 : f32
    %slice3A_54 = vector.extract_strided_slice %scan3A_41 {offsets = [5], sizes = [1], strides = [1]} : vector<16xf32> to vector<1xf32>
    %squeeze3A_55 = vector.extract %slice3A_54[0] : f32 from vector<1xf32>
    %max3A_56 = arith.maximumf %max3A_53, %squeeze3A_55 : f32
    %slice3A_57 = vector.extract_strided_slice %scan3A_41 {offsets = [6], sizes = [1], strides = [1]} : vector<16xf32> to vector<1xf32>
    %squeeze3A_58 = vector.extract %slice3A_57[0] : f32 from vector<1xf32>
    %max3A_59 = arith.maximumf %max3A_56, %squeeze3A_58 : f32
    %slice3A_60 = vector.extract_strided_slice %scan3A_41 {offsets = [7], sizes = [1], strides = [1]} : vector<16xf32> to vector<1xf32>
    %squeeze3A_61 = vector.extract %slice3A_60[0] : f32 from vector<1xf32>
    %max3A_62 = arith.maximumf %max3A_59, %squeeze3A_61 : f32
    %slice3A_63 = vector.extract_strided_slice %scan3A_41 {offsets = [8], sizes = [1], strides = [1]} : vector<16xf32> to vector<1xf32>
    %squeeze3A_64 = vector.extract %slice3A_63[0] : f32 from vector<1xf32>
    %max3A_65 = arith.maximumf %max3A_62, %squeeze3A_64 : f32
    %slice3A_66 = vector.extract_strided_slice %scan3A_41 {offsets = [9], sizes = [1], strides = [1]} : vector<16xf32> to vector<1xf32>
    %squeeze3A_67 = vector.extract %slice3A_66[0] : f32 from vector<1xf32>
    %max3A_68 = arith.maximumf %max3A_65, %squeeze3A_67 : f32
    %slice3A_69 = vector.extract_strided_slice %scan3A_41 {offsets = [10], sizes = [1], strides = [1]} : vector<16xf32> to vector<1xf32>
    %squeeze3A_70 = vector.extract %slice3A_69[0] : f32 from vector<1xf32>
    %max3A_71 = arith.maximumf %max3A_68, %squeeze3A_70 : f32
    %slice3A_72 = vector.extract_strided_slice %scan3A_41 {offsets = [11], sizes = [1], strides = [1]} : vector<16xf32> to vector<1xf32>
    %squeeze3A_73 = vector.extract %slice3A_72[0] : f32 from vector<1xf32>
    %max3A_74 = arith.maximumf %max3A_71, %squeeze3A_73 : f32
    %slice3A_75 = vector.extract_strided_slice %scan3A_41 {offsets = [12], sizes = [1], strides = [1]} : vector<16xf32> to vector<1xf32>
    %squeeze3A_76 = vector.extract %slice3A_75[0] : f32 from vector<1xf32>
    %max3A_77 = arith.maximumf %max3A_74, %squeeze3A_76 : f32
    %slice3A_78 = vector.extract_strided_slice %scan3A_41 {offsets = [13], sizes = [1], strides = [1]} : vector<16xf32> to vector<1xf32>
    %squeeze3A_79 = vector.extract %slice3A_78[0] : f32 from vector<1xf32>
    %max3A_80 = arith.maximumf %max3A_77, %squeeze3A_79 : f32
    %slice3A_81 = vector.extract_strided_slice %scan3A_41 {offsets = [14], sizes = [1], strides = [1]} : vector<16xf32> to vector<1xf32>
    %squeeze3A_82 = vector.extract %slice3A_81[0] : f32 from vector<1xf32>
    %max3A_83 = arith.maximumf %max3A_80, %squeeze3A_82 : f32
    %slice3A_84 = vector.extract_strided_slice %scan3A_41 {offsets = [15], sizes = [1], strides = [1]} : vector<16xf32> to vector<1xf32>
    %squeeze3A_85 = vector.extract %slice3A_84[0] : f32 from vector<1xf32>
    %max3A_86 = arith.maximumf %max3A_83, %squeeze3A_85 : f32
    %broadcast_in_dim3A_87 = arith.constant 0xFF800000 : f32
    %broadcast_in_dim3A_88 = vector.broadcast %broadcast_in_dim3A_87 : f32 to vector<16xf32>
    %scan3A_89 = arith.constant 0 : i32
    %scan3A_90 = arith.constant 640 : i32
    %scan3A_91 = arith.addi %scan3A_89, %scan3A_90 : i32
    %scan3A_92 = arith.constant 1 : i32
    %scan3A_93 = scf.for %scan3A_157 = %scan3A_89 to %scan3A_91 step %scan3A_92 iter_args(%scan3A_158 = %broadcast_in_dim3A_88) -> (vector<16xf32>)  : i32 {
      %mul3A_159 = arith.constant 16 : i32
      %mul3A_160 = arith.muli %scan3A_157, %mul3A_159 : i32
      %get3A = arith.index_cast %mul3A_160 : i32 to index
      %get3A_161 = tpu.vector_load %arg10[%get3A] {strides = array<i32>} : memref<10240xf32, #tpu.memory_space<vmem>>, vector<16xf32>,
      %max3A_162 = arith.maximumf %scan3A_158, %get3A_161 : vector<16xf32>
      scf.yield %max3A_162 : vector<16xf32>
    }
    %scan3A_94 = arith.constant 640 : i32
    %slice3A_95 = vector.extract_strided_slice %scan3A_93 {offsets = [0], sizes = [1], strides = [1]} : vector<16xf32> to vector<1xf32>
    %squeeze3A_96 = vector.extract %slice3A_95[0] : f32 from vector<1xf32>
    %slice3A_97 = vector.extract_strided_slice %scan3A_93 {offsets = [1], sizes = [1], strides = [1]} : vector<16xf32> to vector<1xf32>
    %squeeze3A_98 = vector.extract %slice3A_97[0] : f32 from vector<1xf32>
    %max3A_99 = arith.maximumf %squeeze3A_96, %squeeze3A_98 : f32
    %slice3A_100 = vector.extract_strided_slice %scan3A_93 {offsets = [2], sizes = [1], strides = [1]} : vector<16xf32> to vector<1xf32>
    %squeeze3A_101 = vector.extract %slice3A_100[0] : f32 from vector<1xf32>
    %max3A_102 = arith.maximumf %max3A_99, %squeeze3A_101 : f32
    %slice3A_103 = vector.extract_strided_slice %scan3A_93 {offsets = [3], sizes = [1], strides = [1]} : vector<16xf32> to vector<1xf32>
    %squeeze3A_104 = vector.extract %slice3A_103[0] : f32 from vector<1xf32>
    %max3A_105 = arith.maximumf %max3A_102, %squeeze3A_104 : f32
    %slice3A_106 = vector.extract_strided_slice %scan3A_93 {offsets = [4], sizes = [1], strides = [1]} : vector<16xf32> to vector<1xf32>
    %squeeze3A_107 = vector.extract %slice3A_106[0] : f32 from vector<1xf32>
    %max3A_108 = arith.maximumf %max3A_105, %squeeze3A_107 : f32
    %slice3A_109 = vector.extract_strided_slice %scan3A_93 {offsets = [5], sizes = [1], strides = [1]} : vector<16xf32> to vector<1xf32>
    %squeeze3A_110 = vector.extract %slice3A_109[0] : f32 from vector<1xf32>
    %max3A_111 = arith.maximumf %max3A_108, %squeeze3A_110 : f32
    %slice3A_112 = vector.extract_strided_slice %scan3A_93 {offsets = [6], sizes = [1], strides = [1]} : vector<16xf32> to vector<1xf32>
    %squeeze3A_113 = vector.extract %slice3A_112[0] : f32 from vector<1xf32>
    %max3A_114 = arith.maximumf %max3A_111, %squeeze3A_113 : f32
    %slice3A_115 = vector.extract_strided_slice %scan3A_93 {offsets = [7], sizes = [1], strides = [1]} : vector<16xf32> to vector<1xf32>
    %squeeze3A_116 = vector.extract %slice3A_115[0] : f32 from vector<1xf32>
    %max3A_117 = arith.maximumf %max3A_114, %squeeze3A_116 : f32
    %slice3A_118 = vector.extract_strided_slice %scan3A_93 {offsets = [8], sizes = [1], strides = [1]} : vector<16xf32> to vector<1xf32>
    %squeeze3A_119 = vector.extract %slice3A_118[0] : f32 from vector<1xf32>
    %max3A_120 = arith.maximumf %max3A_117, %squeeze3A_119 : f32
    %slice3A_121 = vector.extract_strided_slice %scan3A_93 {offsets = [9], sizes = [1], strides = [1]} : vector<16xf32> to vector<1xf32>
    %squeeze3A_122 = vector.extract %slice3A_121[0] : f32 from vector<1xf32>
    %max3A_123 = arith.maximumf %max3A_120, %squeeze3A_122 : f32
    %slice3A_124 = vector.extract_strided_slice %scan3A_93 {offsets = [10], sizes = [1], strides = [1]} : vector<16xf32> to vector<1xf32>
    %squeeze3A_125 = vector.extract %slice3A_124[0] : f32 from vector<1xf32>
    %max3A_126 = arith.maximumf %max3A_123, %squeeze3A_125 : f32
    %slice3A_127 = vector.extract_strided_slice %scan3A_93 {offsets = [11], sizes = [1], strides = [1]} : vector<16xf32> to vector<1xf32>
    %squeeze3A_128 = vector.extract %slice3A_127[0] : f32 from vector<1xf32>
    %max3A_129 = arith.maximumf %max3A_126, %squeeze3A_128 : f32
    %slice3A_130 = vector.extract_strided_slice %scan3A_93 {offsets = [12], sizes = [1], strides = [1]} : vector<16xf32> to vector<1xf32>
    %squeeze3A_131 = vector.extract %slice3A_130[0] : f32 from vector<1xf32>
    %max3A_132 = arith.maximumf %max3A_129, %squeeze3A_131 : f32
    %slice3A_133 = vector.extract_strided_slice %scan3A_93 {offsets = [13], sizes = [1], strides = [1]} : vector<16xf32> to vector<1xf32>
    %squeeze3A_134 = vector.extract %slice3A_133[0] : f32 from vector<1xf32>
    %max3A_135 = arith.maximumf %max3A_132, %squeeze3A_134 : f32
    %slice3A_136 = vector.extract_strided_slice %scan3A_93 {offsets = [14], sizes = [1], strides = [1]} : vector<16xf32> to vector<1xf32>
    %squeeze3A_137 = vector.extract %slice3A_136[0] : f32 from vector<1xf32>
    %max3A_138 = arith.maximumf %max3A_135, %squeeze3A_137 : f32
    %slice3A_139 = vector.extract_strided_slice %scan3A_93 {offsets = [15], sizes = [1], strides = [1]} : vector<16xf32> to vector<1xf32>
    %squeeze3A_140 = vector.extract %slice3A_139[0] : f32 from vector<1xf32>
    %max3A_141 = arith.maximumf %max3A_138, %squeeze3A_140 : f32
    %add3A_142 = arith.addf %max3A_86, %max3A_141 : f32
    %mul3A_143 = arith.constant 10112 : i32
    %mul3A_144 = arith.muli %add3A, %mul3A_143 : i32
    %scan3A_145 = arith.constant 0 : i32
    %scan3A_146 = arith.constant 0 : i32
    %scan3A_147 = arith.constant 79 : i32
    %scan3A_148 = arith.addi %scan3A_146, %scan3A_147 : i32
    %scan3A_149 = arith.constant 1 : i32
    %scan3A_150 = scf.for %scan3A_157 = %scan3A_146 to %scan3A_148 step %scan3A_149 iter_args(%scan3A_158 = %scan3A_145) -> (i32)  : i32 {
      %mul3A_159 = arith.constant 128 : i32
      %mul3A_160 = arith.muli %scan3A_157, %mul3A_159 : i32
      %add3A_161 = arith.addi %mul3A_144, %mul3A_160 : i32
      "tpu.region"() ({
        %run_scoped3A = tpu.sem_alloc : memref<!tpu.dma_semaphore, #tpu.memory_space<semaphore_mem>>
        %dma_start3A = tpu.memref_slice %arg5[%add3A_161] : memref<323584xi32, #tpu.memory_space<hbm>> -> memref<128xi32, #tpu.memory_space<hbm>>
        %dma_start3A_310 = tpu.memref_slice %arg5[%add3A_161] : memref<323584xi32, #tpu.memory_space<hbm>> -> memref<128xi32, #tpu.memory_space<hbm>>
        tpu.enqueue_dma source(%dma_start3A_310 : memref<128xi32, #tpu.memory_space<hbm>>) target(%arg11 : memref<128xi32, #tpu.memory_space<vmem>>) target_semaphore(%run_scoped3A : memref<!tpu.dma_semaphore, #tpu.memory_space<semaphore_mem>>)
        %dma_wait3A = tpu.memref_slice %arg5[%add3A_161] : memref<323584xi32, #tpu.memory_space<hbm>> -> memref<128xi32, #tpu.memory_space<hbm>>
        %dma_wait3A_311 = tpu.memref_slice %arg5[%add3A_161] : memref<323584xi32, #tpu.memory_space<hbm>> -> memref<128xi32, #tpu.memory_space<hbm>>
        tpu.wait_dma2 semaphore(%run_scoped3A : memref<!tpu.dma_semaphore, #tpu.memory_space<semaphore_mem>>) src(%dma_wait3A_311 : memref<128xi32, #tpu.memory_space<hbm>>) dst(%arg11 : memref<128xi32, #tpu.memory_space<vmem>>)
        tpu.yield
      }) : () -> ()
      "tpu.region"() ({
        %run_scoped3A = tpu.sem_alloc : memref<!tpu.dma_semaphore, #tpu.memory_space<semaphore_mem>>
        %dma_start3A = tpu.memref_slice %arg6[%add3A_161] : memref<323584xi32, #tpu.memory_space<hbm>> -> memref<128xi32, #tpu.memory_space<hbm>>
        %dma_start3A_310 = tpu.memref_slice %arg6[%add3A_161] : memref<323584xi32, #tpu.memory_space<hbm>> -> memref<128xi32, #tpu.memory_space<hbm>>
        tpu.enqueue_dma source(%dma_start3A_310 : memref<128xi32, #tpu.memory_space<hbm>>) target(%arg12 : memref<128xi32, #tpu.memory_space<vmem>>) target_semaphore(%run_scoped3A : memref<!tpu.dma_semaphore, #tpu.memory_space<semaphore_mem>>)
        %dma_wait3A = tpu.memref_slice %arg6[%add3A_161] : memref<323584xi32, #tpu.memory_space<hbm>> -> memref<128xi32, #tpu.memory_space<hbm>>
        %dma_wait3A_311 = tpu.memref_slice %arg6[%add3A_161] : memref<323584xi32, #tpu.memory_space<hbm>> -> memref<128xi32, #tpu.memory_space<hbm>>
        tpu.wait_dma2 semaphore(%run_scoped3A : memref<!tpu.dma_semaphore, #tpu.memory_space<semaphore_mem>>) src(%dma_wait3A_311 : memref<128xi32, #tpu.memory_space<hbm>>) dst(%arg12 : memref<128xi32, #tpu.memory_space<vmem>>)
        tpu.yield
      }) : () -> ()
      %get3A = arith.constant 0 : index
      %get3A_162 = tpu.vector_load %arg11[%get3A] {strides = array<i32>} : memref<128xi32, #tpu.memory_space<vmem>>, vector<16xi32>,
      %get3A_163 = arith.constant 0 : index
      %get3A_164 = tpu.vector_load %arg12[%get3A_163] {strides = array<i32>} : memref<128xi32, #tpu.memory_space<vmem>>, vector<16xi32>,
      %gather3A = tpu.vector_load_idx %arg9[%get3A_162] : memref<10240xf32, #tpu.memory_space<vmem>>[vector<16xi32>], vector<16xf32>,
      %gather3A_165 = tpu.vector_load_idx %arg10[%get3A_164] : memref<10240xf32, #tpu.memory_space<vmem>>[vector<16xi32>], vector<16xf32>,
      %add3A_166 = arith.addf %gather3A, %gather3A_165 : vector<16xf32>
      %gt3A = arith.constant 0.000000e+00 : f32
      %gt3A_167 = vector.broadcast %gt3A : f32 to vector<16xf32>
      %gt3A_168 = arith.cmpf ogt, %add3A_166, %gt3A_167 : vector<16xf32>
      %mul3A_169 = arith.constant 2.000000e-01 : f32
      %mul3A_170 = vector.broadcast %mul3A_169 : f32 to vector<16xf32>
      %mul3A_171 = arith.mulf %mul3A_170, %add3A_166 : vector<16xf32>
      %select_n3A = arith.select %gt3A_168, %add3A_166, %mul3A_171 : vector<16xi1>, vector<16xf32>
      %sub3A = vector.broadcast %add3A_142 : f32 to vector<16xf32>
      %sub3A_172 = arith.subf %select_n3A, %sub3A : vector<16xf32>
      %exp3A = math.exp %sub3A_172 : vector<16xf32>
      %swap3A = arith.constant 0 : index
      %swap3A_173 = tpu.vector_load %arg13[%swap3A] {strides = array<i32>} : memref<128xf32, #tpu.memory_space<vmem>>, vector<16xf32>,
      tpu.vector_store %arg13[%swap3A], %exp3A {strides = array<i32>} : memref<128xf32, #tpu.memory_space<vmem>>, vector<16xf32>,
      tpu.vector_store_idx %arg15[%get3A_164], %exp3A {add = true} : memref<10240xf32, #tpu.memory_space<vmem>>[vector<16xi32>], vector<16xf32>,
      %get3A_174 = arith.constant 16 : index
      %get3A_175 = tpu.vector_load %arg11[%get3A_174] {strides = array<i32>} : memref<128xi32, #tpu.memory_space<vmem>>, vector<16xi32>,
      %get3A_176 = arith.constant 16 : index
      %get3A_177 = tpu.vector_load %arg12[%get3A_176] {strides = array<i32>} : memref<128xi32, #tpu.memory_space<vmem>>, vector<16xi32>,
      %gather3A_178 = tpu.vector_load_idx %arg9[%get3A_175] : memref<10240xf32, #tpu.memory_space<vmem>>[vector<16xi32>], vector<16xf32>,
      %gather3A_179 = tpu.vector_load_idx %arg10[%get3A_177] : memref<10240xf32, #tpu.memory_space<vmem>>[vector<16xi32>], vector<16xf32>,
      %add3A_180 = arith.addf %gather3A_178, %gather3A_179 : vector<16xf32>
      %gt3A_181 = arith.constant 0.000000e+00 : f32
      %gt3A_182 = vector.broadcast %gt3A_181 : f32 to vector<16xf32>
      %gt3A_183 = arith.cmpf ogt, %add3A_180, %gt3A_182 : vector<16xf32>
      %mul3A_184 = arith.constant 2.000000e-01 : f32
      %mul3A_185 = vector.broadcast %mul3A_184 : f32 to vector<16xf32>
      %mul3A_186 = arith.mulf %mul3A_185, %add3A_180 : vector<16xf32>
      %select_n3A_187 = arith.select %gt3A_183, %add3A_180, %mul3A_186 : vector<16xi1>, vector<16xf32>
      %sub3A_188 = vector.broadcast %add3A_142 : f32 to vector<16xf32>
      %sub3A_189 = arith.subf %select_n3A_187, %sub3A_188 : vector<16xf32>
      %exp3A_190 = math.exp %sub3A_189 : vector<16xf32>
      %swap3A_191 = arith.constant 16 : index
      %swap3A_192 = tpu.vector_load %arg13[%swap3A_191] {strides = array<i32>} : memref<128xf32, #tpu.memory_space<vmem>>, vector<16xf32>,
      tpu.vector_store %arg13[%swap3A_191], %exp3A_190 {strides = array<i32>} : memref<128xf32, #tpu.memory_space<vmem>>, vector<16xf32>,
      tpu.vector_store_idx %arg15[%get3A_177], %exp3A_190 {add = true} : memref<10240xf32, #tpu.memory_space<vmem>>[vector<16xi32>], vector<16xf32>,
      %get3A_193 = arith.constant 32 : index
      %get3A_194 = tpu.vector_load %arg11[%get3A_193] {strides = array<i32>} : memref<128xi32, #tpu.memory_space<vmem>>, vector<16xi32>,
      %get3A_195 = arith.constant 32 : index
      %get3A_196 = tpu.vector_load %arg12[%get3A_195] {strides = array<i32>} : memref<128xi32, #tpu.memory_space<vmem>>, vector<16xi32>,
      %gather3A_197 = tpu.vector_load_idx %arg9[%get3A_194] : memref<10240xf32, #tpu.memory_space<vmem>>[vector<16xi32>], vector<16xf32>,
      %gather3A_198 = tpu.vector_load_idx %arg10[%get3A_196] : memref<10240xf32, #tpu.memory_space<vmem>>[vector<16xi32>], vector<16xf32>,
      %add3A_199 = arith.addf %gather3A_197, %gather3A_198 : vector<16xf32>
      %gt3A_200 = arith.constant 0.000000e+00 : f32
      %gt3A_201 = vector.broadcast %gt3A_200 : f32 to vector<16xf32>
      %gt3A_202 = arith.cmpf ogt, %add3A_199, %gt3A_201 : vector<16xf32>
      %mul3A_203 = arith.constant 2.000000e-01 : f32
      %mul3A_204 = vector.broadcast %mul3A_203 : f32 to vector<16xf32>
      %mul3A_205 = arith.mulf %mul3A_204, %add3A_199 : vector<16xf32>
      %select_n3A_206 = arith.select %gt3A_202, %add3A_199, %mul3A_205 : vector<16xi1>, vector<16xf32>
      %sub3A_207 = vector.broadcast %add3A_142 : f32 to vector<16xf32>
      %sub3A_208 = arith.subf %select_n3A_206, %sub3A_207 : vector<16xf32>
      %exp3A_209 = math.exp %sub3A_208 : vector<16xf32>
      %swap3A_210 = arith.constant 32 : index
      %swap3A_211 = tpu.vector_load %arg13[%swap3A_210] {strides = array<i32>} : memref<128xf32, #tpu.memory_space<vmem>>, vector<16xf32>,
      tpu.vector_store %arg13[%swap3A_210], %exp3A_209 {strides = array<i32>} : memref<128xf32, #tpu.memory_space<vmem>>, vector<16xf32>,
      tpu.vector_store_idx %arg15[%get3A_196], %exp3A_209 {add = true} : memref<10240xf32, #tpu.memory_space<vmem>>[vector<16xi32>], vector<16xf32>,
      %get3A_212 = arith.constant 48 : index
      %get3A_213 = tpu.vector_load %arg11[%get3A_212] {strides = array<i32>} : memref<128xi32, #tpu.memory_space<vmem>>, vector<16xi32>,
      %get3A_214 = arith.constant 48 : index
      %get3A_215 = tpu.vector_load %arg12[%get3A_214] {strides = array<i32>} : memref<128xi32, #tpu.memory_space<vmem>>, vector<16xi32>,
      %gather3A_216 = tpu.vector_load_idx %arg9[%get3A_213] : memref<10240xf32, #tpu.memory_space<vmem>>[vector<16xi32>], vector<16xf32>,
      %gather3A_217 = tpu.vector_load_idx %arg10[%get3A_215] : memref<10240xf32, #tpu.memory_space<vmem>>[vector<16xi32>], vector<16xf32>,
      %add3A_218 = arith.addf %gather3A_216, %gather3A_217 : vector<16xf32>
      %gt3A_219 = arith.constant 0.000000e+00 : f32
      %gt3A_220 = vector.broadcast %gt3A_219 : f32 to vector<16xf32>
      %gt3A_221 = arith.cmpf ogt, %add3A_218, %gt3A_220 : vector<16xf32>
      %mul3A_222 = arith.constant 2.000000e-01 : f32
      %mul3A_223 = vector.broadcast %mul3A_222 : f32 to vector<16xf32>
      %mul3A_224 = arith.mulf %mul3A_223, %add3A_218 : vector<16xf32>
      %select_n3A_225 = arith.select %gt3A_221, %add3A_218, %mul3A_224 : vector<16xi1>, vector<16xf32>
      %sub3A_226 = vector.broadcast %add3A_142 : f32 to vector<16xf32>
      %sub3A_227 = arith.subf %select_n3A_225, %sub3A_226 : vector<16xf32>
      %exp3A_228 = math.exp %sub3A_227 : vector<16xf32>
      %swap3A_229 = arith.constant 48 : index
      %swap3A_230 = tpu.vector_load %arg13[%swap3A_229] {strides = array<i32>} : memref<128xf32, #tpu.memory_space<vmem>>, vector<16xf32>,
      tpu.vector_store %arg13[%swap3A_229], %exp3A_228 {strides = array<i32>} : memref<128xf32, #tpu.memory_space<vmem>>, vector<16xf32>,
      tpu.vector_store_idx %arg15[%get3A_215], %exp3A_228 {add = true} : memref<10240xf32, #tpu.memory_space<vmem>>[vector<16xi32>], vector<16xf32>,
      %get3A_231 = arith.constant 64 : index
      %get3A_232 = tpu.vector_load %arg11[%get3A_231] {strides = array<i32>} : memref<128xi32, #tpu.memory_space<vmem>>, vector<16xi32>,
      %get3A_233 = arith.constant 64 : index
      %get3A_234 = tpu.vector_load %arg12[%get3A_233] {strides = array<i32>} : memref<128xi32, #tpu.memory_space<vmem>>, vector<16xi32>,
      %gather3A_235 = tpu.vector_load_idx %arg9[%get3A_232] : memref<10240xf32, #tpu.memory_space<vmem>>[vector<16xi32>], vector<16xf32>,
      %gather3A_236 = tpu.vector_load_idx %arg10[%get3A_234] : memref<10240xf32, #tpu.memory_space<vmem>>[vector<16xi32>], vector<16xf32>,
      %add3A_237 = arith.addf %gather3A_235, %gather3A_236 : vector<16xf32>
      %gt3A_238 = arith.constant 0.000000e+00 : f32
      %gt3A_239 = vector.broadcast %gt3A_238 : f32 to vector<16xf32>
      %gt3A_240 = arith.cmpf ogt, %add3A_237, %gt3A_239 : vector<16xf32>
      %mul3A_241 = arith.constant 2.000000e-01 : f32
      %mul3A_242 = vector.broadcast %mul3A_241 : f32 to vector<16xf32>
      %mul3A_243 = arith.mulf %mul3A_242, %add3A_237 : vector<16xf32>
      %select_n3A_244 = arith.select %gt3A_240, %add3A_237, %mul3A_243 : vector<16xi1>, vector<16xf32>
      %sub3A_245 = vector.broadcast %add3A_142 : f32 to vector<16xf32>
      %sub3A_246 = arith.subf %select_n3A_244, %sub3A_245 : vector<16xf32>
      %exp3A_247 = math.exp %sub3A_246 : vector<16xf32>
      %swap3A_248 = arith.constant 64 : index
      %swap3A_249 = tpu.vector_load %arg13[%swap3A_248] {strides = array<i32>} : memref<128xf32, #tpu.memory_space<vmem>>, vector<16xf32>,
      tpu.vector_store %arg13[%swap3A_248], %exp3A_247 {strides = array<i32>} : memref<128xf32, #tpu.memory_space<vmem>>, vector<16xf32>,
      tpu.vector_store_idx %arg15[%get3A_234], %exp3A_247 {add = true} : memref<10240xf32, #tpu.memory_space<vmem>>[vector<16xi32>], vector<16xf32>,
      %get3A_250 = arith.constant 80 : index
      %get3A_251 = tpu.vector_load %arg11[%get3A_250] {strides = array<i32>} : memref<128xi32, #tpu.memory_space<vmem>>, vector<16xi32>,
      %get3A_252 = arith.constant 80 : index
      %get3A_253 = tpu.vector_load %arg12[%get3A_252] {strides = array<i32>} : memref<128xi32, #tpu.memory_space<vmem>>, vector<16xi32>,
      %gather3A_254 = tpu.vector_load_idx %arg9[%get3A_251] : memref<10240xf32, #tpu.memory_space<vmem>>[vector<16xi32>], vector<16xf32>,
      %gather3A_255 = tpu.vector_load_idx %arg10[%get3A_253] : memref<10240xf32, #tpu.memory_space<vmem>>[vector<16xi32>], vector<16xf32>,
      %add3A_256 = arith.addf %gather3A_254, %gather3A_255 : vector<16xf32>
      %gt3A_257 = arith.constant 0.000000e+00 : f32
      %gt3A_258 = vector.broadcast %gt3A_257 : f32 to vector<16xf32>
      %gt3A_259 = arith.cmpf ogt, %add3A_256, %gt3A_258 : vector<16xf32>
      %mul3A_260 = arith.constant 2.000000e-01 : f32
      %mul3A_261 = vector.broadcast %mul3A_260 : f32 to vector<16xf32>
      %mul3A_262 = arith.mulf %mul3A_261, %add3A_256 : vector<16xf32>
      %select_n3A_263 = arith.select %gt3A_259, %add3A_256, %mul3A_262 : vector<16xi1>, vector<16xf32>
      %sub3A_264 = vector.broadcast %add3A_142 : f32 to vector<16xf32>
      %sub3A_265 = arith.subf %select_n3A_263, %sub3A_264 : vector<16xf32>
      %exp3A_266 = math.exp %sub3A_265 : vector<16xf32>
      %swap3A_267 = arith.constant 80 : index
      %swap3A_268 = tpu.vector_load %arg13[%swap3A_267] {strides = array<i32>} : memref<128xf32, #tpu.memory_space<vmem>>, vector<16xf32>,
      tpu.vector_store %arg13[%swap3A_267], %exp3A_266 {strides = array<i32>} : memref<128xf32, #tpu.memory_space<vmem>>, vector<16xf32>,
      tpu.vector_store_idx %arg15[%get3A_253], %exp3A_266 {add = true} : memref<10240xf32, #tpu.memory_space<vmem>>[vector<16xi32>], vector<16xf32>,
      %get3A_269 = arith.constant 96 : index
      %get3A_270 = tpu.vector_load %arg11[%get3A_269] {strides = array<i32>} : memref<128xi32, #tpu.memory_space<vmem>>, vector<16xi32>,
      %get3A_271 = arith.constant 96 : index
      %get3A_272 = tpu.vector_load %arg12[%get3A_271] {strides = array<i32>} : memref<128xi32, #tpu.memory_space<vmem>>, vector<16xi32>,
      %gather3A_273 = tpu.vector_load_idx %arg9[%get3A_270] : memref<10240xf32, #tpu.memory_space<vmem>>[vector<16xi32>], vector<16xf32>,
      %gather3A_274 = tpu.vector_load_idx %arg10[%get3A_272] : memref<10240xf32, #tpu.memory_space<vmem>>[vector<16xi32>], vector<16xf32>,
      %add3A_275 = arith.addf %gather3A_273, %gather3A_274 : vector<16xf32>
      %gt3A_276 = arith.constant 0.000000e+00 : f32
      %gt3A_277 = vector.broadcast %gt3A_276 : f32 to vector<16xf32>
      %gt3A_278 = arith.cmpf ogt, %add3A_275, %gt3A_277 : vector<16xf32>
      %mul3A_279 = arith.constant 2.000000e-01 : f32
      %mul3A_280 = vector.broadcast %mul3A_279 : f32 to vector<16xf32>
      %mul3A_281 = arith.mulf %mul3A_280, %add3A_275 : vector<16xf32>
      %select_n3A_282 = arith.select %gt3A_278, %add3A_275, %mul3A_281 : vector<16xi1>, vector<16xf32>
      %sub3A_283 = vector.broadcast %add3A_142 : f32 to vector<16xf32>
      %sub3A_284 = arith.subf %select_n3A_282, %sub3A_283 : vector<16xf32>
      %exp3A_285 = math.exp %sub3A_284 : vector<16xf32>
      %swap3A_286 = arith.constant 96 : index
      %swap3A_287 = tpu.vector_load %arg13[%swap3A_286] {strides = array<i32>} : memref<128xf32, #tpu.memory_space<vmem>>, vector<16xf32>,
      tpu.vector_store %arg13[%swap3A_286], %exp3A_285 {strides = array<i32>} : memref<128xf32, #tpu.memory_space<vmem>>, vector<16xf32>,
      tpu.vector_store_idx %arg15[%get3A_272], %exp3A_285 {add = true} : memref<10240xf32, #tpu.memory_space<vmem>>[vector<16xi32>], vector<16xf32>,
      %get3A_288 = arith.constant 112 : index
      %get3A_289 = tpu.vector_load %arg11[%get3A_288] {strides = array<i32>} : memref<128xi32, #tpu.memory_space<vmem>>, vector<16xi32>,
      %get3A_290 = arith.constant 112 : index
      %get3A_291 = tpu.vector_load %arg12[%get3A_290] {strides = array<i32>} : memref<128xi32, #tpu.memory_space<vmem>>, vector<16xi32>,
      %gather3A_292 = tpu.vector_load_idx %arg9[%get3A_289] : memref<10240xf32, #tpu.memory_space<vmem>>[vector<16xi32>], vector<16xf32>,
      %gather3A_293 = tpu.vector_load_idx %arg10[%get3A_291] : memref<10240xf32, #tpu.memory_space<vmem>>[vector<16xi32>], vector<16xf32>,
      %add3A_294 = arith.addf %gather3A_292, %gather3A_293 : vector<16xf32>
      %gt3A_295 = arith.constant 0.000000e+00 : f32
      %gt3A_296 = vector.broadcast %gt3A_295 : f32 to vector<16xf32>
      %gt3A_297 = arith.cmpf ogt, %add3A_294, %gt3A_296 : vector<16xf32>
      %mul3A_298 = arith.constant 2.000000e-01 : f32
      %mul3A_299 = vector.broadcast %mul3A_298 : f32 to vector<16xf32>
      %mul3A_300 = arith.mulf %mul3A_299, %add3A_294 : vector<16xf32>
      %select_n3A_301 = arith.select %gt3A_297, %add3A_294, %mul3A_300 : vector<16xi1>, vector<16xf32>
      %sub3A_302 = vector.broadcast %add3A_142 : f32 to vector<16xf32>
      %sub3A_303 = arith.subf %select_n3A_301, %sub3A_302 : vector<16xf32>
      %exp3A_304 = math.exp %sub3A_303 : vector<16xf32>
      %swap3A_305 = arith.constant 112 : index
      %swap3A_306 = tpu.vector_load %arg13[%swap3A_305] {strides = array<i32>} : memref<128xf32, #tpu.memory_space<vmem>>, vector<16xf32>,
      tpu.vector_store %arg13[%swap3A_305], %exp3A_304 {strides = array<i32>} : memref<128xf32, #tpu.memory_space<vmem>>, vector<16xf32>,
      tpu.vector_store_idx %arg15[%get3A_291], %exp3A_304 {add = true} : memref<10240xf32, #tpu.memory_space<vmem>>[vector<16xi32>], vector<16xf32>,
      "tpu.region"() ({
        %run_scoped3A = tpu.sem_alloc : memref<!tpu.dma_semaphore, #tpu.memory_space<semaphore_mem>>
        %dma_start3A = arith.constant 0 : i32
        %dma_start3A_310 = arith.constant 0 : i32
        %dma_start3A_311 = tpu.memref_slice %arg2[%dma_start3A, %dma_start3A_310] : memref<10240x128xf32, #tpu.memory_space<hbm>> -> memref<10240x128xf32, #tpu.memory_space<hbm>>
        tpu.enqueue_indirect_dma source(%dma_start3A_311 : memref<10240x128xf32, #tpu.memory_space<hbm>>) target(%arg14 : memref<128x128xf32, #tpu.memory_space<vmem>>) offsets(%arg11 : memref<128xi32, #tpu.memory_space<vmem>>) semaphore(%run_scoped3A : memref<!tpu.dma_semaphore, #tpu.memory_space<semaphore_mem>>)
        %dma_wait3A = arith.constant 0 : i32
        %dma_wait3A_312 = arith.constant 0 : i32
        %dma_wait3A_313 = tpu.memref_slice %arg2[%dma_wait3A, %dma_wait3A_312] : memref<10240x128xf32, #tpu.memory_space<hbm>> -> memref<10240x128xf32, #tpu.memory_space<hbm>>
        tpu.wait_indirect_dma semaphore(%run_scoped3A : memref<!tpu.dma_semaphore, #tpu.memory_space<semaphore_mem>>) src(%dma_wait3A_313 : memref<10240x128xf32, #tpu.memory_space<hbm>>) dst(%arg14 : memref<128x128xf32, #tpu.memory_space<vmem>>)
        tpu.yield
      }) : () -> ()
      %parallel_loop3A = arith.constant 0 : i32
      %parallel_loop3A_307 = arith.constant 128 : i32
      %parallel_loop3A_308 = arith.constant 16 : i32
      scf.for %parallel_loop3A_310 = %parallel_loop3A to %parallel_loop3A_307 step %parallel_loop3A_308  : i32 {
        %parallel_loop3A_311 = arith.index_cast %parallel_loop3A_310 : i32 to index
        %parallel_loop3A_312 = tpu.vector_load %arg13[%parallel_loop3A_311] {strides = array<i32>} : memref<128xf32, #tpu.memory_space<vmem>>, vector<16xf32>,
        %parallel_loop3A_313 = vector.extract_strided_slice %parallel_loop3A_312 {offsets = [0], sizes = [1], strides = [1]} : vector<16xf32> to vector<1xf32>
        %parallel_loop3A_314 = vector.extract %parallel_loop3A_313[0] : f32 from vector<1xf32>
        %parallel_loop3A_315 = arith.constant 0 : i32
        %parallel_loop3A_316 = arith.addi %parallel_loop3A_310, %parallel_loop3A_315 : i32
        %parallel_loop3A_317 = arith.index_cast %parallel_loop3A_316 : i32 to index
        %parallel_loop3A_318 = arith.constant 0 : index
        %parallel_loop3A_319 = tpu.vector_load %arg14[%parallel_loop3A_317, %parallel_loop3A_318] {strides = array<i32>} : memref<128x128xf32, #tpu.memory_space<vmem>>, vector<16xf32>,
        %parallel_loop3A_320 = vector.broadcast %parallel_loop3A_314 : f32 to vector<16xf32>
        %parallel_loop3A_321 = arith.mulf %parallel_loop3A_319, %parallel_loop3A_320 : vector<16xf32>
        %parallel_loop3A_322 = arith.constant 0 : i32
        %parallel_loop3A_323 = arith.addi %parallel_loop3A_310, %parallel_loop3A_322 : i32
        %parallel_loop3A_324 = arith.index_cast %parallel_loop3A_323 : i32 to index
        %parallel_loop3A_325 = arith.constant 0 : index
        %parallel_loop3A_326 = tpu.vector_load %arg14[%parallel_loop3A_324, %parallel_loop3A_325] {strides = array<i32>} : memref<128x128xf32, #tpu.memory_space<vmem>>, vector<16xf32>,
        tpu.vector_store %arg14[%parallel_loop3A_324, %parallel_loop3A_325], %parallel_loop3A_321 {strides = array<i32>} : memref<128x128xf32, #tpu.memory_space<vmem>>, vector<16xf32>,
        %parallel_loop3A_327 = arith.constant 0 : i32
        %parallel_loop3A_328 = arith.addi %parallel_loop3A_310, %parallel_loop3A_327 : i32
        %parallel_loop3A_329 = arith.index_cast %parallel_loop3A_328 : i32 to index
        %parallel_loop3A_330 = arith.constant 16 : index
        %parallel_loop3A_331 = tpu.vector_load %arg14[%parallel_loop3A_329, %parallel_loop3A_330] {strides = array<i32>} : memref<128x128xf32, #tpu.memory_space<vmem>>, vector<16xf32>,
        %parallel_loop3A_332 = vector.broadcast %parallel_loop3A_314 : f32 to vector<16xf32>
        %parallel_loop3A_333 = arith.mulf %parallel_loop3A_331, %parallel_loop3A_332 : vector<16xf32>
        %parallel_loop3A_334 = arith.constant 0 : i32
        %parallel_loop3A_335 = arith.addi %parallel_loop3A_310, %parallel_loop3A_334 : i32
        %parallel_loop3A_336 = arith.index_cast %parallel_loop3A_335 : i32 to index
        %parallel_loop3A_337 = arith.constant 16 : index
        %parallel_loop3A_338 = tpu.vector_load %arg14[%parallel_loop3A_336, %parallel_loop3A_337] {strides = array<i32>} : memref<128x128xf32, #tpu.memory_space<vmem>>, vector<16xf32>,
        tpu.vector_store %arg14[%parallel_loop3A_336, %parallel_loop3A_337], %parallel_loop3A_333 {strides = array<i32>} : memref<128x128xf32, #tpu.memory_space<vmem>>, vector<16xf32>,
        %parallel_loop3A_339 = arith.constant 0 : i32
        %parallel_loop3A_340 = arith.addi %parallel_loop3A_310, %parallel_loop3A_339 : i32
        %parallel_loop3A_341 = arith.index_cast %parallel_loop3A_340 : i32 to index
        %parallel_loop3A_342 = arith.constant 32 : index
        %parallel_loop3A_343 = tpu.vector_load %arg14[%parallel_loop3A_341, %parallel_loop3A_342] {strides = array<i32>} : memref<128x128xf32, #tpu.memory_space<vmem>>, vector<16xf32>,
        %parallel_loop3A_344 = vector.broadcast %parallel_loop3A_314 : f32 to vector<16xf32>
        %parallel_loop3A_345 = arith.mulf %parallel_loop3A_343, %parallel_loop3A_344 : vector<16xf32>
        %parallel_loop3A_346 = arith.constant 0 : i32
        %parallel_loop3A_347 = arith.addi %parallel_loop3A_310, %parallel_loop3A_346 : i32
        %parallel_loop3A_348 = arith.index_cast %parallel_loop3A_347 : i32 to index
        %parallel_loop3A_349 = arith.constant 32 : index
        %parallel_loop3A_350 = tpu.vector_load %arg14[%parallel_loop3A_348, %parallel_loop3A_349] {strides = array<i32>} : memref<128x128xf32, #tpu.memory_space<vmem>>, vector<16xf32>,
        tpu.vector_store %arg14[%parallel_loop3A_348, %parallel_loop3A_349], %parallel_loop3A_345 {strides = array<i32>} : memref<128x128xf32, #tpu.memory_space<vmem>>, vector<16xf32>,
        %parallel_loop3A_351 = arith.constant 0 : i32
        %parallel_loop3A_352 = arith.addi %parallel_loop3A_310, %parallel_loop3A_351 : i32
        %parallel_loop3A_353 = arith.index_cast %parallel_loop3A_352 : i32 to index
        %parallel_loop3A_354 = arith.constant 48 : index
        %parallel_loop3A_355 = tpu.vector_load %arg14[%parallel_loop3A_353, %parallel_loop3A_354] {strides = array<i32>} : memref<128x128xf32, #tpu.memory_space<vmem>>, vector<16xf32>,
        %parallel_loop3A_356 = vector.broadcast %parallel_loop3A_314 : f32 to vector<16xf32>
        %parallel_loop3A_357 = arith.mulf %parallel_loop3A_355, %parallel_loop3A_356 : vector<16xf32>
        %parallel_loop3A_358 = arith.constant 0 : i32
        %parallel_loop3A_359 = arith.addi %parallel_loop3A_310, %parallel_loop3A_358 : i32
        %parallel_loop3A_360 = arith.index_cast %parallel_loop3A_359 : i32 to index
        %parallel_loop3A_361 = arith.constant 48 : index
        %parallel_loop3A_362 = tpu.vector_load %arg14[%parallel_loop3A_360, %parallel_loop3A_361] {strides = array<i32>} : memref<128x128xf32, #tpu.memory_space<vmem>>, vector<16xf32>,
        tpu.vector_store %arg14[%parallel_loop3A_360, %parallel_loop3A_361], %parallel_loop3A_357 {strides = array<i32>} : memref<128x128xf32, #tpu.memory_space<vmem>>, vector<16xf32>,
        %parallel_loop3A_363 = arith.constant 0 : i32
        %parallel_loop3A_364 = arith.addi %parallel_loop3A_310, %parallel_loop3A_363 : i32
        %parallel_loop3A_365 = arith.index_cast %parallel_loop3A_364 : i32 to index
        %parallel_loop3A_366 = arith.constant 64 : index
        %parallel_loop3A_367 = tpu.vector_load %arg14[%parallel_loop3A_365, %parallel_loop3A_366] {strides = array<i32>} : memref<128x128xf32, #tpu.memory_space<vmem>>, vector<16xf32>,
        %parallel_loop3A_368 = vector.broadcast %parallel_loop3A_314 : f32 to vector<16xf32>
        %parallel_loop3A_369 = arith.mulf %parallel_loop3A_367, %parallel_loop3A_368 : vector<16xf32>
        %parallel_loop3A_370 = arith.constant 0 : i32
        %parallel_loop3A_371 = arith.addi %parallel_loop3A_310, %parallel_loop3A_370 : i32
        %parallel_loop3A_372 = arith.index_cast %parallel_loop3A_371 : i32 to index
        %parallel_loop3A_373 = arith.constant 64 : index
        %parallel_loop3A_374 = tpu.vector_load %arg14[%parallel_loop3A_372, %parallel_loop3A_373] {strides = array<i32>} : memref<128x128xf32, #tpu.memory_space<vmem>>, vector<16xf32>,
        tpu.vector_store %arg14[%parallel_loop3A_372, %parallel_loop3A_373], %parallel_loop3A_369 {strides = array<i32>} : memref<128x128xf32, #tpu.memory_space<vmem>>, vector<16xf32>,
        %parallel_loop3A_375 = arith.constant 0 : i32
        %parallel_loop3A_376 = arith.addi %parallel_loop3A_310, %parallel_loop3A_375 : i32
        %parallel_loop3A_377 = arith.index_cast %parallel_loop3A_376 : i32 to index
        %parallel_loop3A_378 = arith.constant 80 : index
        %parallel_loop3A_379 = tpu.vector_load %arg14[%parallel_loop3A_377, %parallel_loop3A_378] {strides = array<i32>} : memref<128x128xf32, #tpu.memory_space<vmem>>, vector<16xf32>,
        %parallel_loop3A_380 = vector.broadcast %parallel_loop3A_314 : f32 to vector<16xf32>
        %parallel_loop3A_381 = arith.mulf %parallel_loop3A_379, %parallel_loop3A_380 : vector<16xf32>
        %parallel_loop3A_382 = arith.constant 0 : i32
        %parallel_loop3A_383 = arith.addi %parallel_loop3A_310, %parallel_loop3A_382 : i32
        %parallel_loop3A_384 = arith.index_cast %parallel_loop3A_383 : i32 to index
        %parallel_loop3A_385 = arith.constant 80 : index
        %parallel_loop3A_386 = tpu.vector_load %arg14[%parallel_loop3A_384, %parallel_loop3A_385] {strides = array<i32>} : memref<128x128xf32, #tpu.memory_space<vmem>>, vector<16xf32>,
        tpu.vector_store %arg14[%parallel_loop3A_384, %parallel_loop3A_385], %parallel_loop3A_381 {strides = array<i32>} : memref<128x128xf32, #tpu.memory_space<vmem>>, vector<16xf32>,
        %parallel_loop3A_387 = arith.constant 0 : i32
        %parallel_loop3A_388 = arith.addi %parallel_loop3A_310, %parallel_loop3A_387 : i32
        %parallel_loop3A_389 = arith.index_cast %parallel_loop3A_388 : i32 to index
        %parallel_loop3A_390 = arith.constant 96 : index
        %parallel_loop3A_391 = tpu.vector_load %arg14[%parallel_loop3A_389, %parallel_loop3A_390] {strides = array<i32>} : memref<128x128xf32, #tpu.memory_space<vmem>>, vector<16xf32>,
        %parallel_loop3A_392 = vector.broadcast %parallel_loop3A_314 : f32 to vector<16xf32>
        %parallel_loop3A_393 = arith.mulf %parallel_loop3A_391, %parallel_loop3A_392 : vector<16xf32>
        %parallel_loop3A_394 = arith.constant 0 : i32
        %parallel_loop3A_395 = arith.addi %parallel_loop3A_310, %parallel_loop3A_394 : i32
        %parallel_loop3A_396 = arith.index_cast %parallel_loop3A_395 : i32 to index
        %parallel_loop3A_397 = arith.constant 96 : index
        %parallel_loop3A_398 = tpu.vector_load %arg14[%parallel_loop3A_396, %parallel_loop3A_397] {strides = array<i32>} : memref<128x128xf32, #tpu.memory_space<vmem>>, vector<16xf32>,
        tpu.vector_store %arg14[%parallel_loop3A_396, %parallel_loop3A_397], %parallel_loop3A_393 {strides = array<i32>} : memref<128x128xf32, #tpu.memory_space<vmem>>, vector<16xf32>,
        %parallel_loop3A_399 = arith.constant 0 : i32
        %parallel_loop3A_400 = arith.addi %parallel_loop3A_310, %parallel_loop3A_399 : i32
        %parallel_loop3A_401 = arith.index_cast %parallel_loop3A_400 : i32 to index
        %parallel_loop3A_402 = arith.constant 112 : index
        %parallel_loop3A_403 = tpu.vector_load %arg14[%parallel_loop3A_401, %parallel_loop3A_402] {strides = array<i32>} : memref<128x128xf32, #tpu.memory_space<vmem>>, vector<16xf32>,
        %parallel_loop3A_404 = vector.broadcast %parallel_loop3A_314 : f32 to vector<16xf32>
        %parallel_loop3A_405 = arith.mulf %parallel_loop3A_403, %parallel_loop3A_404 : vector<16xf32>
        %parallel_loop3A_406 = arith.constant 0 : i32
        %parallel_loop3A_407 = arith.addi %parallel_loop3A_310, %parallel_loop3A_406 : i32
        %parallel_loop3A_408 = arith.index_cast %parallel_loop3A_407 : i32 to index
        %parallel_loop3A_409 = arith.constant 112 : index
        %parallel_loop3A_410 = tpu.vector_load %arg14[%parallel_loop3A_408, %parallel_loop3A_409] {strides = array<i32>} : memref<128x128xf32, #tpu.memory_space<vmem>>, vector<16xf32>,
        tpu.vector_store %arg14[%parallel_loop3A_408, %parallel_loop3A_409], %parallel_loop3A_405 {strides = array<i32>} : memref<128x128xf32, #tpu.memory_space<vmem>>, vector<16xf32>,
        %parallel_loop3A_411 = vector.extract_strided_slice %parallel_loop3A_312 {offsets = [1], sizes = [1], strides = [1]} : vector<16xf32> to vector<1xf32>
        %parallel_loop3A_412 = vector.extract %parallel_loop3A_411[0] : f32 from vector<1xf32>
        %parallel_loop3A_413 = arith.constant 1 : i32
        %parallel_loop3A_414 = arith.addi %parallel_loop3A_310, %parallel_loop3A_413 : i32
        %parallel_loop3A_415 = arith.index_cast %parallel_loop3A_414 : i32 to index
        %parallel_loop3A_416 = arith.constant 0 : index
        %parallel_loop3A_417 = tpu.vector_load %arg14[%parallel_loop3A_415, %parallel_loop3A_416] {strides = array<i32>} : memref<128x128xf32, #tpu.memory_space<vmem>>, vector<16xf32>,
        %parallel_loop3A_418 = vector.broadcast %parallel_loop3A_412 : f32 to vector<16xf32>
        %parallel_loop3A_419 = arith.mulf %parallel_loop3A_417, %parallel_loop3A_418 : vector<16xf32>
        %parallel_loop3A_420 = arith.constant 1 : i32
        %parallel_loop3A_421 = arith.addi %parallel_loop3A_310, %parallel_loop3A_420 : i32
        %parallel_loop3A_422 = arith.index_cast %parallel_loop3A_421 : i32 to index
        %parallel_loop3A_423 = arith.constant 0 : index
        %parallel_loop3A_424 = tpu.vector_load %arg14[%parallel_loop3A_422, %parallel_loop3A_423] {strides = array<i32>} : memref<128x128xf32, #tpu.memory_space<vmem>>, vector<16xf32>,
        tpu.vector_store %arg14[%parallel_loop3A_422, %parallel_loop3A_423], %parallel_loop3A_419 {strides = array<i32>} : memref<128x128xf32, #tpu.memory_space<vmem>>, vector<16xf32>,
        %parallel_loop3A_425 = arith.constant 1 : i32
        %parallel_loop3A_426 = arith.addi %parallel_loop3A_310, %parallel_loop3A_425 : i32
        %parallel_loop3A_427 = arith.index_cast %parallel_loop3A_426 : i32 to index
        %parallel_loop3A_428 = arith.constant 16 : index
        %parallel_loop3A_429 = tpu.vector_load %arg14[%parallel_loop3A_427, %parallel_loop3A_428] {strides = array<i32>} : memref<128x128xf32, #tpu.memory_space<vmem>>, vector<16xf32>,
        %parallel_loop3A_430 = vector.broadcast %parallel_loop3A_412 : f32 to vector<16xf32>
        %parallel_loop3A_431 = arith.mulf %parallel_loop3A_429, %parallel_loop3A_430 : vector<16xf32>
        %parallel_loop3A_432 = arith.constant 1 : i32
        %parallel_loop3A_433 = arith.addi %parallel_loop3A_310, %parallel_loop3A_432 : i32
        %parallel_loop3A_434 = arith.index_cast %parallel_loop3A_433 : i32 to index
        %parallel_loop3A_435 = arith.constant 16 : index
        %parallel_loop3A_436 = tpu.vector_load %arg14[%parallel_loop3A_434, %parallel_loop3A_435] {strides = array<i32>} : memref<128x128xf32, #tpu.memory_space<vmem>>, vector<16xf32>,
        tpu.vector_store %arg14[%parallel_loop3A_434, %parallel_loop3A_435], %parallel_loop3A_431 {strides = array<i32>} : memref<128x128xf32, #tpu.memory_space<vmem>>, vector<16xf32>,
        %parallel_loop3A_437 = arith.constant 1 : i32
        %parallel_loop3A_438 = arith.addi %parallel_loop3A_310, %parallel_loop3A_437 : i32
        %parallel_loop3A_439 = arith.index_cast %parallel_loop3A_438 : i32 to index
        %parallel_loop3A_440 = arith.constant 32 : index
        %parallel_loop3A_441 = tpu.vector_load %arg14[%parallel_loop3A_439, %parallel_loop3A_440] {strides = array<i32>} : memref<128x128xf32, #tpu.memory_space<vmem>>, vector<16xf32>,
        %parallel_loop3A_442 = vector.broadcast %parallel_loop3A_412 : f32 to vector<16xf32>
        %parallel_loop3A_443 = arith.mulf %parallel_loop3A_441, %parallel_loop3A_442 : vector<16xf32>
        %parallel_loop3A_444 = arith.constant 1 : i32
        %parallel_loop3A_445 = arith.addi %parallel_loop3A_310, %parallel_loop3A_444 : i32
        %parallel_loop3A_446 = arith.index_cast %parallel_loop3A_445 : i32 to index
        %parallel_loop3A_447 = arith.constant 32 : index
        %parallel_loop3A_448 = tpu.vector_load %arg14[%parallel_loop3A_446, %parallel_loop3A_447] {strides = array<i32>} : memref<128x128xf32, #tpu.memory_space<vmem>>, vector<16xf32>,
        tpu.vector_store %arg14[%parallel_loop3A_446, %parallel_loop3A_447], %parallel_loop3A_443 {strides = array<i32>} : memref<128x128xf32, #tpu.memory_space<vmem>>, vector<16xf32>,
        %parallel_loop3A_449 = arith.constant 1 : i32
        %parallel_loop3A_450 = arith.addi %parallel_loop3A_310, %parallel_loop3A_449 : i32
        %parallel_loop3A_451 = arith.index_cast %parallel_loop3A_450 : i32 to index
        %parallel_loop3A_452 = arith.constant 48 : index
        %parallel_loop3A_453 = tpu.vector_load %arg14[%parallel_loop3A_451, %parallel_loop3A_452] {strides = array<i32>} : memref<128x128xf32, #tpu.memory_space<vmem>>, vector<16xf32>,
        %parallel_loop3A_454 = vector.broadcast %parallel_loop3A_412 : f32 to vector<16xf32>
        %parallel_loop3A_455 = arith.mulf %parallel_loop3A_453, %parallel_loop3A_454 : vector<16xf32>
        %parallel_loop3A_456 = arith.constant 1 : i32
        %parallel_loop3A_457 = arith.addi %parallel_loop3A_310, %parallel_loop3A_456 : i32
        %parallel_loop3A_458 = arith.index_cast %parallel_loop3A_457 : i32 to index
        %parallel_loop3A_459 = arith.constant 48 : index
        %parallel_loop3A_460 = tpu.vector_load %arg14[%parallel_loop3A_458, %parallel_loop3A_459] {strides = array<i32>} : memref<128x128xf32, #tpu.memory_space<vmem>>, vector<16xf32>,
        tpu.vector_store %arg14[%parallel_loop3A_458, %parallel_loop3A_459], %parallel_loop3A_455 {strides = array<i32>} : memref<128x128xf32, #tpu.memory_space<vmem>>, vector<16xf32>,
        %parallel_loop3A_461 = arith.constant 1 : i32
        %parallel_loop3A_462 = arith.addi %parallel_loop3A_310, %parallel_loop3A_461 : i32
        %parallel_loop3A_463 = arith.index_cast %parallel_loop3A_462 : i32 to index
        %parallel_loop3A_464 = arith.constant 64 : index
        %parallel_loop3A_465 = tpu.vector_load %arg14[%parallel_loop3A_463, %parallel_loop3A_464] {strides = array<i32>} : memref<128x128xf32, #tpu.memory_space<vmem>>, vector<16xf32>,
        %parallel_loop3A_466 = vector.broadcast %parallel_loop3A_412 : f32 to vector<16xf32>
        %parallel_loop3A_467 = arith.mulf %parallel_loop3A_465, %parallel_loop3A_466 : vector<16xf32>
        %parallel_loop3A_468 = arith.constant 1 : i32
        %parallel_loop3A_469 = arith.addi %parallel_loop3A_310, %parallel_loop3A_468 : i32
        %parallel_loop3A_470 = arith.index_cast %parallel_loop3A_469 : i32 to index
        %parallel_loop3A_471 = arith.constant 64 : index
        %parallel_loop3A_472 = tpu.vector_load %arg14[%parallel_loop3A_470, %parallel_loop3A_471] {strides = array<i32>} : memref<128x128xf32, #tpu.memory_space<vmem>>, vector<16xf32>,
        tpu.vector_store %arg14[%parallel_loop3A_470, %parallel_loop3A_471], %parallel_loop3A_467 {strides = array<i32>} : memref<128x128xf32, #tpu.memory_space<vmem>>, vector<16xf32>,
        %parallel_loop3A_473 = arith.constant 1 : i32
        %parallel_loop3A_474 = arith.addi %parallel_loop3A_310, %parallel_loop3A_473 : i32
        %parallel_loop3A_475 = arith.index_cast %parallel_loop3A_474 : i32 to index
        %parallel_loop3A_476 = arith.constant 80 : index
        %parallel_loop3A_477 = tpu.vector_load %arg14[%parallel_loop3A_475, %parallel_loop3A_476] {strides = array<i32>} : memref<128x128xf32, #tpu.memory_space<vmem>>, vector<16xf32>,
        %parallel_loop3A_478 = vector.broadcast %parallel_loop3A_412 : f32 to vector<16xf32>
        %parallel_loop3A_479 = arith.mulf %parallel_loop3A_477, %parallel_loop3A_478 : vector<16xf32>
        %parallel_loop3A_480 = arith.constant 1 : i32
        %parallel_loop3A_481 = arith.addi %parallel_loop3A_310, %parallel_loop3A_480 : i32
        %parallel_loop3A_482 = arith.index_cast %parallel_loop3A_481 : i32 to index
        %parallel_loop3A_483 = arith.constant 80 : index
        %parallel_loop3A_484 = tpu.vector_load %arg14[%parallel_loop3A_482, %parallel_loop3A_483] {strides = array<i32>} : memref<128x128xf32, #tpu.memory_space<vmem>>, vector<16xf32>,
        tpu.vector_store %arg14[%parallel_loop3A_482, %parallel_loop3A_483], %parallel_loop3A_479 {strides = array<i32>} : memref<128x128xf32, #tpu.memory_space<vmem>>, vector<16xf32>,
        %parallel_loop3A_485 = arith.constant 1 : i32
        %parallel_loop3A_486 = arith.addi %parallel_loop3A_310, %parallel_loop3A_485 : i32
        %parallel_loop3A_487 = arith.index_cast %parallel_loop3A_486 : i32 to index
        %parallel_loop3A_488 = arith.constant 96 : index
        %parallel_loop3A_489 = tpu.vector_load %arg14[%parallel_loop3A_487, %parallel_loop3A_488] {strides = array<i32>} : memref<128x128xf32, #tpu.memory_space<vmem>>, vector<16xf32>,
        %parallel_loop3A_490 = vector.broadcast %parallel_loop3A_412 : f32 to vector<16xf32>
        %parallel_loop3A_491 = arith.mulf %parallel_loop3A_489, %parallel_loop3A_490 : vector<16xf32>
        %parallel_loop3A_492 = arith.constant 1 : i32
        %parallel_loop3A_493 = arith.addi %parallel_loop3A_310, %parallel_loop3A_492 : i32
        %parallel_loop3A_494 = arith.index_cast %parallel_loop3A_493 : i32 to index
        %parallel_loop3A_495 = arith.constant 96 : index
        %parallel_loop3A_496 = tpu.vector_load %arg14[%parallel_loop3A_494, %parallel_loop3A_495] {strides = array<i32>} : memref<128x128xf32, #tpu.memory_space<vmem>>, vector<16xf32>,
        tpu.vector_store %arg14[%parallel_loop3A_494, %parallel_loop3A_495], %parallel_loop3A_491 {strides = array<i32>} : memref<128x128xf32, #tpu.memory_space<vmem>>, vector<16xf32>,
        %parallel_loop3A_497 = arith.constant 1 : i32
        %parallel_loop3A_498 = arith.addi %parallel_loop3A_310, %parallel_loop3A_497 : i32
        %parallel_loop3A_499 = arith.index_cast %parallel_loop3A_498 : i32 to index
        %parallel_loop3A_500 = arith.constant 112 : index
        %parallel_loop3A_501 = tpu.vector_load %arg14[%parallel_loop3A_499, %parallel_loop3A_500] {strides = array<i32>} : memref<128x128xf32, #tpu.memory_space<vmem>>, vector<16xf32>,
        %parallel_loop3A_502 = vector.broadcast %parallel_loop3A_412 : f32 to vector<16xf32>
        %parallel_loop3A_503 = arith.mulf %parallel_loop3A_501, %parallel_loop3A_502 : vector<16xf32>
        %parallel_loop3A_504 = arith.constant 1 : i32
        %parallel_loop3A_505 = arith.addi %parallel_loop3A_310, %parallel_loop3A_504 : i32
        %parallel_loop3A_506 = arith.index_cast %parallel_loop3A_505 : i32 to index
        %parallel_loop3A_507 = arith.constant 112 : index
        %parallel_loop3A_508 = tpu.vector_load %arg14[%parallel_loop3A_506, %parallel_loop3A_507] {strides = array<i32>} : memref<128x128xf32, #tpu.memory_space<vmem>>, vector<16xf32>,
        tpu.vector_store %arg14[%parallel_loop3A_506, %parallel_loop3A_507], %parallel_loop3A_503 {strides = array<i32>} : memref<128x128xf32, #tpu.memory_space<vmem>>, vector<16xf32>,
        %parallel_loop3A_509 = vector.extract_strided_slice %parallel_loop3A_312 {offsets = [2], sizes = [1], strides = [1]} : vector<16xf32> to vector<1xf32>
        %parallel_loop3A_510 = vector.extract %parallel_loop3A_509[0] : f32 from vector<1xf32>
        %parallel_loop3A_511 = arith.constant 2 : i32
        %parallel_loop3A_512 = arith.addi %parallel_loop3A_310, %parallel_loop3A_511 : i32
        %parallel_loop3A_513 = arith.index_cast %parallel_loop3A_512 : i32 to index
        %parallel_loop3A_514 = arith.constant 0 : index
        %parallel_loop3A_515 = tpu.vector_load %arg14[%parallel_loop3A_513, %parallel_loop3A_514] {strides = array<i32>} : memref<128x128xf32, #tpu.memory_space<vmem>>, vector<16xf32>,
        %parallel_loop3A_516 = vector.broadcast %parallel_loop3A_510 : f32 to vector<16xf32>
        %parallel_loop3A_517 = arith.mulf %parallel_loop3A_515, %parallel_loop3A_516 : vector<16xf32>
        %parallel_loop3A_518 = arith.constant 2 : i32
        %parallel_loop3A_519 = arith.addi %parallel_loop3A_310, %parallel_loop3A_518 : i32
        %parallel_loop3A_520 = arith.index_cast %parallel_loop3A_519 : i32 to index
        %parallel_loop3A_521 = arith.constant 0 : index
        %parallel_loop3A_522 = tpu.vector_load %arg14[%parallel_loop3A_520, %parallel_loop3A_521] {strides = array<i32>} : memref<128x128xf32, #tpu.memory_space<vmem>>, vector<16xf32>,
        tpu.vector_store %arg14[%parallel_loop3A_520, %parallel_loop3A_521], %parallel_loop3A_517 {strides = array<i32>} : memref<128x128xf32, #tpu.memory_space<vmem>>, vector<16xf32>,
        %parallel_loop3A_523 = arith.constant 2 : i32
        %parallel_loop3A_524 = arith.addi %parallel_loop3A_310, %parallel_loop3A_523 : i32
        %parallel_loop3A_525 = arith.index_cast %parallel_loop3A_524 : i32 to index
        %parallel_loop3A_526 = arith.constant 16 : index
        %parallel_loop3A_527 = tpu.vector_load %arg14[%parallel_loop3A_525, %parallel_loop3A_526] {strides = array<i32>} : memref<128x128xf32, #tpu.memory_space<vmem>>, vector<16xf32>,
        %parallel_loop3A_528 = vector.broadcast %parallel_loop3A_510 : f32 to vector<16xf32>
        %parallel_loop3A_529 = arith.mulf %parallel_loop3A_527, %parallel_loop3A_528 : vector<16xf32>
        %parallel_loop3A_530 = arith.constant 2 : i32
        %parallel_loop3A_531 = arith.addi %parallel_loop3A_310, %parallel_loop3A_530 : i32
        %parallel_loop3A_532 = arith.index_cast %parallel_loop3A_531 : i32 to index
        %parallel_loop3A_533 = arith.constant 16 : index
        %parallel_loop3A_534 = tpu.vector_load %arg14[%parallel_loop3A_532, %parallel_loop3A_533] {strides = array<i32>} : memref<128x128xf32, #tpu.memory_space<vmem>>, vector<16xf32>,
        tpu.vector_store %arg14[%parallel_loop3A_532, %parallel_loop3A_533], %parallel_loop3A_529 {strides = array<i32>} : memref<128x128xf32, #tpu.memory_space<vmem>>, vector<16xf32>,
        %parallel_loop3A_535 = arith.constant 2 : i32
        %parallel_loop3A_536 = arith.addi %parallel_loop3A_310, %parallel_loop3A_535 : i32
        %parallel_loop3A_537 = arith.index_cast %parallel_loop3A_536 : i32 to index
        %parallel_loop3A_538 = arith.constant 32 : index
        %parallel_loop3A_539 = tpu.vector_load %arg14[%parallel_loop3A_537, %parallel_loop3A_538] {strides = array<i32>} : memref<128x128xf32, #tpu.memory_space<vmem>>, vector<16xf32>,
        %parallel_loop3A_540 = vector.broadcast %parallel_loop3A_510 : f32 to vector<16xf32>
        %parallel_loop3A_541 = arith.mulf %parallel_loop3A_539, %parallel_loop3A_540 : vector<16xf32>
        %parallel_loop3A_542 = arith.constant 2 : i32
        %parallel_loop3A_543 = arith.addi %parallel_loop3A_310, %parallel_loop3A_542 : i32
        %parallel_loop3A_544 = arith.index_cast %parallel_loop3A_543 : i32 to index
        %parallel_loop3A_545 = arith.constant 32 : index
        %parallel_loop3A_546 = tpu.vector_load %arg14[%parallel_loop3A_544, %parallel_loop3A_545] {strides = array<i32>} : memref<128x128xf32, #tpu.memory_space<vmem>>, vector<16xf32>,
        tpu.vector_store %arg14[%parallel_loop3A_544, %parallel_loop3A_545], %parallel_loop3A_541 {strides = array<i32>} : memref<128x128xf32, #tpu.memory_space<vmem>>, vector<16xf32>,
        %parallel_loop3A_547 = arith.constant 2 : i32
        %parallel_loop3A_548 = arith.addi %parallel_loop3A_310, %parallel_loop3A_547 : i32
        %parallel_loop3A_549 = arith.index_cast %parallel_loop3A_548 : i32 to index
        %parallel_loop3A_550 = arith.constant 48 : index
        %parallel_loop3A_551 = tpu.vector_load %arg14[%parallel_loop3A_549, %parallel_loop3A_550] {strides = array<i32>} : memref<128x128xf32, #tpu.memory_space<vmem>>, vector<16xf32>,
        %parallel_loop3A_552 = vector.broadcast %parallel_loop3A_510 : f32 to vector<16xf32>
        %parallel_loop3A_553 = arith.mulf %parallel_loop3A_551, %parallel_loop3A_552 : vector<16xf32>
        %parallel_loop3A_554 = arith.constant 2 : i32
        %parallel_loop3A_555 = arith.addi %parallel_loop3A_310, %parallel_loop3A_554 : i32
        %parallel_loop3A_556 = arith.index_cast %parallel_loop3A_555 : i32 to index
        %parallel_loop3A_557 = arith.constant 48 : index
        %parallel_loop3A_558 = tpu.vector_load %arg14[%parallel_loop3A_556, %parallel_loop3A_557] {strides = array<i32>} : memref<128x128xf32, #tpu.memory_space<vmem>>, vector<16xf32>,
        tpu.vector_store %arg14[%parallel_loop3A_556, %parallel_loop3A_557], %parallel_loop3A_553 {strides = array<i32>} : memref<128x128xf32, #tpu.memory_space<vmem>>, vector<16xf32>,
        %parallel_loop3A_559 = arith.constant 2 : i32
        %parallel_loop3A_560 = arith.addi %parallel_loop3A_310, %parallel_loop3A_559 : i32
        %parallel_loop3A_561 = arith.index_cast %parallel_loop3A_560 : i32 to index
        %parallel_loop3A_562 = arith.constant 64 : index
        %parallel_loop3A_563 = tpu.vector_load %arg14[%parallel_loop3A_561, %parallel_loop3A_562] {strides = array<i32>} : memref<128x128xf32, #tpu.memory_space<vmem>>, vector<16xf32>,
        %parallel_loop3A_564 = vector.broadcast %parallel_loop3A_510 : f32 to vector<16xf32>
        %parallel_loop3A_565 = arith.mulf %parallel_loop3A_563, %parallel_loop3A_564 : vector<16xf32>
        %parallel_loop3A_566 = arith.constant 2 : i32
        %parallel_loop3A_567 = arith.addi %parallel_loop3A_310, %parallel_loop3A_566 : i32
        %parallel_loop3A_568 = arith.index_cast %parallel_loop3A_567 : i32 to index
        %parallel_loop3A_569 = arith.constant 64 : index
        %parallel_loop3A_570 = tpu.vector_load %arg14[%parallel_loop3A_568, %parallel_loop3A_569] {strides = array<i32>} : memref<128x128xf32, #tpu.memory_space<vmem>>, vector<16xf32>,
        tpu.vector_store %arg14[%parallel_loop3A_568, %parallel_loop3A_569], %parallel_loop3A_565 {strides = array<i32>} : memref<128x128xf32, #tpu.memory_space<vmem>>, vector<16xf32>,
        %parallel_loop3A_571 = arith.constant 2 : i32
        %parallel_loop3A_572 = arith.addi %parallel_loop3A_310, %parallel_loop3A_571 : i32
        %parallel_loop3A_573 = arith.index_cast %parallel_loop3A_572 : i32 to index
        %parallel_loop3A_574 = arith.constant 80 : index
        %parallel_loop3A_575 = tpu.vector_load %arg14[%parallel_loop3A_573, %parallel_loop3A_574] {strides = array<i32>} : memref<128x128xf32, #tpu.memory_space<vmem>>, vector<16xf32>,
        %parallel_loop3A_576 = vector.broadcast %parallel_loop3A_510 : f32 to vector<16xf32>
        %parallel_loop3A_577 = arith.mulf %parallel_loop3A_575, %parallel_loop3A_576 : vector<16xf32>
        %parallel_loop3A_578 = arith.constant 2 : i32
        %parallel_loop3A_579 = arith.addi %parallel_loop3A_310, %parallel_loop3A_578 : i32
        %parallel_loop3A_580 = arith.index_cast %parallel_loop3A_579 : i32 to index
        %parallel_loop3A_581 = arith.constant 80 : index
        %parallel_loop3A_582 = tpu.vector_load %arg14[%parallel_loop3A_580, %parallel_loop3A_581] {strides = array<i32>} : memref<128x128xf32, #tpu.memory_space<vmem>>, vector<16xf32>,
        tpu.vector_store %arg14[%parallel_loop3A_580, %parallel_loop3A_581], %parallel_loop3A_577 {strides = array<i32>} : memref<128x128xf32, #tpu.memory_space<vmem>>, vector<16xf32>,
        %parallel_loop3A_583 = arith.constant 2 : i32
        %parallel_loop3A_584 = arith.addi %parallel_loop3A_310, %parallel_loop3A_583 : i32
        %parallel_loop3A_585 = arith.index_cast %parallel_loop3A_584 : i32 to index
        %parallel_loop3A_586 = arith.constant 96 : index
        %parallel_loop3A_587 = tpu.vector_load %arg14[%parallel_loop3A_585, %parallel_loop3A_586] {strides = array<i32>} : memref<128x128xf32, #tpu.memory_space<vmem>>, vector<16xf32>,
        %parallel_loop3A_588 = vector.broadcast %parallel_loop3A_510 : f32 to vector<16xf32>
        %parallel_loop3A_589 = arith.mulf %parallel_loop3A_587, %parallel_loop3A_588 : vector<16xf32>
        %parallel_loop3A_590 = arith.constant 2 : i32
        %parallel_loop3A_591 = arith.addi %parallel_loop3A_310, %parallel_loop3A_590 : i32
        %parallel_loop3A_592 = arith.index_cast %parallel_loop3A_591 : i32 to index
        %parallel_loop3A_593 = arith.constant 96 : index
        %parallel_loop3A_594 = tpu.vector_load %arg14[%parallel_loop3A_592, %parallel_loop3A_593] {strides = array<i32>} : memref<128x128xf32, #tpu.memory_space<vmem>>, vector<16xf32>,
        tpu.vector_store %arg14[%parallel_loop3A_592, %parallel_loop3A_593], %parallel_loop3A_589 {strides = array<i32>} : memref<128x128xf32, #tpu.memory_space<vmem>>, vector<16xf32>,
        %parallel_loop3A_595 = arith.constant 2 : i32
        %parallel_loop3A_596 = arith.addi %parallel_loop3A_310, %parallel_loop3A_595 : i32
        %parallel_loop3A_597 = arith.index_cast %parallel_loop3A_596 : i32 to index
        %parallel_loop3A_598 = arith.constant 112 : index
        %parallel_loop3A_599 = tpu.vector_load %arg14[%parallel_loop3A_597, %parallel_loop3A_598] {strides = array<i32>} : memref<128x128xf32, #tpu.memory_space<vmem>>, vector<16xf32>,
        %parallel_loop3A_600 = vector.broadcast %parallel_loop3A_510 : f32 to vector<16xf32>
        %parallel_loop3A_601 = arith.mulf %parallel_loop3A_599, %parallel_loop3A_600 : vector<16xf32>
        %parallel_loop3A_602 = arith.constant 2 : i32
        %parallel_loop3A_603 = arith.addi %parallel_loop3A_310, %parallel_loop3A_602 : i32
        %parallel_loop3A_604 = arith.index_cast %parallel_loop3A_603 : i32 to index
        %parallel_loop3A_605 = arith.constant 112 : index
        %parallel_loop3A_606 = tpu.vector_load %arg14[%parallel_loop3A_604, %parallel_loop3A_605] {strides = array<i32>} : memref<128x128xf32, #tpu.memory_space<vmem>>, vector<16xf32>,
        tpu.vector_store %arg14[%parallel_loop3A_604, %parallel_loop3A_605], %parallel_loop3A_601 {strides = array<i32>} : memref<128x128xf32, #tpu.memory_space<vmem>>, vector<16xf32>,
        %parallel_loop3A_607 = vector.extract_strided_slice %parallel_loop3A_312 {offsets = [3], sizes = [1], strides = [1]} : vector<16xf32> to vector<1xf32>
        %parallel_loop3A_608 = vector.extract %parallel_loop3A_607[0] : f32 from vector<1xf32>
        %parallel_loop3A_609 = arith.constant 3 : i32
        %parallel_loop3A_610 = arith.addi %parallel_loop3A_310, %parallel_loop3A_609 : i32
        %parallel_loop3A_611 = arith.index_cast %parallel_loop3A_610 : i32 to index
        %parallel_loop3A_612 = arith.constant 0 : index
        %parallel_loop3A_613 = tpu.vector_load %arg14[%parallel_loop3A_611, %parallel_loop3A_612] {strides = array<i32>} : memref<128x128xf32, #tpu.memory_space<vmem>>, vector<16xf32>,
        %parallel_loop3A_614 = vector.broadcast %parallel_loop3A_608 : f32 to vector<16xf32>
        %parallel_loop3A_615 = arith.mulf %parallel_loop3A_613, %parallel_loop3A_614 : vector<16xf32>
        %parallel_loop3A_616 = arith.constant 3 : i32
        %parallel_loop3A_617 = arith.addi %parallel_loop3A_310, %parallel_loop3A_616 : i32
        %parallel_loop3A_618 = arith.index_cast %parallel_loop3A_617 : i32 to index
        %parallel_loop3A_619 = arith.constant 0 : index
        %parallel_loop3A_620 = tpu.vector_load %arg14[%parallel_loop3A_618, %parallel_loop3A_619] {strides = array<i32>} : memref<128x128xf32, #tpu.memory_space<vmem>>, vector<16xf32>,
        tpu.vector_store %arg14[%parallel_loop3A_618, %parallel_loop3A_619], %parallel_loop3A_615 {strides = array<i32>} : memref<128x128xf32, #tpu.memory_space<vmem>>, vector<16xf32>,
        %parallel_loop3A_621 = arith.constant 3 : i32
        %parallel_loop3A_622 = arith.addi %parallel_loop3A_310, %parallel_loop3A_621 : i32
        %parallel_loop3A_623 = arith.index_cast %parallel_loop3A_622 : i32 to index
        %parallel_loop3A_624 = arith.constant 16 : index
        %parallel_loop3A_625 = tpu.vector_load %arg14[%parallel_loop3A_623, %parallel_loop3A_624] {strides = array<i32>} : memref<128x128xf32, #tpu.memory_space<vmem>>, vector<16xf32>,
        %parallel_loop3A_626 = vector.broadcast %parallel_loop3A_608 : f32 to vector<16xf32>
        %parallel_loop3A_627 = arith.mulf %parallel_loop3A_625, %parallel_loop3A_626 : vector<16xf32>
        %parallel_loop3A_628 = arith.constant 3 : i32
        %parallel_loop3A_629 = arith.addi %parallel_loop3A_310, %parallel_loop3A_628 : i32
        %parallel_loop3A_630 = arith.index_cast %parallel_loop3A_629 : i32 to index
        %parallel_loop3A_631 = arith.constant 16 : index
        %parallel_loop3A_632 = tpu.vector_load %arg14[%parallel_loop3A_630, %parallel_loop3A_631] {strides = array<i32>} : memref<128x128xf32, #tpu.memory_space<vmem>>, vector<16xf32>,
        tpu.vector_store %arg14[%parallel_loop3A_630, %parallel_loop3A_631], %parallel_loop3A_627 {strides = array<i32>} : memref<128x128xf32, #tpu.memory_space<vmem>>, vector<16xf32>,
        %parallel_loop3A_633 = arith.constant 3 : i32
        %parallel_loop3A_634 = arith.addi %parallel_loop3A_310, %parallel_loop3A_633 : i32
        %parallel_loop3A_635 = arith.index_cast %parallel_loop3A_634 : i32 to index
        %parallel_loop3A_636 = arith.constant 32 : index
        %parallel_loop3A_637 = tpu.vector_load %arg14[%parallel_loop3A_635, %parallel_loop3A_636] {strides = array<i32>} : memref<128x128xf32, #tpu.memory_space<vmem>>, vector<16xf32>,
        %parallel_loop3A_638 = vector.broadcast %parallel_loop3A_608 : f32 to vector<16xf32>
        %parallel_loop3A_639 = arith.mulf %parallel_loop3A_637, %parallel_loop3A_638 : vector<16xf32>
        %parallel_loop3A_640 = arith.constant 3 : i32
        %parallel_loop3A_641 = arith.addi %parallel_loop3A_310, %parallel_loop3A_640 : i32
        %parallel_loop3A_642 = arith.index_cast %parallel_loop3A_641 : i32 to index
        %parallel_loop3A_643 = arith.constant 32 : index
        %parallel_loop3A_644 = tpu.vector_load %arg14[%parallel_loop3A_642, %parallel_loop3A_643] {strides = array<i32>} : memref<128x128xf32, #tpu.memory_space<vmem>>, vector<16xf32>,
        tpu.vector_store %arg14[%parallel_loop3A_642, %parallel_loop3A_643], %parallel_loop3A_639 {strides = array<i32>} : memref<128x128xf32, #tpu.memory_space<vmem>>, vector<16xf32>,
        %parallel_loop3A_645 = arith.constant 3 : i32
        %parallel_loop3A_646 = arith.addi %parallel_loop3A_310, %parallel_loop3A_645 : i32
        %parallel_loop3A_647 = arith.index_cast %parallel_loop3A_646 : i32 to index
        %parallel_loop3A_648 = arith.constant 48 : index
        %parallel_loop3A_649 = tpu.vector_load %arg14[%parallel_loop3A_647, %parallel_loop3A_648] {strides = array<i32>} : memref<128x128xf32, #tpu.memory_space<vmem>>, vector<16xf32>,
        %parallel_loop3A_650 = vector.broadcast %parallel_loop3A_608 : f32 to vector<16xf32>
        %parallel_loop3A_651 = arith.mulf %parallel_loop3A_649, %parallel_loop3A_650 : vector<16xf32>
        %parallel_loop3A_652 = arith.constant 3 : i32
        %parallel_loop3A_653 = arith.addi %parallel_loop3A_310, %parallel_loop3A_652 : i32
        %parallel_loop3A_654 = arith.index_cast %parallel_loop3A_653 : i32 to index
        %parallel_loop3A_655 = arith.constant 48 : index
        %parallel_loop3A_656 = tpu.vector_load %arg14[%parallel_loop3A_654, %parallel_loop3A_655] {strides = array<i32>} : memref<128x128xf32, #tpu.memory_space<vmem>>, vector<16xf32>,
        tpu.vector_store %arg14[%parallel_loop3A_654, %parallel_loop3A_655], %parallel_loop3A_651 {strides = array<i32>} : memref<128x128xf32, #tpu.memory_space<vmem>>, vector<16xf32>,
        %parallel_loop3A_657 = arith.constant 3 : i32
        %parallel_loop3A_658 = arith.addi %parallel_loop3A_310, %parallel_loop3A_657 : i32
        %parallel_loop3A_659 = arith.index_cast %parallel_loop3A_658 : i32 to index
        %parallel_loop3A_660 = arith.constant 64 : index
        %parallel_loop3A_661 = tpu.vector_load %arg14[%parallel_loop3A_659, %parallel_loop3A_660] {strides = array<i32>} : memref<128x128xf32, #tpu.memory_space<vmem>>, vector<16xf32>,
        %parallel_loop3A_662 = vector.broadcast %parallel_loop3A_608 : f32 to vector<16xf32>
        %parallel_loop3A_663 = arith.mulf %parallel_loop3A_661, %parallel_loop3A_662 : vector<16xf32>
        %parallel_loop3A_664 = arith.constant 3 : i32
        %parallel_loop3A_665 = arith.addi %parallel_loop3A_310, %parallel_loop3A_664 : i32
        %parallel_loop3A_666 = arith.index_cast %parallel_loop3A_665 : i32 to index
        %parallel_loop3A_667 = arith.constant 64 : index
        %parallel_loop3A_668 = tpu.vector_load %arg14[%parallel_loop3A_666, %parallel_loop3A_667] {strides = array<i32>} : memref<128x128xf32, #tpu.memory_space<vmem>>, vector<16xf32>,
        tpu.vector_store %arg14[%parallel_loop3A_666, %parallel_loop3A_667], %parallel_loop3A_663 {strides = array<i32>} : memref<128x128xf32, #tpu.memory_space<vmem>>, vector<16xf32>,
        %parallel_loop3A_669 = arith.constant 3 : i32
        %parallel_loop3A_670 = arith.addi %parallel_loop3A_310, %parallel_loop3A_669 : i32
        %parallel_loop3A_671 = arith.index_cast %parallel_loop3A_670 : i32 to index
        %parallel_loop3A_672 = arith.constant 80 : index
        %parallel_loop3A_673 = tpu.vector_load %arg14[%parallel_loop3A_671, %parallel_loop3A_672] {strides = array<i32>} : memref<128x128xf32, #tpu.memory_space<vmem>>, vector<16xf32>,
        %parallel_loop3A_674 = vector.broadcast %parallel_loop3A_608 : f32 to vector<16xf32>
        %parallel_loop3A_675 = arith.mulf %parallel_loop3A_673, %parallel_loop3A_674 : vector<16xf32>
        %parallel_loop3A_676 = arith.constant 3 : i32
        %parallel_loop3A_677 = arith.addi %parallel_loop3A_310, %parallel_loop3A_676 : i32
        %parallel_loop3A_678 = arith.index_cast %parallel_loop3A_677 : i32 to index
        %parallel_loop3A_679 = arith.constant 80 : index
        %parallel_loop3A_680 = tpu.vector_load %arg14[%parallel_loop3A_678, %parallel_loop3A_679] {strides = array<i32>} : memref<128x128xf32, #tpu.memory_space<vmem>>, vector<16xf32>,
        tpu.vector_store %arg14[%parallel_loop3A_678, %parallel_loop3A_679], %parallel_loop3A_675 {strides = array<i32>} : memref<128x128xf32, #tpu.memory_space<vmem>>, vector<16xf32>,
        %parallel_loop3A_681 = arith.constant 3 : i32
        %parallel_loop3A_682 = arith.addi %parallel_loop3A_310, %parallel_loop3A_681 : i32
        %parallel_loop3A_683 = arith.index_cast %parallel_loop3A_682 : i32 to index
        %parallel_loop3A_684 = arith.constant 96 : index
        %parallel_loop3A_685 = tpu.vector_load %arg14[%parallel_loop3A_683, %parallel_loop3A_684] {strides = array<i32>} : memref<128x128xf32, #tpu.memory_space<vmem>>, vector<16xf32>,
        %parallel_loop3A_686 = vector.broadcast %parallel_loop3A_608 : f32 to vector<16xf32>
        %parallel_loop3A_687 = arith.mulf %parallel_loop3A_685, %parallel_loop3A_686 : vector<16xf32>
        %parallel_loop3A_688 = arith.constant 3 : i32
        %parallel_loop3A_689 = arith.addi %parallel_loop3A_310, %parallel_loop3A_688 : i32
        %parallel_loop3A_690 = arith.index_cast %parallel_loop3A_689 : i32 to index
        %parallel_loop3A_691 = arith.constant 96 : index
        %parallel_loop3A_692 = tpu.vector_load %arg14[%parallel_loop3A_690, %parallel_loop3A_691] {strides = array<i32>} : memref<128x128xf32, #tpu.memory_space<vmem>>, vector<16xf32>,
        tpu.vector_store %arg14[%parallel_loop3A_690, %parallel_loop3A_691], %parallel_loop3A_687 {strides = array<i32>} : memref<128x128xf32, #tpu.memory_space<vmem>>, vector<16xf32>,
        %parallel_loop3A_693 = arith.constant 3 : i32
        %parallel_loop3A_694 = arith.addi %parallel_loop3A_310, %parallel_loop3A_693 : i32
        %parallel_loop3A_695 = arith.index_cast %parallel_loop3A_694 : i32 to index
        %parallel_loop3A_696 = arith.constant 112 : index
        %parallel_loop3A_697 = tpu.vector_load %arg14[%parallel_loop3A_695, %parallel_loop3A_696] {strides = array<i32>} : memref<128x128xf32, #tpu.memory_space<vmem>>, vector<16xf32>,
        %parallel_loop3A_698 = vector.broadcast %parallel_loop3A_608 : f32 to vector<16xf32>
        %parallel_loop3A_699 = arith.mulf %parallel_loop3A_697, %parallel_loop3A_698 : vector<16xf32>
        %parallel_loop3A_700 = arith.constant 3 : i32
        %parallel_loop3A_701 = arith.addi %parallel_loop3A_310, %parallel_loop3A_700 : i32
        %parallel_loop3A_702 = arith.index_cast %parallel_loop3A_701 : i32 to index
        %parallel_loop3A_703 = arith.constant 112 : index
        %parallel_loop3A_704 = tpu.vector_load %arg14[%parallel_loop3A_702, %parallel_loop3A_703] {strides = array<i32>} : memref<128x128xf32, #tpu.memory_space<vmem>>, vector<16xf32>,
        tpu.vector_store %arg14[%parallel_loop3A_702, %parallel_loop3A_703], %parallel_loop3A_699 {strides = array<i32>} : memref<128x128xf32, #tpu.memory_space<vmem>>, vector<16xf32>,
        %parallel_loop3A_705 = vector.extract_strided_slice %parallel_loop3A_312 {offsets = [4], sizes = [1], strides = [1]} : vector<16xf32> to vector<1xf32>
        %parallel_loop3A_706 = vector.extract %parallel_loop3A_705[0] : f32 from vector<1xf32>
        %parallel_loop3A_707 = arith.constant 4 : i32
        %parallel_loop3A_708 = arith.addi %parallel_loop3A_310, %parallel_loop3A_707 : i32
        %parallel_loop3A_709 = arith.index_cast %parallel_loop3A_708 : i32 to index
        %parallel_loop3A_710 = arith.constant 0 : index
        %parallel_loop3A_711 = tpu.vector_load %arg14[%parallel_loop3A_709, %parallel_loop3A_710] {strides = array<i32>} : memref<128x128xf32, #tpu.memory_space<vmem>>, vector<16xf32>,
        %parallel_loop3A_712 = vector.broadcast %parallel_loop3A_706 : f32 to vector<16xf32>
        %parallel_loop3A_713 = arith.mulf %parallel_loop3A_711, %parallel_loop3A_712 : vector<16xf32>
        %parallel_loop3A_714 = arith.constant 4 : i32
        %parallel_loop3A_715 = arith.addi %parallel_loop3A_310, %parallel_loop3A_714 : i32
        %parallel_loop3A_716 = arith.index_cast %parallel_loop3A_715 : i32 to index
        %parallel_loop3A_717 = arith.constant 0 : index
        %parallel_loop3A_718 = tpu.vector_load %arg14[%parallel_loop3A_716, %parallel_loop3A_717] {strides = array<i32>} : memref<128x128xf32, #tpu.memory_space<vmem>>, vector<16xf32>,
        tpu.vector_store %arg14[%parallel_loop3A_716, %parallel_loop3A_717], %parallel_loop3A_713 {strides = array<i32>} : memref<128x128xf32, #tpu.memory_space<vmem>>, vector<16xf32>,
        %parallel_loop3A_719 = arith.constant 4 : i32
        %parallel_loop3A_720 = arith.addi %parallel_loop3A_310, %parallel_loop3A_719 : i32
        %parallel_loop3A_721 = arith.index_cast %parallel_loop3A_720 : i32 to index
        %parallel_loop3A_722 = arith.constant 16 : index
        %parallel_loop3A_723 = tpu.vector_load %arg14[%parallel_loop3A_721, %parallel_loop3A_722] {strides = array<i32>} : memref<128x128xf32, #tpu.memory_space<vmem>>, vector<16xf32>,
        %parallel_loop3A_724 = vector.broadcast %parallel_loop3A_706 : f32 to vector<16xf32>
        %parallel_loop3A_725 = arith.mulf %parallel_loop3A_723, %parallel_loop3A_724 : vector<16xf32>
        %parallel_loop3A_726 = arith.constant 4 : i32
        %parallel_loop3A_727 = arith.addi %parallel_loop3A_310, %parallel_loop3A_726 : i32
        %parallel_loop3A_728 = arith.index_cast %parallel_loop3A_727 : i32 to index
        %parallel_loop3A_729 = arith.constant 16 : index
        %parallel_loop3A_730 = tpu.vector_load %arg14[%parallel_loop3A_728, %parallel_loop3A_729] {strides = array<i32>} : memref<128x128xf32, #tpu.memory_space<vmem>>, vector<16xf32>,
        tpu.vector_store %arg14[%parallel_loop3A_728, %parallel_loop3A_729], %parallel_loop3A_725 {strides = array<i32>} : memref<128x128xf32, #tpu.memory_space<vmem>>, vector<16xf32>,
        %parallel_loop3A_731 = arith.constant 4 : i32
        %parallel_loop3A_732 = arith.addi %parallel_loop3A_310, %parallel_loop3A_731 : i32
        %parallel_loop3A_733 = arith.index_cast %parallel_loop3A_732 : i32 to index
        %parallel_loop3A_734 = arith.constant 32 : index
        %parallel_loop3A_735 = tpu.vector_load %arg14[%parallel_loop3A_733, %parallel_loop3A_734] {strides = array<i32>} : memref<128x128xf32, #tpu.memory_space<vmem>>, vector<16xf32>,
        %parallel_loop3A_736 = vector.broadcast %parallel_loop3A_706 : f32 to vector<16xf32>
        %parallel_loop3A_737 = arith.mulf %parallel_loop3A_735, %parallel_loop3A_736 : vector<16xf32>
        %parallel_loop3A_738 = arith.constant 4 : i32
        %parallel_loop3A_739 = arith.addi %parallel_loop3A_310, %parallel_loop3A_738 : i32
        %parallel_loop3A_740 = arith.index_cast %parallel_loop3A_739 : i32 to index
        %parallel_loop3A_741 = arith.constant 32 : index
        %parallel_loop3A_742 = tpu.vector_load %arg14[%parallel_loop3A_740, %parallel_loop3A_741] {strides = array<i32>} : memref<128x128xf32, #tpu.memory_space<vmem>>, vector<16xf32>,
        tpu.vector_store %arg14[%parallel_loop3A_740, %parallel_loop3A_741], %parallel_loop3A_737 {strides = array<i32>} : memref<128x128xf32, #tpu.memory_space<vmem>>, vector<16xf32>,
        %parallel_loop3A_743 = arith.constant 4 : i32
        %parallel_loop3A_744 = arith.addi %parallel_loop3A_310, %parallel_loop3A_743 : i32
        %parallel_loop3A_745 = arith.index_cast %parallel_loop3A_744 : i32 to index
        %parallel_loop3A_746 = arith.constant 48 : index
        %parallel_loop3A_747 = tpu.vector_load %arg14[%parallel_loop3A_745, %parallel_loop3A_746] {strides = array<i32>} : memref<128x128xf32, #tpu.memory_space<vmem>>, vector<16xf32>,
        %parallel_loop3A_748 = vector.broadcast %parallel_loop3A_706 : f32 to vector<16xf32>
        %parallel_loop3A_749 = arith.mulf %parallel_loop3A_747, %parallel_loop3A_748 : vector<16xf32>
        %parallel_loop3A_750 = arith.constant 4 : i32
        %parallel_loop3A_751 = arith.addi %parallel_loop3A_310, %parallel_loop3A_750 : i32
        %parallel_loop3A_752 = arith.index_cast %parallel_loop3A_751 : i32 to index
        %parallel_loop3A_753 = arith.constant 48 : index
        %parallel_loop3A_754 = tpu.vector_load %arg14[%parallel_loop3A_752, %parallel_loop3A_753] {strides = array<i32>} : memref<128x128xf32, #tpu.memory_space<vmem>>, vector<16xf32>,
        tpu.vector_store %arg14[%parallel_loop3A_752, %parallel_loop3A_753], %parallel_loop3A_749 {strides = array<i32>} : memref<128x128xf32, #tpu.memory_space<vmem>>, vector<16xf32>,
        %parallel_loop3A_755 = arith.constant 4 : i32
        %parallel_loop3A_756 = arith.addi %parallel_loop3A_310, %parallel_loop3A_755 : i32
        %parallel_loop3A_757 = arith.index_cast %parallel_loop3A_756 : i32 to index
        %parallel_loop3A_758 = arith.constant 64 : index
        %parallel_loop3A_759 = tpu.vector_load %arg14[%parallel_loop3A_757, %parallel_loop3A_758] {strides = array<i32>} : memref<128x128xf32, #tpu.memory_space<vmem>>, vector<16xf32>,
        %parallel_loop3A_760 = vector.broadcast %parallel_loop3A_706 : f32 to vector<16xf32>
        %parallel_loop3A_761 = arith.mulf %parallel_loop3A_759, %parallel_loop3A_760 : vector<16xf32>
        %parallel_loop3A_762 = arith.constant 4 : i32
        %parallel_loop3A_763 = arith.addi %parallel_loop3A_310, %parallel_loop3A_762 : i32
        %parallel_loop3A_764 = arith.index_cast %parallel_loop3A_763 : i32 to index
        %parallel_loop3A_765 = arith.constant 64 : index
        %parallel_loop3A_766 = tpu.vector_load %arg14[%parallel_loop3A_764, %parallel_loop3A_765] {strides = array<i32>} : memref<128x128xf32, #tpu.memory_space<vmem>>, vector<16xf32>,
        tpu.vector_store %arg14[%parallel_loop3A_764, %parallel_loop3A_765], %parallel_loop3A_761 {strides = array<i32>} : memref<128x128xf32, #tpu.memory_space<vmem>>, vector<16xf32>,
        %parallel_loop3A_767 = arith.constant 4 : i32
        %parallel_loop3A_768 = arith.addi %parallel_loop3A_310, %parallel_loop3A_767 : i32
        %parallel_loop3A_769 = arith.index_cast %parallel_loop3A_768 : i32 to index
        %parallel_loop3A_770 = arith.constant 80 : index
        %parallel_loop3A_771 = tpu.vector_load %arg14[%parallel_loop3A_769, %parallel_loop3A_770] {strides = array<i32>} : memref<128x128xf32, #tpu.memory_space<vmem>>, vector<16xf32>,
        %parallel_loop3A_772 = vector.broadcast %parallel_loop3A_706 : f32 to vector<16xf32>
        %parallel_loop3A_773 = arith.mulf %parallel_loop3A_771, %parallel_loop3A_772 : vector<16xf32>
        %parallel_loop3A_774 = arith.constant 4 : i32
        %parallel_loop3A_775 = arith.addi %parallel_loop3A_310, %parallel_loop3A_774 : i32
        %parallel_loop3A_776 = arith.index_cast %parallel_loop3A_775 : i32 to index
        %parallel_loop3A_777 = arith.constant 80 : index
        %parallel_loop3A_778 = tpu.vector_load %arg14[%parallel_loop3A_776, %parallel_loop3A_777] {strides = array<i32>} : memref<128x128xf32, #tpu.memory_space<vmem>>, vector<16xf32>,
        tpu.vector_store %arg14[%parallel_loop3A_776, %parallel_loop3A_777], %parallel_loop3A_773 {strides = array<i32>} : memref<128x128xf32, #tpu.memory_space<vmem>>, vector<16xf32>,
        %parallel_loop3A_779 = arith.constant 4 : i32
        %parallel_loop3A_780 = arith.addi %parallel_loop3A_310, %parallel_loop3A_779 : i32
        %parallel_loop3A_781 = arith.index_cast %parallel_loop3A_780 : i32 to index
        %parallel_loop3A_782 = arith.constant 96 : index
        %parallel_loop3A_783 = tpu.vector_load %arg14[%parallel_loop3A_781, %parallel_loop3A_782] {strides = array<i32>} : memref<128x128xf32, #tpu.memory_space<vmem>>, vector<16xf32>,
        %parallel_loop3A_784 = vector.broadcast %parallel_loop3A_706 : f32 to vector<16xf32>
        %parallel_loop3A_785 = arith.mulf %parallel_loop3A_783, %parallel_loop3A_784 : vector<16xf32>
        %parallel_loop3A_786 = arith.constant 4 : i32
        %parallel_loop3A_787 = arith.addi %parallel_loop3A_310, %parallel_loop3A_786 : i32
        %parallel_loop3A_788 = arith.index_cast %parallel_loop3A_787 : i32 to index
        %parallel_loop3A_789 = arith.constant 96 : index
        %parallel_loop3A_790 = tpu.vector_load %arg14[%parallel_loop3A_788, %parallel_loop3A_789] {strides = array<i32>} : memref<128x128xf32, #tpu.memory_space<vmem>>, vector<16xf32>,
        tpu.vector_store %arg14[%parallel_loop3A_788, %parallel_loop3A_789], %parallel_loop3A_785 {strides = array<i32>} : memref<128x128xf32, #tpu.memory_space<vmem>>, vector<16xf32>,
        %parallel_loop3A_791 = arith.constant 4 : i32
        %parallel_loop3A_792 = arith.addi %parallel_loop3A_310, %parallel_loop3A_791 : i32
        %parallel_loop3A_793 = arith.index_cast %parallel_loop3A_792 : i32 to index
        %parallel_loop3A_794 = arith.constant 112 : index
        %parallel_loop3A_795 = tpu.vector_load %arg14[%parallel_loop3A_793, %parallel_loop3A_794] {strides = array<i32>} : memref<128x128xf32, #tpu.memory_space<vmem>>, vector<16xf32>,
        %parallel_loop3A_796 = vector.broadcast %parallel_loop3A_706 : f32 to vector<16xf32>
        %parallel_loop3A_797 = arith.mulf %parallel_loop3A_795, %parallel_loop3A_796 : vector<16xf32>
        %parallel_loop3A_798 = arith.constant 4 : i32
        %parallel_loop3A_799 = arith.addi %parallel_loop3A_310, %parallel_loop3A_798 : i32
        %parallel_loop3A_800 = arith.index_cast %parallel_loop3A_799 : i32 to index
        %parallel_loop3A_801 = arith.constant 112 : index
        %parallel_loop3A_802 = tpu.vector_load %arg14[%parallel_loop3A_800, %parallel_loop3A_801] {strides = array<i32>} : memref<128x128xf32, #tpu.memory_space<vmem>>, vector<16xf32>,
        tpu.vector_store %arg14[%parallel_loop3A_800, %parallel_loop3A_801], %parallel_loop3A_797 {strides = array<i32>} : memref<128x128xf32, #tpu.memory_space<vmem>>, vector<16xf32>,
        %parallel_loop3A_803 = vector.extract_strided_slice %parallel_loop3A_312 {offsets = [5], sizes = [1], strides = [1]} : vector<16xf32> to vector<1xf32>
        %parallel_loop3A_804 = vector.extract %parallel_loop3A_803[0] : f32 from vector<1xf32>
        %parallel_loop3A_805 = arith.constant 5 : i32
        %parallel_loop3A_806 = arith.addi %parallel_loop3A_310, %parallel_loop3A_805 : i32
        %parallel_loop3A_807 = arith.index_cast %parallel_loop3A_806 : i32 to index
        %parallel_loop3A_808 = arith.constant 0 : index
        %parallel_loop3A_809 = tpu.vector_load %arg14[%parallel_loop3A_807, %parallel_loop3A_808] {strides = array<i32>} : memref<128x128xf32, #tpu.memory_space<vmem>>, vector<16xf32>,
        %parallel_loop3A_810 = vector.broadcast %parallel_loop3A_804 : f32 to vector<16xf32>
        %parallel_loop3A_811 = arith.mulf %parallel_loop3A_809, %parallel_loop3A_810 : vector<16xf32>
        %parallel_loop3A_812 = arith.constant 5 : i32
        %parallel_loop3A_813 = arith.addi %parallel_loop3A_310, %parallel_loop3A_812 : i32
        %parallel_loop3A_814 = arith.index_cast %parallel_loop3A_813 : i32 to index
        %parallel_loop3A_815 = arith.constant 0 : index
        %parallel_loop3A_816 = tpu.vector_load %arg14[%parallel_loop3A_814, %parallel_loop3A_815] {strides = array<i32>} : memref<128x128xf32, #tpu.memory_space<vmem>>, vector<16xf32>,
        tpu.vector_store %arg14[%parallel_loop3A_814, %parallel_loop3A_815], %parallel_loop3A_811 {strides = array<i32>} : memref<128x128xf32, #tpu.memory_space<vmem>>, vector<16xf32>,
        %parallel_loop3A_817 = arith.constant 5 : i32
        %parallel_loop3A_818 = arith.addi %parallel_loop3A_310, %parallel_loop3A_817 : i32
        %parallel_loop3A_819 = arith.index_cast %parallel_loop3A_818 : i32 to index
        %parallel_loop3A_820 = arith.constant 16 : index
        %parallel_loop3A_821 = tpu.vector_load %arg14[%parallel_loop3A_819, %parallel_loop3A_820] {strides = array<i32>} : memref<128x128xf32, #tpu.memory_space<vmem>>, vector<16xf32>,
        %parallel_loop3A_822 = vector.broadcast %parallel_loop3A_804 : f32 to vector<16xf32>
        %parallel_loop3A_823 = arith.mulf %parallel_loop3A_821, %parallel_loop3A_822 : vector<16xf32>
        %parallel_loop3A_824 = arith.constant 5 : i32
        %parallel_loop3A_825 = arith.addi %parallel_loop3A_310, %parallel_loop3A_824 : i32
        %parallel_loop3A_826 = arith.index_cast %parallel_loop3A_825 : i32 to index
        %parallel_loop3A_827 = arith.constant 16 : index
        %parallel_loop3A_828 = tpu.vector_load %arg14[%parallel_loop3A_826, %parallel_loop3A_827] {strides = array<i32>} : memref<128x128xf32, #tpu.memory_space<vmem>>, vector<16xf32>,
        tpu.vector_store %arg14[%parallel_loop3A_826, %parallel_loop3A_827], %parallel_loop3A_823 {strides = array<i32>} : memref<128x128xf32, #tpu.memory_space<vmem>>, vector<16xf32>,
        %parallel_loop3A_829 = arith.constant 5 : i32
        %parallel_loop3A_830 = arith.addi %parallel_loop3A_310, %parallel_loop3A_829 : i32
        %parallel_loop3A_831 = arith.index_cast %parallel_loop3A_830 : i32 to index
        %parallel_loop3A_832 = arith.constant 32 : index
        %parallel_loop3A_833 = tpu.vector_load %arg14[%parallel_loop3A_831, %parallel_loop3A_832] {strides = array<i32>} : memref<128x128xf32, #tpu.memory_space<vmem>>, vector<16xf32>,
        %parallel_loop3A_834 = vector.broadcast %parallel_loop3A_804 : f32 to vector<16xf32>
        %parallel_loop3A_835 = arith.mulf %parallel_loop3A_833, %parallel_loop3A_834 : vector<16xf32>
        %parallel_loop3A_836 = arith.constant 5 : i32
        %parallel_loop3A_837 = arith.addi %parallel_loop3A_310, %parallel_loop3A_836 : i32
        %parallel_loop3A_838 = arith.index_cast %parallel_loop3A_837 : i32 to index
        %parallel_loop3A_839 = arith.constant 32 : index
        %parallel_loop3A_840 = tpu.vector_load %arg14[%parallel_loop3A_838, %parallel_loop3A_839] {strides = array<i32>} : memref<128x128xf32, #tpu.memory_space<vmem>>, vector<16xf32>,
        tpu.vector_store %arg14[%parallel_loop3A_838, %parallel_loop3A_839], %parallel_loop3A_835 {strides = array<i32>} : memref<128x128xf32, #tpu.memory_space<vmem>>, vector<16xf32>,
        %parallel_loop3A_841 = arith.constant 5 : i32
        %parallel_loop3A_842 = arith.addi %parallel_loop3A_310, %parallel_loop3A_841 : i32
        %parallel_loop3A_843 = arith.index_cast %parallel_loop3A_842 : i32 to index
        %parallel_loop3A_844 = arith.constant 48 : index
        %parallel_loop3A_845 = tpu.vector_load %arg14[%parallel_loop3A_843, %parallel_loop3A_844] {strides = array<i32>} : memref<128x128xf32, #tpu.memory_space<vmem>>, vector<16xf32>,
        %parallel_loop3A_846 = vector.broadcast %parallel_loop3A_804 : f32 to vector<16xf32>
        %parallel_loop3A_847 = arith.mulf %parallel_loop3A_845, %parallel_loop3A_846 : vector<16xf32>
        %parallel_loop3A_848 = arith.constant 5 : i32
        %parallel_loop3A_849 = arith.addi %parallel_loop3A_310, %parallel_loop3A_848 : i32
        %parallel_loop3A_850 = arith.index_cast %parallel_loop3A_849 : i32 to index
        %parallel_loop3A_851 = arith.constant 48 : index
        %parallel_loop3A_852 = tpu.vector_load %arg14[%parallel_loop3A_850, %parallel_loop3A_851] {strides = array<i32>} : memref<128x128xf32, #tpu.memory_space<vmem>>, vector<16xf32>,
        tpu.vector_store %arg14[%parallel_loop3A_850, %parallel_loop3A_851], %parallel_loop3A_847 {strides = array<i32>} : memref<128x128xf32, #tpu.memory_space<vmem>>, vector<16xf32>,
        %parallel_loop3A_853 = arith.constant 5 : i32
        %parallel_loop3A_854 = arith.addi %parallel_loop3A_310, %parallel_loop3A_853 : i32
        %parallel_loop3A_855 = arith.index_cast %parallel_loop3A_854 : i32 to index
        %parallel_loop3A_856 = arith.constant 64 : index
        %parallel_loop3A_857 = tpu.vector_load %arg14[%parallel_loop3A_855, %parallel_loop3A_856] {strides = array<i32>} : memref<128x128xf32, #tpu.memory_space<vmem>>, vector<16xf32>,
        %parallel_loop3A_858 = vector.broadcast %parallel_loop3A_804 : f32 to vector<16xf32>
        %parallel_loop3A_859 = arith.mulf %parallel_loop3A_857, %parallel_loop3A_858 : vector<16xf32>
        %parallel_loop3A_860 = arith.constant 5 : i32
        %parallel_loop3A_861 = arith.addi %parallel_loop3A_310, %parallel_loop3A_860 : i32
        %parallel_loop3A_862 = arith.index_cast %parallel_loop3A_861 : i32 to index
        %parallel_loop3A_863 = arith.constant 64 : index
        %parallel_loop3A_864 = tpu.vector_load %arg14[%parallel_loop3A_862, %parallel_loop3A_863] {strides = array<i32>} : memref<128x128xf32, #tpu.memory_space<vmem>>, vector<16xf32>,
        tpu.vector_store %arg14[%parallel_loop3A_862, %parallel_loop3A_863], %parallel_loop3A_859 {strides = array<i32>} : memref<128x128xf32, #tpu.memory_space<vmem>>, vector<16xf32>,
        %parallel_loop3A_865 = arith.constant 5 : i32
        %parallel_loop3A_866 = arith.addi %parallel_loop3A_310, %parallel_loop3A_865 : i32
        %parallel_loop3A_867 = arith.index_cast %parallel_loop3A_866 : i32 to index
        %parallel_loop3A_868 = arith.constant 80 : index
        %parallel_loop3A_869 = tpu.vector_load %arg14[%parallel_loop3A_867, %parallel_loop3A_868] {strides = array<i32>} : memref<128x128xf32, #tpu.memory_space<vmem>>, vector<16xf32>,
        %parallel_loop3A_870 = vector.broadcast %parallel_loop3A_804 : f32 to vector<16xf32>
        %parallel_loop3A_871 = arith.mulf %parallel_loop3A_869, %parallel_loop3A_870 : vector<16xf32>
        %parallel_loop3A_872 = arith.constant 5 : i32
        %parallel_loop3A_873 = arith.addi %parallel_loop3A_310, %parallel_loop3A_872 : i32
        %parallel_loop3A_874 = arith.index_cast %parallel_loop3A_873 : i32 to index
        %parallel_loop3A_875 = arith.constant 80 : index
        %parallel_loop3A_876 = tpu.vector_load %arg14[%parallel_loop3A_874, %parallel_loop3A_875] {strides = array<i32>} : memref<128x128xf32, #tpu.memory_space<vmem>>, vector<16xf32>,
        tpu.vector_store %arg14[%parallel_loop3A_874, %parallel_loop3A_875], %parallel_loop3A_871 {strides = array<i32>} : memref<128x128xf32, #tpu.memory_space<vmem>>, vector<16xf32>,
        %parallel_loop3A_877 = arith.constant 5 : i32
        %parallel_loop3A_878 = arith.addi %parallel_loop3A_310, %parallel_loop3A_877 : i32
        %parallel_loop3A_879 = arith.index_cast %parallel_loop3A_878 : i32 to index
        %parallel_loop3A_880 = arith.constant 96 : index
        %parallel_loop3A_881 = tpu.vector_load %arg14[%parallel_loop3A_879, %parallel_loop3A_880] {strides = array<i32>} : memref<128x128xf32, #tpu.memory_space<vmem>>, vector<16xf32>,
        %parallel_loop3A_882 = vector.broadcast %parallel_loop3A_804 : f32 to vector<16xf32>
        %parallel_loop3A_883 = arith.mulf %parallel_loop3A_881, %parallel_loop3A_882 : vector<16xf32>
        %parallel_loop3A_884 = arith.constant 5 : i32
        %parallel_loop3A_885 = arith.addi %parallel_loop3A_310, %parallel_loop3A_884 : i32
        %parallel_loop3A_886 = arith.index_cast %parallel_loop3A_885 : i32 to index
        %parallel_loop3A_887 = arith.constant 96 : index
        %parallel_loop3A_888 = tpu.vector_load %arg14[%parallel_loop3A_886, %parallel_loop3A_887] {strides = array<i32>} : memref<128x128xf32, #tpu.memory_space<vmem>>, vector<16xf32>,
        tpu.vector_store %arg14[%parallel_loop3A_886, %parallel_loop3A_887], %parallel_loop3A_883 {strides = array<i32>} : memref<128x128xf32, #tpu.memory_space<vmem>>, vector<16xf32>,
        %parallel_loop3A_889 = arith.constant 5 : i32
        %parallel_loop3A_890 = arith.addi %parallel_loop3A_310, %parallel_loop3A_889 : i32
        %parallel_loop3A_891 = arith.index_cast %parallel_loop3A_890 : i32 to index
        %parallel_loop3A_892 = arith.constant 112 : index
        %parallel_loop3A_893 = tpu.vector_load %arg14[%parallel_loop3A_891, %parallel_loop3A_892] {strides = array<i32>} : memref<128x128xf32, #tpu.memory_space<vmem>>, vector<16xf32>,
        %parallel_loop3A_894 = vector.broadcast %parallel_loop3A_804 : f32 to vector<16xf32>
        %parallel_loop3A_895 = arith.mulf %parallel_loop3A_893, %parallel_loop3A_894 : vector<16xf32>
        %parallel_loop3A_896 = arith.constant 5 : i32
        %parallel_loop3A_897 = arith.addi %parallel_loop3A_310, %parallel_loop3A_896 : i32
        %parallel_loop3A_898 = arith.index_cast %parallel_loop3A_897 : i32 to index
        %parallel_loop3A_899 = arith.constant 112 : index
        %parallel_loop3A_900 = tpu.vector_load %arg14[%parallel_loop3A_898, %parallel_loop3A_899] {strides = array<i32>} : memref<128x128xf32, #tpu.memory_space<vmem>>, vector<16xf32>,
        tpu.vector_store %arg14[%parallel_loop3A_898, %parallel_loop3A_899], %parallel_loop3A_895 {strides = array<i32>} : memref<128x128xf32, #tpu.memory_space<vmem>>, vector<16xf32>,
        %parallel_loop3A_901 = vector.extract_strided_slice %parallel_loop3A_312 {offsets = [6], sizes = [1], strides = [1]} : vector<16xf32> to vector<1xf32>
        %parallel_loop3A_902 = vector.extract %parallel_loop3A_901[0] : f32 from vector<1xf32>
        %parallel_loop3A_903 = arith.constant 6 : i32
        %parallel_loop3A_904 = arith.addi %parallel_loop3A_310, %parallel_loop3A_903 : i32
        %parallel_loop3A_905 = arith.index_cast %parallel_loop3A_904 : i32 to index
        %parallel_loop3A_906 = arith.constant 0 : index
        %parallel_loop3A_907 = tpu.vector_load %arg14[%parallel_loop3A_905, %parallel_loop3A_906] {strides = array<i32>} : memref<128x128xf32, #tpu.memory_space<vmem>>, vector<16xf32>,
        %parallel_loop3A_908 = vector.broadcast %parallel_loop3A_902 : f32 to vector<16xf32>
        %parallel_loop3A_909 = arith.mulf %parallel_loop3A_907, %parallel_loop3A_908 : vector<16xf32>
        %parallel_loop3A_910 = arith.constant 6 : i32
        %parallel_loop3A_911 = arith.addi %parallel_loop3A_310, %parallel_loop3A_910 : i32
        %parallel_loop3A_912 = arith.index_cast %parallel_loop3A_911 : i32 to index
        %parallel_loop3A_913 = arith.constant 0 : index
        %parallel_loop3A_914 = tpu.vector_load %arg14[%parallel_loop3A_912, %parallel_loop3A_913] {strides = array<i32>} : memref<128x128xf32, #tpu.memory_space<vmem>>, vector<16xf32>,
        tpu.vector_store %arg14[%parallel_loop3A_912, %parallel_loop3A_913], %parallel_loop3A_909 {strides = array<i32>} : memref<128x128xf32, #tpu.memory_space<vmem>>, vector<16xf32>,
        %parallel_loop3A_915 = arith.constant 6 : i32
        %parallel_loop3A_916 = arith.addi %parallel_loop3A_310, %parallel_loop3A_915 : i32
        %parallel_loop3A_917 = arith.index_cast %parallel_loop3A_916 : i32 to index
        %parallel_loop3A_918 = arith.constant 16 : index
        %parallel_loop3A_919 = tpu.vector_load %arg14[%parallel_loop3A_917, %parallel_loop3A_918] {strides = array<i32>} : memref<128x128xf32, #tpu.memory_space<vmem>>, vector<16xf32>,
        %parallel_loop3A_920 = vector.broadcast %parallel_loop3A_902 : f32 to vector<16xf32>
        %parallel_loop3A_921 = arith.mulf %parallel_loop3A_919, %parallel_loop3A_920 : vector<16xf32>
        %parallel_loop3A_922 = arith.constant 6 : i32
        %parallel_loop3A_923 = arith.addi %parallel_loop3A_310, %parallel_loop3A_922 : i32
        %parallel_loop3A_924 = arith.index_cast %parallel_loop3A_923 : i32 to index
        %parallel_loop3A_925 = arith.constant 16 : index
        %parallel_loop3A_926 = tpu.vector_load %arg14[%parallel_loop3A_924, %parallel_loop3A_925] {strides = array<i32>} : memref<128x128xf32, #tpu.memory_space<vmem>>, vector<16xf32>,
        tpu.vector_store %arg14[%parallel_loop3A_924, %parallel_loop3A_925], %parallel_loop3A_921 {strides = array<i32>} : memref<128x128xf32, #tpu.memory_space<vmem>>, vector<16xf32>,
        %parallel_loop3A_927 = arith.constant 6 : i32
        %parallel_loop3A_928 = arith.addi %parallel_loop3A_310, %parallel_loop3A_927 : i32
        %parallel_loop3A_929 = arith.index_cast %parallel_loop3A_928 : i32 to index
        %parallel_loop3A_930 = arith.constant 32 : index
        %parallel_loop3A_931 = tpu.vector_load %arg14[%parallel_loop3A_929, %parallel_loop3A_930] {strides = array<i32>} : memref<128x128xf32, #tpu.memory_space<vmem>>, vector<16xf32>,
        %parallel_loop3A_932 = vector.broadcast %parallel_loop3A_902 : f32 to vector<16xf32>
        %parallel_loop3A_933 = arith.mulf %parallel_loop3A_931, %parallel_loop3A_932 : vector<16xf32>
        %parallel_loop3A_934 = arith.constant 6 : i32
        %parallel_loop3A_935 = arith.addi %parallel_loop3A_310, %parallel_loop3A_934 : i32
        %parallel_loop3A_936 = arith.index_cast %parallel_loop3A_935 : i32 to index
        %parallel_loop3A_937 = arith.constant 32 : index
        %parallel_loop3A_938 = tpu.vector_load %arg14[%parallel_loop3A_936, %parallel_loop3A_937] {strides = array<i32>} : memref<128x128xf32, #tpu.memory_space<vmem>>, vector<16xf32>,
        tpu.vector_store %arg14[%parallel_loop3A_936, %parallel_loop3A_937], %parallel_loop3A_933 {strides = array<i32>} : memref<128x128xf32, #tpu.memory_space<vmem>>, vector<16xf32>,
        %parallel_loop3A_939 = arith.constant 6 : i32
        %parallel_loop3A_940 = arith.addi %parallel_loop3A_310, %parallel_loop3A_939 : i32
        %parallel_loop3A_941 = arith.index_cast %parallel_loop3A_940 : i32 to index
        %parallel_loop3A_942 = arith.constant 48 : index
        %parallel_loop3A_943 = tpu.vector_load %arg14[%parallel_loop3A_941, %parallel_loop3A_942] {strides = array<i32>} : memref<128x128xf32, #tpu.memory_space<vmem>>, vector<16xf32>,
        %parallel_loop3A_944 = vector.broadcast %parallel_loop3A_902 : f32 to vector<16xf32>
        %parallel_loop3A_945 = arith.mulf %parallel_loop3A_943, %parallel_loop3A_944 : vector<16xf32>
        %parallel_loop3A_946 = arith.constant 6 : i32
        %parallel_loop3A_947 = arith.addi %parallel_loop3A_310, %parallel_loop3A_946 : i32
        %parallel_loop3A_948 = arith.index_cast %parallel_loop3A_947 : i32 to index
        %parallel_loop3A_949 = arith.constant 48 : index
        %parallel_loop3A_950 = tpu.vector_load %arg14[%parallel_loop3A_948, %parallel_loop3A_949] {strides = array<i32>} : memref<128x128xf32, #tpu.memory_space<vmem>>, vector<16xf32>,
        tpu.vector_store %arg14[%parallel_loop3A_948, %parallel_loop3A_949], %parallel_loop3A_945 {strides = array<i32>} : memref<128x128xf32, #tpu.memory_space<vmem>>, vector<16xf32>,
        %parallel_loop3A_951 = arith.constant 6 : i32
        %parallel_loop3A_952 = arith.addi %parallel_loop3A_310, %parallel_loop3A_951 : i32
        %parallel_loop3A_953 = arith.index_cast %parallel_loop3A_952 : i32 to index
        %parallel_loop3A_954 = arith.constant 64 : index
        %parallel_loop3A_955 = tpu.vector_load %arg14[%parallel_loop3A_953, %parallel_loop3A_954] {strides = array<i32>} : memref<128x128xf32, #tpu.memory_space<vmem>>, vector<16xf32>,
        %parallel_loop3A_956 = vector.broadcast %parallel_loop3A_902 : f32 to vector<16xf32>
        %parallel_loop3A_957 = arith.mulf %parallel_loop3A_955, %parallel_loop3A_956 : vector<16xf32>
        %parallel_loop3A_958 = arith.constant 6 : i32
        %parallel_loop3A_959 = arith.addi %parallel_loop3A_310, %parallel_loop3A_958 : i32
        %parallel_loop3A_960 = arith.index_cast %parallel_loop3A_959 : i32 to index
        %parallel_loop3A_961 = arith.constant 64 : index
        %parallel_loop3A_962 = tpu.vector_load %arg14[%parallel_loop3A_960, %parallel_loop3A_961] {strides = array<i32>} : memref<128x128xf32, #tpu.memory_space<vmem>>, vector<16xf32>,
        tpu.vector_store %arg14[%parallel_loop3A_960, %parallel_loop3A_961], %parallel_loop3A_957 {strides = array<i32>} : memref<128x128xf32, #tpu.memory_space<vmem>>, vector<16xf32>,
        %parallel_loop3A_963 = arith.constant 6 : i32
        %parallel_loop3A_964 = arith.addi %parallel_loop3A_310, %parallel_loop3A_963 : i32
        %parallel_loop3A_965 = arith.index_cast %parallel_loop3A_964 : i32 to index
        %parallel_loop3A_966 = arith.constant 80 : index
        %parallel_loop3A_967 = tpu.vector_load %arg14[%parallel_loop3A_965, %parallel_loop3A_966] {strides = array<i32>} : memref<128x128xf32, #tpu.memory_space<vmem>>, vector<16xf32>,
        %parallel_loop3A_968 = vector.broadcast %parallel_loop3A_902 : f32 to vector<16xf32>
        %parallel_loop3A_969 = arith.mulf %parallel_loop3A_967, %parallel_loop3A_968 : vector<16xf32>
        %parallel_loop3A_970 = arith.constant 6 : i32
        %parallel_loop3A_971 = arith.addi %parallel_loop3A_310, %parallel_loop3A_970 : i32
        %parallel_loop3A_972 = arith.index_cast %parallel_loop3A_971 : i32 to index
        %parallel_loop3A_973 = arith.constant 80 : index
        %parallel_loop3A_974 = tpu.vector_load %arg14[%parallel_loop3A_972, %parallel_loop3A_973] {strides = array<i32>} : memref<128x128xf32, #tpu.memory_space<vmem>>, vector<16xf32>,
        tpu.vector_store %arg14[%parallel_loop3A_972, %parallel_loop3A_973], %parallel_loop3A_969 {strides = array<i32>} : memref<128x128xf32, #tpu.memory_space<vmem>>, vector<16xf32>,
        %parallel_loop3A_975 = arith.constant 6 : i32
        %parallel_loop3A_976 = arith.addi %parallel_loop3A_310, %parallel_loop3A_975 : i32
        %parallel_loop3A_977 = arith.index_cast %parallel_loop3A_976 : i32 to index
        %parallel_loop3A_978 = arith.constant 96 : index
        %parallel_loop3A_979 = tpu.vector_load %arg14[%parallel_loop3A_977, %parallel_loop3A_978] {strides = array<i32>} : memref<128x128xf32, #tpu.memory_space<vmem>>, vector<16xf32>,
        %parallel_loop3A_980 = vector.broadcast %parallel_loop3A_902 : f32 to vector<16xf32>
        %parallel_loop3A_981 = arith.mulf %parallel_loop3A_979, %parallel_loop3A_980 : vector<16xf32>
        %parallel_loop3A_982 = arith.constant 6 : i32
        %parallel_loop3A_983 = arith.addi %parallel_loop3A_310, %parallel_loop3A_982 : i32
        %parallel_loop3A_984 = arith.index_cast %parallel_loop3A_983 : i32 to index
        %parallel_loop3A_985 = arith.constant 96 : index
        %parallel_loop3A_986 = tpu.vector_load %arg14[%parallel_loop3A_984, %parallel_loop3A_985] {strides = array<i32>} : memref<128x128xf32, #tpu.memory_space<vmem>>, vector<16xf32>,
        tpu.vector_store %arg14[%parallel_loop3A_984, %parallel_loop3A_985], %parallel_loop3A_981 {strides = array<i32>} : memref<128x128xf32, #tpu.memory_space<vmem>>, vector<16xf32>,
        %parallel_loop3A_987 = arith.constant 6 : i32
        %parallel_loop3A_988 = arith.addi %parallel_loop3A_310, %parallel_loop3A_987 : i32
        %parallel_loop3A_989 = arith.index_cast %parallel_loop3A_988 : i32 to index
        %parallel_loop3A_990 = arith.constant 112 : index
        %parallel_loop3A_991 = tpu.vector_load %arg14[%parallel_loop3A_989, %parallel_loop3A_990] {strides = array<i32>} : memref<128x128xf32, #tpu.memory_space<vmem>>, vector<16xf32>,
        %parallel_loop3A_992 = vector.broadcast %parallel_loop3A_902 : f32 to vector<16xf32>
        %parallel_loop3A_993 = arith.mulf %parallel_loop3A_991, %parallel_loop3A_992 : vector<16xf32>
        %parallel_loop3A_994 = arith.constant 6 : i32
        %parallel_loop3A_995 = arith.addi %parallel_loop3A_310, %parallel_loop3A_994 : i32
        %parallel_loop3A_996 = arith.index_cast %parallel_loop3A_995 : i32 to index
        %parallel_loop3A_997 = arith.constant 112 : index
        %parallel_loop3A_998 = tpu.vector_load %arg14[%parallel_loop3A_996, %parallel_loop3A_997] {strides = array<i32>} : memref<128x128xf32, #tpu.memory_space<vmem>>, vector<16xf32>,
        tpu.vector_store %arg14[%parallel_loop3A_996, %parallel_loop3A_997], %parallel_loop3A_993 {strides = array<i32>} : memref<128x128xf32, #tpu.memory_space<vmem>>, vector<16xf32>,
        %parallel_loop3A_999 = vector.extract_strided_slice %parallel_loop3A_312 {offsets = [7], sizes = [1], strides = [1]} : vector<16xf32> to vector<1xf32>
        %parallel_loop3A_1000 = vector.extract %parallel_loop3A_999[0] : f32 from vector<1xf32>
        %parallel_loop3A_1001 = arith.constant 7 : i32
        %parallel_loop3A_1002 = arith.addi %parallel_loop3A_310, %parallel_loop3A_1001 : i32
        %parallel_loop3A_1003 = arith.index_cast %parallel_loop3A_1002 : i32 to index
        %parallel_loop3A_1004 = arith.constant 0 : index
        %parallel_loop3A_1005 = tpu.vector_load %arg14[%parallel_loop3A_1003, %parallel_loop3A_1004] {strides = array<i32>} : memref<128x128xf32, #tpu.memory_space<vmem>>, vector<16xf32>,
        %parallel_loop3A_1006 = vector.broadcast %parallel_loop3A_1000 : f32 to vector<16xf32>
        %parallel_loop3A_1007 = arith.mulf %parallel_loop3A_1005, %parallel_loop3A_1006 : vector<16xf32>
        %parallel_loop3A_1008 = arith.constant 7 : i32
        %parallel_loop3A_1009 = arith.addi %parallel_loop3A_310, %parallel_loop3A_1008 : i32
        %parallel_loop3A_1010 = arith.index_cast %parallel_loop3A_1009 : i32 to index
        %parallel_loop3A_1011 = arith.constant 0 : index
        %parallel_loop3A_1012 = tpu.vector_load %arg14[%parallel_loop3A_1010, %parallel_loop3A_1011] {strides = array<i32>} : memref<128x128xf32, #tpu.memory_space<vmem>>, vector<16xf32>,
        tpu.vector_store %arg14[%parallel_loop3A_1010, %parallel_loop3A_1011], %parallel_loop3A_1007 {strides = array<i32>} : memref<128x128xf32, #tpu.memory_space<vmem>>, vector<16xf32>,
        %parallel_loop3A_1013 = arith.constant 7 : i32
        %parallel_loop3A_1014 = arith.addi %parallel_loop3A_310, %parallel_loop3A_1013 : i32
        %parallel_loop3A_1015 = arith.index_cast %parallel_loop3A_1014 : i32 to index
        %parallel_loop3A_1016 = arith.constant 16 : index
        %parallel_loop3A_1017 = tpu.vector_load %arg14[%parallel_loop3A_1015, %parallel_loop3A_1016] {strides = array<i32>} : memref<128x128xf32, #tpu.memory_space<vmem>>, vector<16xf32>,
        %parallel_loop3A_1018 = vector.broadcast %parallel_loop3A_1000 : f32 to vector<16xf32>
        %parallel_loop3A_1019 = arith.mulf %parallel_loop3A_1017, %parallel_loop3A_1018 : vector<16xf32>
        %parallel_loop3A_1020 = arith.constant 7 : i32
        %parallel_loop3A_1021 = arith.addi %parallel_loop3A_310, %parallel_loop3A_1020 : i32
        %parallel_loop3A_1022 = arith.index_cast %parallel_loop3A_1021 : i32 to index
        %parallel_loop3A_1023 = arith.constant 16 : index
        %parallel_loop3A_1024 = tpu.vector_load %arg14[%parallel_loop3A_1022, %parallel_loop3A_1023] {strides = array<i32>} : memref<128x128xf32, #tpu.memory_space<vmem>>, vector<16xf32>,
        tpu.vector_store %arg14[%parallel_loop3A_1022, %parallel_loop3A_1023], %parallel_loop3A_1019 {strides = array<i32>} : memref<128x128xf32, #tpu.memory_space<vmem>>, vector<16xf32>,
        %parallel_loop3A_1025 = arith.constant 7 : i32
        %parallel_loop3A_1026 = arith.addi %parallel_loop3A_310, %parallel_loop3A_1025 : i32
        %parallel_loop3A_1027 = arith.index_cast %parallel_loop3A_1026 : i32 to index
        %parallel_loop3A_1028 = arith.constant 32 : index
        %parallel_loop3A_1029 = tpu.vector_load %arg14[%parallel_loop3A_1027, %parallel_loop3A_1028] {strides = array<i32>} : memref<128x128xf32, #tpu.memory_space<vmem>>, vector<16xf32>,
        %parallel_loop3A_1030 = vector.broadcast %parallel_loop3A_1000 : f32 to vector<16xf32>
        %parallel_loop3A_1031 = arith.mulf %parallel_loop3A_1029, %parallel_loop3A_1030 : vector<16xf32>
        %parallel_loop3A_1032 = arith.constant 7 : i32
        %parallel_loop3A_1033 = arith.addi %parallel_loop3A_310, %parallel_loop3A_1032 : i32
        %parallel_loop3A_1034 = arith.index_cast %parallel_loop3A_1033 : i32 to index
        %parallel_loop3A_1035 = arith.constant 32 : index
        %parallel_loop3A_1036 = tpu.vector_load %arg14[%parallel_loop3A_1034, %parallel_loop3A_1035] {strides = array<i32>} : memref<128x128xf32, #tpu.memory_space<vmem>>, vector<16xf32>,
        tpu.vector_store %arg14[%parallel_loop3A_1034, %parallel_loop3A_1035], %parallel_loop3A_1031 {strides = array<i32>} : memref<128x128xf32, #tpu.memory_space<vmem>>, vector<16xf32>,
        %parallel_loop3A_1037 = arith.constant 7 : i32
        %parallel_loop3A_1038 = arith.addi %parallel_loop3A_310, %parallel_loop3A_1037 : i32
        %parallel_loop3A_1039 = arith.index_cast %parallel_loop3A_1038 : i32 to index
        %parallel_loop3A_1040 = arith.constant 48 : index
        %parallel_loop3A_1041 = tpu.vector_load %arg14[%parallel_loop3A_1039, %parallel_loop3A_1040] {strides = array<i32>} : memref<128x128xf32, #tpu.memory_space<vmem>>, vector<16xf32>,
        %parallel_loop3A_1042 = vector.broadcast %parallel_loop3A_1000 : f32 to vector<16xf32>
        %parallel_loop3A_1043 = arith.mulf %parallel_loop3A_1041, %parallel_loop3A_1042 : vector<16xf32>
        %parallel_loop3A_1044 = arith.constant 7 : i32
        %parallel_loop3A_1045 = arith.addi %parallel_loop3A_310, %parallel_loop3A_1044 : i32
        %parallel_loop3A_1046 = arith.index_cast %parallel_loop3A_1045 : i32 to index
        %parallel_loop3A_1047 = arith.constant 48 : index
        %parallel_loop3A_1048 = tpu.vector_load %arg14[%parallel_loop3A_1046, %parallel_loop3A_1047] {strides = array<i32>} : memref<128x128xf32, #tpu.memory_space<vmem>>, vector<16xf32>,
        tpu.vector_store %arg14[%parallel_loop3A_1046, %parallel_loop3A_1047], %parallel_loop3A_1043 {strides = array<i32>} : memref<128x128xf32, #tpu.memory_space<vmem>>, vector<16xf32>,
        %parallel_loop3A_1049 = arith.constant 7 : i32
        %parallel_loop3A_1050 = arith.addi %parallel_loop3A_310, %parallel_loop3A_1049 : i32
        %parallel_loop3A_1051 = arith.index_cast %parallel_loop3A_1050 : i32 to index
        %parallel_loop3A_1052 = arith.constant 64 : index
        %parallel_loop3A_1053 = tpu.vector_load %arg14[%parallel_loop3A_1051, %parallel_loop3A_1052] {strides = array<i32>} : memref<128x128xf32, #tpu.memory_space<vmem>>, vector<16xf32>,
        %parallel_loop3A_1054 = vector.broadcast %parallel_loop3A_1000 : f32 to vector<16xf32>
        %parallel_loop3A_1055 = arith.mulf %parallel_loop3A_1053, %parallel_loop3A_1054 : vector<16xf32>
        %parallel_loop3A_1056 = arith.constant 7 : i32
        %parallel_loop3A_1057 = arith.addi %parallel_loop3A_310, %parallel_loop3A_1056 : i32
        %parallel_loop3A_1058 = arith.index_cast %parallel_loop3A_1057 : i32 to index
        %parallel_loop3A_1059 = arith.constant 64 : index
        %parallel_loop3A_1060 = tpu.vector_load %arg14[%parallel_loop3A_1058, %parallel_loop3A_1059] {strides = array<i32>} : memref<128x128xf32, #tpu.memory_space<vmem>>, vector<16xf32>,
        tpu.vector_store %arg14[%parallel_loop3A_1058, %parallel_loop3A_1059], %parallel_loop3A_1055 {strides = array<i32>} : memref<128x128xf32, #tpu.memory_space<vmem>>, vector<16xf32>,
        %parallel_loop3A_1061 = arith.constant 7 : i32
        %parallel_loop3A_1062 = arith.addi %parallel_loop3A_310, %parallel_loop3A_1061 : i32
        %parallel_loop3A_1063 = arith.index_cast %parallel_loop3A_1062 : i32 to index
        %parallel_loop3A_1064 = arith.constant 80 : index
        %parallel_loop3A_1065 = tpu.vector_load %arg14[%parallel_loop3A_1063, %parallel_loop3A_1064] {strides = array<i32>} : memref<128x128xf32, #tpu.memory_space<vmem>>, vector<16xf32>,
        %parallel_loop3A_1066 = vector.broadcast %parallel_loop3A_1000 : f32 to vector<16xf32>
        %parallel_loop3A_1067 = arith.mulf %parallel_loop3A_1065, %parallel_loop3A_1066 : vector<16xf32>
        %parallel_loop3A_1068 = arith.constant 7 : i32
        %parallel_loop3A_1069 = arith.addi %parallel_loop3A_310, %parallel_loop3A_1068 : i32
        %parallel_loop3A_1070 = arith.index_cast %parallel_loop3A_1069 : i32 to index
        %parallel_loop3A_1071 = arith.constant 80 : index
        %parallel_loop3A_1072 = tpu.vector_load %arg14[%parallel_loop3A_1070, %parallel_loop3A_1071] {strides = array<i32>} : memref<128x128xf32, #tpu.memory_space<vmem>>, vector<16xf32>,
        tpu.vector_store %arg14[%parallel_loop3A_1070, %parallel_loop3A_1071], %parallel_loop3A_1067 {strides = array<i32>} : memref<128x128xf32, #tpu.memory_space<vmem>>, vector<16xf32>,
        %parallel_loop3A_1073 = arith.constant 7 : i32
        %parallel_loop3A_1074 = arith.addi %parallel_loop3A_310, %parallel_loop3A_1073 : i32
        %parallel_loop3A_1075 = arith.index_cast %parallel_loop3A_1074 : i32 to index
        %parallel_loop3A_1076 = arith.constant 96 : index
        %parallel_loop3A_1077 = tpu.vector_load %arg14[%parallel_loop3A_1075, %parallel_loop3A_1076] {strides = array<i32>} : memref<128x128xf32, #tpu.memory_space<vmem>>, vector<16xf32>,
        %parallel_loop3A_1078 = vector.broadcast %parallel_loop3A_1000 : f32 to vector<16xf32>
        %parallel_loop3A_1079 = arith.mulf %parallel_loop3A_1077, %parallel_loop3A_1078 : vector<16xf32>
        %parallel_loop3A_1080 = arith.constant 7 : i32
        %parallel_loop3A_1081 = arith.addi %parallel_loop3A_310, %parallel_loop3A_1080 : i32
        %parallel_loop3A_1082 = arith.index_cast %parallel_loop3A_1081 : i32 to index
        %parallel_loop3A_1083 = arith.constant 96 : index
        %parallel_loop3A_1084 = tpu.vector_load %arg14[%parallel_loop3A_1082, %parallel_loop3A_1083] {strides = array<i32>} : memref<128x128xf32, #tpu.memory_space<vmem>>, vector<16xf32>,
        tpu.vector_store %arg14[%parallel_loop3A_1082, %parallel_loop3A_1083], %parallel_loop3A_1079 {strides = array<i32>} : memref<128x128xf32, #tpu.memory_space<vmem>>, vector<16xf32>,
        %parallel_loop3A_1085 = arith.constant 7 : i32
        %parallel_loop3A_1086 = arith.addi %parallel_loop3A_310, %parallel_loop3A_1085 : i32
        %parallel_loop3A_1087 = arith.index_cast %parallel_loop3A_1086 : i32 to index
        %parallel_loop3A_1088 = arith.constant 112 : index
        %parallel_loop3A_1089 = tpu.vector_load %arg14[%parallel_loop3A_1087, %parallel_loop3A_1088] {strides = array<i32>} : memref<128x128xf32, #tpu.memory_space<vmem>>, vector<16xf32>,
        %parallel_loop3A_1090 = vector.broadcast %parallel_loop3A_1000 : f32 to vector<16xf32>
        %parallel_loop3A_1091 = arith.mulf %parallel_loop3A_1089, %parallel_loop3A_1090 : vector<16xf32>
        %parallel_loop3A_1092 = arith.constant 7 : i32
        %parallel_loop3A_1093 = arith.addi %parallel_loop3A_310, %parallel_loop3A_1092 : i32
        %parallel_loop3A_1094 = arith.index_cast %parallel_loop3A_1093 : i32 to index
        %parallel_loop3A_1095 = arith.constant 112 : index
        %parallel_loop3A_1096 = tpu.vector_load %arg14[%parallel_loop3A_1094, %parallel_loop3A_1095] {strides = array<i32>} : memref<128x128xf32, #tpu.memory_space<vmem>>, vector<16xf32>,
        tpu.vector_store %arg14[%parallel_loop3A_1094, %parallel_loop3A_1095], %parallel_loop3A_1091 {strides = array<i32>} : memref<128x128xf32, #tpu.memory_space<vmem>>, vector<16xf32>,
        %parallel_loop3A_1097 = vector.extract_strided_slice %parallel_loop3A_312 {offsets = [8], sizes = [1], strides = [1]} : vector<16xf32> to vector<1xf32>
        %parallel_loop3A_1098 = vector.extract %parallel_loop3A_1097[0] : f32 from vector<1xf32>
        %parallel_loop3A_1099 = arith.constant 8 : i32
        %parallel_loop3A_1100 = arith.addi %parallel_loop3A_310, %parallel_loop3A_1099 : i32
        %parallel_loop3A_1101 = arith.index_cast %parallel_loop3A_1100 : i32 to index
        %parallel_loop3A_1102 = arith.constant 0 : index
        %parallel_loop3A_1103 = tpu.vector_load %arg14[%parallel_loop3A_1101, %parallel_loop3A_1102] {strides = array<i32>} : memref<128x128xf32, #tpu.memory_space<vmem>>, vector<16xf32>,
        %parallel_loop3A_1104 = vector.broadcast %parallel_loop3A_1098 : f32 to vector<16xf32>
        %parallel_loop3A_1105 = arith.mulf %parallel_loop3A_1103, %parallel_loop3A_1104 : vector<16xf32>
        %parallel_loop3A_1106 = arith.constant 8 : i32
        %parallel_loop3A_1107 = arith.addi %parallel_loop3A_310, %parallel_loop3A_1106 : i32
        %parallel_loop3A_1108 = arith.index_cast %parallel_loop3A_1107 : i32 to index
        %parallel_loop3A_1109 = arith.constant 0 : index
        %parallel_loop3A_1110 = tpu.vector_load %arg14[%parallel_loop3A_1108, %parallel_loop3A_1109] {strides = array<i32>} : memref<128x128xf32, #tpu.memory_space<vmem>>, vector<16xf32>,
        tpu.vector_store %arg14[%parallel_loop3A_1108, %parallel_loop3A_1109], %parallel_loop3A_1105 {strides = array<i32>} : memref<128x128xf32, #tpu.memory_space<vmem>>, vector<16xf32>,
        %parallel_loop3A_1111 = arith.constant 8 : i32
        %parallel_loop3A_1112 = arith.addi %parallel_loop3A_310, %parallel_loop3A_1111 : i32
        %parallel_loop3A_1113 = arith.index_cast %parallel_loop3A_1112 : i32 to index
        %parallel_loop3A_1114 = arith.constant 16 : index
        %parallel_loop3A_1115 = tpu.vector_load %arg14[%parallel_loop3A_1113, %parallel_loop3A_1114] {strides = array<i32>} : memref<128x128xf32, #tpu.memory_space<vmem>>, vector<16xf32>,
        %parallel_loop3A_1116 = vector.broadcast %parallel_loop3A_1098 : f32 to vector<16xf32>
        %parallel_loop3A_1117 = arith.mulf %parallel_loop3A_1115, %parallel_loop3A_1116 : vector<16xf32>
        %parallel_loop3A_1118 = arith.constant 8 : i32
        %parallel_loop3A_1119 = arith.addi %parallel_loop3A_310, %parallel_loop3A_1118 : i32
        %parallel_loop3A_1120 = arith.index_cast %parallel_loop3A_1119 : i32 to index
        %parallel_loop3A_1121 = arith.constant 16 : index
        %parallel_loop3A_1122 = tpu.vector_load %arg14[%parallel_loop3A_1120, %parallel_loop3A_1121] {strides = array<i32>} : memref<128x128xf32, #tpu.memory_space<vmem>>, vector<16xf32>,
        tpu.vector_store %arg14[%parallel_loop3A_1120, %parallel_loop3A_1121], %parallel_loop3A_1117 {strides = array<i32>} : memref<128x128xf32, #tpu.memory_space<vmem>>, vector<16xf32>,
        %parallel_loop3A_1123 = arith.constant 8 : i32
        %parallel_loop3A_1124 = arith.addi %parallel_loop3A_310, %parallel_loop3A_1123 : i32
        %parallel_loop3A_1125 = arith.index_cast %parallel_loop3A_1124 : i32 to index
        %parallel_loop3A_1126 = arith.constant 32 : index
        %parallel_loop3A_1127 = tpu.vector_load %arg14[%parallel_loop3A_1125, %parallel_loop3A_1126] {strides = array<i32>} : memref<128x128xf32, #tpu.memory_space<vmem>>, vector<16xf32>,
        %parallel_loop3A_1128 = vector.broadcast %parallel_loop3A_1098 : f32 to vector<16xf32>
        %parallel_loop3A_1129 = arith.mulf %parallel_loop3A_1127, %parallel_loop3A_1128 : vector<16xf32>
        %parallel_loop3A_1130 = arith.constant 8 : i32
        %parallel_loop3A_1131 = arith.addi %parallel_loop3A_310, %parallel_loop3A_1130 : i32
        %parallel_loop3A_1132 = arith.index_cast %parallel_loop3A_1131 : i32 to index
        %parallel_loop3A_1133 = arith.constant 32 : index
        %parallel_loop3A_1134 = tpu.vector_load %arg14[%parallel_loop3A_1132, %parallel_loop3A_1133] {strides = array<i32>} : memref<128x128xf32, #tpu.memory_space<vmem>>, vector<16xf32>,
        tpu.vector_store %arg14[%parallel_loop3A_1132, %parallel_loop3A_1133], %parallel_loop3A_1129 {strides = array<i32>} : memref<128x128xf32, #tpu.memory_space<vmem>>, vector<16xf32>,
        %parallel_loop3A_1135 = arith.constant 8 : i32
        %parallel_loop3A_1136 = arith.addi %parallel_loop3A_310, %parallel_loop3A_1135 : i32
        %parallel_loop3A_1137 = arith.index_cast %parallel_loop3A_1136 : i32 to index
        %parallel_loop3A_1138 = arith.constant 48 : index
        %parallel_loop3A_1139 = tpu.vector_load %arg14[%parallel_loop3A_1137, %parallel_loop3A_1138] {strides = array<i32>} : memref<128x128xf32, #tpu.memory_space<vmem>>, vector<16xf32>,
        %parallel_loop3A_1140 = vector.broadcast %parallel_loop3A_1098 : f32 to vector<16xf32>
        %parallel_loop3A_1141 = arith.mulf %parallel_loop3A_1139, %parallel_loop3A_1140 : vector<16xf32>
        %parallel_loop3A_1142 = arith.constant 8 : i32
        %parallel_loop3A_1143 = arith.addi %parallel_loop3A_310, %parallel_loop3A_1142 : i32
        %parallel_loop3A_1144 = arith.index_cast %parallel_loop3A_1143 : i32 to index
        %parallel_loop3A_1145 = arith.constant 48 : index
        %parallel_loop3A_1146 = tpu.vector_load %arg14[%parallel_loop3A_1144, %parallel_loop3A_1145] {strides = array<i32>} : memref<128x128xf32, #tpu.memory_space<vmem>>, vector<16xf32>,
        tpu.vector_store %arg14[%parallel_loop3A_1144, %parallel_loop3A_1145], %parallel_loop3A_1141 {strides = array<i32>} : memref<128x128xf32, #tpu.memory_space<vmem>>, vector<16xf32>,
        %parallel_loop3A_1147 = arith.constant 8 : i32
        %parallel_loop3A_1148 = arith.addi %parallel_loop3A_310, %parallel_loop3A_1147 : i32
        %parallel_loop3A_1149 = arith.index_cast %parallel_loop3A_1148 : i32 to index
        %parallel_loop3A_1150 = arith.constant 64 : index
        %parallel_loop3A_1151 = tpu.vector_load %arg14[%parallel_loop3A_1149, %parallel_loop3A_1150] {strides = array<i32>} : memref<128x128xf32, #tpu.memory_space<vmem>>, vector<16xf32>,
        %parallel_loop3A_1152 = vector.broadcast %parallel_loop3A_1098 : f32 to vector<16xf32>
        %parallel_loop3A_1153 = arith.mulf %parallel_loop3A_1151, %parallel_loop3A_1152 : vector<16xf32>
        %parallel_loop3A_1154 = arith.constant 8 : i32
        %parallel_loop3A_1155 = arith.addi %parallel_loop3A_310, %parallel_loop3A_1154 : i32
        %parallel_loop3A_1156 = arith.index_cast %parallel_loop3A_1155 : i32 to index
        %parallel_loop3A_1157 = arith.constant 64 : index
        %parallel_loop3A_1158 = tpu.vector_load %arg14[%parallel_loop3A_1156, %parallel_loop3A_1157] {strides = array<i32>} : memref<128x128xf32, #tpu.memory_space<vmem>>, vector<16xf32>,
        tpu.vector_store %arg14[%parallel_loop3A_1156, %parallel_loop3A_1157], %parallel_loop3A_1153 {strides = array<i32>} : memref<128x128xf32, #tpu.memory_space<vmem>>, vector<16xf32>,
        %parallel_loop3A_1159 = arith.constant 8 : i32
        %parallel_loop3A_1160 = arith.addi %parallel_loop3A_310, %parallel_loop3A_1159 : i32
        %parallel_loop3A_1161 = arith.index_cast %parallel_loop3A_1160 : i32 to index
        %parallel_loop3A_1162 = arith.constant 80 : index
        %parallel_loop3A_1163 = tpu.vector_load %arg14[%parallel_loop3A_1161, %parallel_loop3A_1162] {strides = array<i32>} : memref<128x128xf32, #tpu.memory_space<vmem>>, vector<16xf32>,
        %parallel_loop3A_1164 = vector.broadcast %parallel_loop3A_1098 : f32 to vector<16xf32>
        %parallel_loop3A_1165 = arith.mulf %parallel_loop3A_1163, %parallel_loop3A_1164 : vector<16xf32>
        %parallel_loop3A_1166 = arith.constant 8 : i32
        %parallel_loop3A_1167 = arith.addi %parallel_loop3A_310, %parallel_loop3A_1166 : i32
        %parallel_loop3A_1168 = arith.index_cast %parallel_loop3A_1167 : i32 to index
        %parallel_loop3A_1169 = arith.constant 80 : index
        %parallel_loop3A_1170 = tpu.vector_load %arg14[%parallel_loop3A_1168, %parallel_loop3A_1169] {strides = array<i32>} : memref<128x128xf32, #tpu.memory_space<vmem>>, vector<16xf32>,
        tpu.vector_store %arg14[%parallel_loop3A_1168, %parallel_loop3A_1169], %parallel_loop3A_1165 {strides = array<i32>} : memref<128x128xf32, #tpu.memory_space<vmem>>, vector<16xf32>,
        %parallel_loop3A_1171 = arith.constant 8 : i32
        %parallel_loop3A_1172 = arith.addi %parallel_loop3A_310, %parallel_loop3A_1171 : i32
        %parallel_loop3A_1173 = arith.index_cast %parallel_loop3A_1172 : i32 to index
        %parallel_loop3A_1174 = arith.constant 96 : index
        %parallel_loop3A_1175 = tpu.vector_load %arg14[%parallel_loop3A_1173, %parallel_loop3A_1174] {strides = array<i32>} : memref<128x128xf32, #tpu.memory_space<vmem>>, vector<16xf32>,
        %parallel_loop3A_1176 = vector.broadcast %parallel_loop3A_1098 : f32 to vector<16xf32>
        %parallel_loop3A_1177 = arith.mulf %parallel_loop3A_1175, %parallel_loop3A_1176 : vector<16xf32>
        %parallel_loop3A_1178 = arith.constant 8 : i32
        %parallel_loop3A_1179 = arith.addi %parallel_loop3A_310, %parallel_loop3A_1178 : i32
        %parallel_loop3A_1180 = arith.index_cast %parallel_loop3A_1179 : i32 to index
        %parallel_loop3A_1181 = arith.constant 96 : index
        %parallel_loop3A_1182 = tpu.vector_load %arg14[%parallel_loop3A_1180, %parallel_loop3A_1181] {strides = array<i32>} : memref<128x128xf32, #tpu.memory_space<vmem>>, vector<16xf32>,
        tpu.vector_store %arg14[%parallel_loop3A_1180, %parallel_loop3A_1181], %parallel_loop3A_1177 {strides = array<i32>} : memref<128x128xf32, #tpu.memory_space<vmem>>, vector<16xf32>,
        %parallel_loop3A_1183 = arith.constant 8 : i32
        %parallel_loop3A_1184 = arith.addi %parallel_loop3A_310, %parallel_loop3A_1183 : i32
        %parallel_loop3A_1185 = arith.index_cast %parallel_loop3A_1184 : i32 to index
        %parallel_loop3A_1186 = arith.constant 112 : index
        %parallel_loop3A_1187 = tpu.vector_load %arg14[%parallel_loop3A_1185, %parallel_loop3A_1186] {strides = array<i32>} : memref<128x128xf32, #tpu.memory_space<vmem>>, vector<16xf32>,
        %parallel_loop3A_1188 = vector.broadcast %parallel_loop3A_1098 : f32 to vector<16xf32>
        %parallel_loop3A_1189 = arith.mulf %parallel_loop3A_1187, %parallel_loop3A_1188 : vector<16xf32>
        %parallel_loop3A_1190 = arith.constant 8 : i32
        %parallel_loop3A_1191 = arith.addi %parallel_loop3A_310, %parallel_loop3A_1190 : i32
        %parallel_loop3A_1192 = arith.index_cast %parallel_loop3A_1191 : i32 to index
        %parallel_loop3A_1193 = arith.constant 112 : index
        %parallel_loop3A_1194 = tpu.vector_load %arg14[%parallel_loop3A_1192, %parallel_loop3A_1193] {strides = array<i32>} : memref<128x128xf32, #tpu.memory_space<vmem>>, vector<16xf32>,
        tpu.vector_store %arg14[%parallel_loop3A_1192, %parallel_loop3A_1193], %parallel_loop3A_1189 {strides = array<i32>} : memref<128x128xf32, #tpu.memory_space<vmem>>, vector<16xf32>,
        %parallel_loop3A_1195 = vector.extract_strided_slice %parallel_loop3A_312 {offsets = [9], sizes = [1], strides = [1]} : vector<16xf32> to vector<1xf32>
        %parallel_loop3A_1196 = vector.extract %parallel_loop3A_1195[0] : f32 from vector<1xf32>
        %parallel_loop3A_1197 = arith.constant 9 : i32
        %parallel_loop3A_1198 = arith.addi %parallel_loop3A_310, %parallel_loop3A_1197 : i32
        %parallel_loop3A_1199 = arith.index_cast %parallel_loop3A_1198 : i32 to index
        %parallel_loop3A_1200 = arith.constant 0 : index
        %parallel_loop3A_1201 = tpu.vector_load %arg14[%parallel_loop3A_1199, %parallel_loop3A_1200] {strides = array<i32>} : memref<128x128xf32, #tpu.memory_space<vmem>>, vector<16xf32>,
        %parallel_loop3A_1202 = vector.broadcast %parallel_loop3A_1196 : f32 to vector<16xf32>
        %parallel_loop3A_1203 = arith.mulf %parallel_loop3A_1201, %parallel_loop3A_1202 : vector<16xf32>
        %parallel_loop3A_1204 = arith.constant 9 : i32
        %parallel_loop3A_1205 = arith.addi %parallel_loop3A_310, %parallel_loop3A_1204 : i32
        %parallel_loop3A_1206 = arith.index_cast %parallel_loop3A_1205 : i32 to index
        %parallel_loop3A_1207 = arith.constant 0 : index
        %parallel_loop3A_1208 = tpu.vector_load %arg14[%parallel_loop3A_1206, %parallel_loop3A_1207] {strides = array<i32>} : memref<128x128xf32, #tpu.memory_space<vmem>>, vector<16xf32>,
        tpu.vector_store %arg14[%parallel_loop3A_1206, %parallel_loop3A_1207], %parallel_loop3A_1203 {strides = array<i32>} : memref<128x128xf32, #tpu.memory_space<vmem>>, vector<16xf32>,
        %parallel_loop3A_1209 = arith.constant 9 : i32
        %parallel_loop3A_1210 = arith.addi %parallel_loop3A_310, %parallel_loop3A_1209 : i32
        %parallel_loop3A_1211 = arith.index_cast %parallel_loop3A_1210 : i32 to index
        %parallel_loop3A_1212 = arith.constant 16 : index
        %parallel_loop3A_1213 = tpu.vector_load %arg14[%parallel_loop3A_1211, %parallel_loop3A_1212] {strides = array<i32>} : memref<128x128xf32, #tpu.memory_space<vmem>>, vector<16xf32>,
        %parallel_loop3A_1214 = vector.broadcast %parallel_loop3A_1196 : f32 to vector<16xf32>
        %parallel_loop3A_1215 = arith.mulf %parallel_loop3A_1213, %parallel_loop3A_1214 : vector<16xf32>
        %parallel_loop3A_1216 = arith.constant 9 : i32
        %parallel_loop3A_1217 = arith.addi %parallel_loop3A_310, %parallel_loop3A_1216 : i32
        %parallel_loop3A_1218 = arith.index_cast %parallel_loop3A_1217 : i32 to index
        %parallel_loop3A_1219 = arith.constant 16 : index
        %parallel_loop3A_1220 = tpu.vector_load %arg14[%parallel_loop3A_1218, %parallel_loop3A_1219] {strides = array<i32>} : memref<128x128xf32, #tpu.memory_space<vmem>>, vector<16xf32>,
        tpu.vector_store %arg14[%parallel_loop3A_1218, %parallel_loop3A_1219], %parallel_loop3A_1215 {strides = array<i32>} : memref<128x128xf32, #tpu.memory_space<vmem>>, vector<16xf32>,
        %parallel_loop3A_1221 = arith.constant 9 : i32
        %parallel_loop3A_1222 = arith.addi %parallel_loop3A_310, %parallel_loop3A_1221 : i32
        %parallel_loop3A_1223 = arith.index_cast %parallel_loop3A_1222 : i32 to index
        %parallel_loop3A_1224 = arith.constant 32 : index
        %parallel_loop3A_1225 = tpu.vector_load %arg14[%parallel_loop3A_1223, %parallel_loop3A_1224] {strides = array<i32>} : memref<128x128xf32, #tpu.memory_space<vmem>>, vector<16xf32>,
        %parallel_loop3A_1226 = vector.broadcast %parallel_loop3A_1196 : f32 to vector<16xf32>
        %parallel_loop3A_1227 = arith.mulf %parallel_loop3A_1225, %parallel_loop3A_1226 : vector<16xf32>
        %parallel_loop3A_1228 = arith.constant 9 : i32
        %parallel_loop3A_1229 = arith.addi %parallel_loop3A_310, %parallel_loop3A_1228 : i32
        %parallel_loop3A_1230 = arith.index_cast %parallel_loop3A_1229 : i32 to index
        %parallel_loop3A_1231 = arith.constant 32 : index
        %parallel_loop3A_1232 = tpu.vector_load %arg14[%parallel_loop3A_1230, %parallel_loop3A_1231] {strides = array<i32>} : memref<128x128xf32, #tpu.memory_space<vmem>>, vector<16xf32>,
        tpu.vector_store %arg14[%parallel_loop3A_1230, %parallel_loop3A_1231], %parallel_loop3A_1227 {strides = array<i32>} : memref<128x128xf32, #tpu.memory_space<vmem>>, vector<16xf32>,
        %parallel_loop3A_1233 = arith.constant 9 : i32
        %parallel_loop3A_1234 = arith.addi %parallel_loop3A_310, %parallel_loop3A_1233 : i32
        %parallel_loop3A_1235 = arith.index_cast %parallel_loop3A_1234 : i32 to index
        %parallel_loop3A_1236 = arith.constant 48 : index
        %parallel_loop3A_1237 = tpu.vector_load %arg14[%parallel_loop3A_1235, %parallel_loop3A_1236] {strides = array<i32>} : memref<128x128xf32, #tpu.memory_space<vmem>>, vector<16xf32>,
        %parallel_loop3A_1238 = vector.broadcast %parallel_loop3A_1196 : f32 to vector<16xf32>
        %parallel_loop3A_1239 = arith.mulf %parallel_loop3A_1237, %parallel_loop3A_1238 : vector<16xf32>
        %parallel_loop3A_1240 = arith.constant 9 : i32
        %parallel_loop3A_1241 = arith.addi %parallel_loop3A_310, %parallel_loop3A_1240 : i32
        %parallel_loop3A_1242 = arith.index_cast %parallel_loop3A_1241 : i32 to index
        %parallel_loop3A_1243 = arith.constant 48 : index
        %parallel_loop3A_1244 = tpu.vector_load %arg14[%parallel_loop3A_1242, %parallel_loop3A_1243] {strides = array<i32>} : memref<128x128xf32, #tpu.memory_space<vmem>>, vector<16xf32>,
        tpu.vector_store %arg14[%parallel_loop3A_1242, %parallel_loop3A_1243], %parallel_loop3A_1239 {strides = array<i32>} : memref<128x128xf32, #tpu.memory_space<vmem>>, vector<16xf32>,
        %parallel_loop3A_1245 = arith.constant 9 : i32
        %parallel_loop3A_1246 = arith.addi %parallel_loop3A_310, %parallel_loop3A_1245 : i32
        %parallel_loop3A_1247 = arith.index_cast %parallel_loop3A_1246 : i32 to index
        %parallel_loop3A_1248 = arith.constant 64 : index
        %parallel_loop3A_1249 = tpu.vector_load %arg14[%parallel_loop3A_1247, %parallel_loop3A_1248] {strides = array<i32>} : memref<128x128xf32, #tpu.memory_space<vmem>>, vector<16xf32>,
        %parallel_loop3A_1250 = vector.broadcast %parallel_loop3A_1196 : f32 to vector<16xf32>
        %parallel_loop3A_1251 = arith.mulf %parallel_loop3A_1249, %parallel_loop3A_1250 : vector<16xf32>
        %parallel_loop3A_1252 = arith.constant 9 : i32
        %parallel_loop3A_1253 = arith.addi %parallel_loop3A_310, %parallel_loop3A_1252 : i32
        %parallel_loop3A_1254 = arith.index_cast %parallel_loop3A_1253 : i32 to index
        %parallel_loop3A_1255 = arith.constant 64 : index
        %parallel_loop3A_1256 = tpu.vector_load %arg14[%parallel_loop3A_1254, %parallel_loop3A_1255] {strides = array<i32>} : memref<128x128xf32, #tpu.memory_space<vmem>>, vector<16xf32>,
        tpu.vector_store %arg14[%parallel_loop3A_1254, %parallel_loop3A_1255], %parallel_loop3A_1251 {strides = array<i32>} : memref<128x128xf32, #tpu.memory_space<vmem>>, vector<16xf32>,
        %parallel_loop3A_1257 = arith.constant 9 : i32
        %parallel_loop3A_1258 = arith.addi %parallel_loop3A_310, %parallel_loop3A_1257 : i32
        %parallel_loop3A_1259 = arith.index_cast %parallel_loop3A_1258 : i32 to index
        %parallel_loop3A_1260 = arith.constant 80 : index
        %parallel_loop3A_1261 = tpu.vector_load %arg14[%parallel_loop3A_1259, %parallel_loop3A_1260] {strides = array<i32>} : memref<128x128xf32, #tpu.memory_space<vmem>>, vector<16xf32>,
        %parallel_loop3A_1262 = vector.broadcast %parallel_loop3A_1196 : f32 to vector<16xf32>
        %parallel_loop3A_1263 = arith.mulf %parallel_loop3A_1261, %parallel_loop3A_1262 : vector<16xf32>
        %parallel_loop3A_1264 = arith.constant 9 : i32
        %parallel_loop3A_1265 = arith.addi %parallel_loop3A_310, %parallel_loop3A_1264 : i32
        %parallel_loop3A_1266 = arith.index_cast %parallel_loop3A_1265 : i32 to index
        %parallel_loop3A_1267 = arith.constant 80 : index
        %parallel_loop3A_1268 = tpu.vector_load %arg14[%parallel_loop3A_1266, %parallel_loop3A_1267] {strides = array<i32>} : memref<128x128xf32, #tpu.memory_space<vmem>>, vector<16xf32>,
        tpu.vector_store %arg14[%parallel_loop3A_1266, %parallel_loop3A_1267], %parallel_loop3A_1263 {strides = array<i32>} : memref<128x128xf32, #tpu.memory_space<vmem>>, vector<16xf32>,
        %parallel_loop3A_1269 = arith.constant 9 : i32
        %parallel_loop3A_1270 = arith.addi %parallel_loop3A_310, %parallel_loop3A_1269 : i32
        %parallel_loop3A_1271 = arith.index_cast %parallel_loop3A_1270 : i32 to index
        %parallel_loop3A_1272 = arith.constant 96 : index
        %parallel_loop3A_1273 = tpu.vector_load %arg14[%parallel_loop3A_1271, %parallel_loop3A_1272] {strides = array<i32>} : memref<128x128xf32, #tpu.memory_space<vmem>>, vector<16xf32>,
        %parallel_loop3A_1274 = vector.broadcast %parallel_loop3A_1196 : f32 to vector<16xf32>
        %parallel_loop3A_1275 = arith.mulf %parallel_loop3A_1273, %parallel_loop3A_1274 : vector<16xf32>
        %parallel_loop3A_1276 = arith.constant 9 : i32
        %parallel_loop3A_1277 = arith.addi %parallel_loop3A_310, %parallel_loop3A_1276 : i32
        %parallel_loop3A_1278 = arith.index_cast %parallel_loop3A_1277 : i32 to index
        %parallel_loop3A_1279 = arith.constant 96 : index
        %parallel_loop3A_1280 = tpu.vector_load %arg14[%parallel_loop3A_1278, %parallel_loop3A_1279] {strides = array<i32>} : memref<128x128xf32, #tpu.memory_space<vmem>>, vector<16xf32>,
        tpu.vector_store %arg14[%parallel_loop3A_1278, %parallel_loop3A_1279], %parallel_loop3A_1275 {strides = array<i32>} : memref<128x128xf32, #tpu.memory_space<vmem>>, vector<16xf32>,
        %parallel_loop3A_1281 = arith.constant 9 : i32
        %parallel_loop3A_1282 = arith.addi %parallel_loop3A_310, %parallel_loop3A_1281 : i32
        %parallel_loop3A_1283 = arith.index_cast %parallel_loop3A_1282 : i32 to index
        %parallel_loop3A_1284 = arith.constant 112 : index
        %parallel_loop3A_1285 = tpu.vector_load %arg14[%parallel_loop3A_1283, %parallel_loop3A_1284] {strides = array<i32>} : memref<128x128xf32, #tpu.memory_space<vmem>>, vector<16xf32>,
        %parallel_loop3A_1286 = vector.broadcast %parallel_loop3A_1196 : f32 to vector<16xf32>
        %parallel_loop3A_1287 = arith.mulf %parallel_loop3A_1285, %parallel_loop3A_1286 : vector<16xf32>
        %parallel_loop3A_1288 = arith.constant 9 : i32
        %parallel_loop3A_1289 = arith.addi %parallel_loop3A_310, %parallel_loop3A_1288 : i32
        %parallel_loop3A_1290 = arith.index_cast %parallel_loop3A_1289 : i32 to index
        %parallel_loop3A_1291 = arith.constant 112 : index
        %parallel_loop3A_1292 = tpu.vector_load %arg14[%parallel_loop3A_1290, %parallel_loop3A_1291] {strides = array<i32>} : memref<128x128xf32, #tpu.memory_space<vmem>>, vector<16xf32>,
        tpu.vector_store %arg14[%parallel_loop3A_1290, %parallel_loop3A_1291], %parallel_loop3A_1287 {strides = array<i32>} : memref<128x128xf32, #tpu.memory_space<vmem>>, vector<16xf32>,
        %parallel_loop3A_1293 = vector.extract_strided_slice %parallel_loop3A_312 {offsets = [10], sizes = [1], strides = [1]} : vector<16xf32> to vector<1xf32>
        %parallel_loop3A_1294 = vector.extract %parallel_loop3A_1293[0] : f32 from vector<1xf32>
        %parallel_loop3A_1295 = arith.constant 10 : i32
        %parallel_loop3A_1296 = arith.addi %parallel_loop3A_310, %parallel_loop3A_1295 : i32
        %parallel_loop3A_1297 = arith.index_cast %parallel_loop3A_1296 : i32 to index
        %parallel_loop3A_1298 = arith.constant 0 : index
        %parallel_loop3A_1299 = tpu.vector_load %arg14[%parallel_loop3A_1297, %parallel_loop3A_1298] {strides = array<i32>} : memref<128x128xf32, #tpu.memory_space<vmem>>, vector<16xf32>,
        %parallel_loop3A_1300 = vector.broadcast %parallel_loop3A_1294 : f32 to vector<16xf32>
        %parallel_loop3A_1301 = arith.mulf %parallel_loop3A_1299, %parallel_loop3A_1300 : vector<16xf32>
        %parallel_loop3A_1302 = arith.constant 10 : i32
        %parallel_loop3A_1303 = arith.addi %parallel_loop3A_310, %parallel_loop3A_1302 : i32
        %parallel_loop3A_1304 = arith.index_cast %parallel_loop3A_1303 : i32 to index
        %parallel_loop3A_1305 = arith.constant 0 : index
        %parallel_loop3A_1306 = tpu.vector_load %arg14[%parallel_loop3A_1304, %parallel_loop3A_1305] {strides = array<i32>} : memref<128x128xf32, #tpu.memory_space<vmem>>, vector<16xf32>,
        tpu.vector_store %arg14[%parallel_loop3A_1304, %parallel_loop3A_1305], %parallel_loop3A_1301 {strides = array<i32>} : memref<128x128xf32, #tpu.memory_space<vmem>>, vector<16xf32>,
        %parallel_loop3A_1307 = arith.constant 10 : i32
        %parallel_loop3A_1308 = arith.addi %parallel_loop3A_310, %parallel_loop3A_1307 : i32
        %parallel_loop3A_1309 = arith.index_cast %parallel_loop3A_1308 : i32 to index
        %parallel_loop3A_1310 = arith.constant 16 : index
        %parallel_loop3A_1311 = tpu.vector_load %arg14[%parallel_loop3A_1309, %parallel_loop3A_1310] {strides = array<i32>} : memref<128x128xf32, #tpu.memory_space<vmem>>, vector<16xf32>,
        %parallel_loop3A_1312 = vector.broadcast %parallel_loop3A_1294 : f32 to vector<16xf32>
        %parallel_loop3A_1313 = arith.mulf %parallel_loop3A_1311, %parallel_loop3A_1312 : vector<16xf32>
        %parallel_loop3A_1314 = arith.constant 10 : i32
        %parallel_loop3A_1315 = arith.addi %parallel_loop3A_310, %parallel_loop3A_1314 : i32
        %parallel_loop3A_1316 = arith.index_cast %parallel_loop3A_1315 : i32 to index
        %parallel_loop3A_1317 = arith.constant 16 : index
        %parallel_loop3A_1318 = tpu.vector_load %arg14[%parallel_loop3A_1316, %parallel_loop3A_1317] {strides = array<i32>} : memref<128x128xf32, #tpu.memory_space<vmem>>, vector<16xf32>,
        tpu.vector_store %arg14[%parallel_loop3A_1316, %parallel_loop3A_1317], %parallel_loop3A_1313 {strides = array<i32>} : memref<128x128xf32, #tpu.memory_space<vmem>>, vector<16xf32>,
        %parallel_loop3A_1319 = arith.constant 10 : i32
        %parallel_loop3A_1320 = arith.addi %parallel_loop3A_310, %parallel_loop3A_1319 : i32
        %parallel_loop3A_1321 = arith.index_cast %parallel_loop3A_1320 : i32 to index
        %parallel_loop3A_1322 = arith.constant 32 : index
        %parallel_loop3A_1323 = tpu.vector_load %arg14[%parallel_loop3A_1321, %parallel_loop3A_1322] {strides = array<i32>} : memref<128x128xf32, #tpu.memory_space<vmem>>, vector<16xf32>,
        %parallel_loop3A_1324 = vector.broadcast %parallel_loop3A_1294 : f32 to vector<16xf32>
        %parallel_loop3A_1325 = arith.mulf %parallel_loop3A_1323, %parallel_loop3A_1324 : vector<16xf32>
        %parallel_loop3A_1326 = arith.constant 10 : i32
        %parallel_loop3A_1327 = arith.addi %parallel_loop3A_310, %parallel_loop3A_1326 : i32
        %parallel_loop3A_1328 = arith.index_cast %parallel_loop3A_1327 : i32 to index
        %parallel_loop3A_1329 = arith.constant 32 : index
        %parallel_loop3A_1330 = tpu.vector_load %arg14[%parallel_loop3A_1328, %parallel_loop3A_1329] {strides = array<i32>} : memref<128x128xf32, #tpu.memory_space<vmem>>, vector<16xf32>,
        tpu.vector_store %arg14[%parallel_loop3A_1328, %parallel_loop3A_1329], %parallel_loop3A_1325 {strides = array<i32>} : memref<128x128xf32, #tpu.memory_space<vmem>>, vector<16xf32>,
        %parallel_loop3A_1331 = arith.constant 10 : i32
        %parallel_loop3A_1332 = arith.addi %parallel_loop3A_310, %parallel_loop3A_1331 : i32
        %parallel_loop3A_1333 = arith.index_cast %parallel_loop3A_1332 : i32 to index
        %parallel_loop3A_1334 = arith.constant 48 : index
        %parallel_loop3A_1335 = tpu.vector_load %arg14[%parallel_loop3A_1333, %parallel_loop3A_1334] {strides = array<i32>} : memref<128x128xf32, #tpu.memory_space<vmem>>, vector<16xf32>,
        %parallel_loop3A_1336 = vector.broadcast %parallel_loop3A_1294 : f32 to vector<16xf32>
        %parallel_loop3A_1337 = arith.mulf %parallel_loop3A_1335, %parallel_loop3A_1336 : vector<16xf32>
        %parallel_loop3A_1338 = arith.constant 10 : i32
        %parallel_loop3A_1339 = arith.addi %parallel_loop3A_310, %parallel_loop3A_1338 : i32
        %parallel_loop3A_1340 = arith.index_cast %parallel_loop3A_1339 : i32 to index
        %parallel_loop3A_1341 = arith.constant 48 : index
        %parallel_loop3A_1342 = tpu.vector_load %arg14[%parallel_loop3A_1340, %parallel_loop3A_1341] {strides = array<i32>} : memref<128x128xf32, #tpu.memory_space<vmem>>, vector<16xf32>,
        tpu.vector_store %arg14[%parallel_loop3A_1340, %parallel_loop3A_1341], %parallel_loop3A_1337 {strides = array<i32>} : memref<128x128xf32, #tpu.memory_space<vmem>>, vector<16xf32>,
        %parallel_loop3A_1343 = arith.constant 10 : i32
        %parallel_loop3A_1344 = arith.addi %parallel_loop3A_310, %parallel_loop3A_1343 : i32
        %parallel_loop3A_1345 = arith.index_cast %parallel_loop3A_1344 : i32 to index
        %parallel_loop3A_1346 = arith.constant 64 : index
        %parallel_loop3A_1347 = tpu.vector_load %arg14[%parallel_loop3A_1345, %parallel_loop3A_1346] {strides = array<i32>} : memref<128x128xf32, #tpu.memory_space<vmem>>, vector<16xf32>,
        %parallel_loop3A_1348 = vector.broadcast %parallel_loop3A_1294 : f32 to vector<16xf32>
        %parallel_loop3A_1349 = arith.mulf %parallel_loop3A_1347, %parallel_loop3A_1348 : vector<16xf32>
        %parallel_loop3A_1350 = arith.constant 10 : i32
        %parallel_loop3A_1351 = arith.addi %parallel_loop3A_310, %parallel_loop3A_1350 : i32
        %parallel_loop3A_1352 = arith.index_cast %parallel_loop3A_1351 : i32 to index
        %parallel_loop3A_1353 = arith.constant 64 : index
        %parallel_loop3A_1354 = tpu.vector_load %arg14[%parallel_loop3A_1352, %parallel_loop3A_1353] {strides = array<i32>} : memref<128x128xf32, #tpu.memory_space<vmem>>, vector<16xf32>,
        tpu.vector_store %arg14[%parallel_loop3A_1352, %parallel_loop3A_1353], %parallel_loop3A_1349 {strides = array<i32>} : memref<128x128xf32, #tpu.memory_space<vmem>>, vector<16xf32>,
        %parallel_loop3A_1355 = arith.constant 10 : i32
        %parallel_loop3A_1356 = arith.addi %parallel_loop3A_310, %parallel_loop3A_1355 : i32
        %parallel_loop3A_1357 = arith.index_cast %parallel_loop3A_1356 : i32 to index
        %parallel_loop3A_1358 = arith.constant 80 : index
        %parallel_loop3A_1359 = tpu.vector_load %arg14[%parallel_loop3A_1357, %parallel_loop3A_1358] {strides = array<i32>} : memref<128x128xf32, #tpu.memory_space<vmem>>, vector<16xf32>,
        %parallel_loop3A_1360 = vector.broadcast %parallel_loop3A_1294 : f32 to vector<16xf32>
        %parallel_loop3A_1361 = arith.mulf %parallel_loop3A_1359, %parallel_loop3A_1360 : vector<16xf32>
        %parallel_loop3A_1362 = arith.constant 10 : i32
        %parallel_loop3A_1363 = arith.addi %parallel_loop3A_310, %parallel_loop3A_1362 : i32
        %parallel_loop3A_1364 = arith.index_cast %parallel_loop3A_1363 : i32 to index
        %parallel_loop3A_1365 = arith.constant 80 : index
        %parallel_loop3A_1366 = tpu.vector_load %arg14[%parallel_loop3A_1364, %parallel_loop3A_1365] {strides = array<i32>} : memref<128x128xf32, #tpu.memory_space<vmem>>, vector<16xf32>,
        tpu.vector_store %arg14[%parallel_loop3A_1364, %parallel_loop3A_1365], %parallel_loop3A_1361 {strides = array<i32>} : memref<128x128xf32, #tpu.memory_space<vmem>>, vector<16xf32>,
        %parallel_loop3A_1367 = arith.constant 10 : i32
        %parallel_loop3A_1368 = arith.addi %parallel_loop3A_310, %parallel_loop3A_1367 : i32
        %parallel_loop3A_1369 = arith.index_cast %parallel_loop3A_1368 : i32 to index
        %parallel_loop3A_1370 = arith.constant 96 : index
        %parallel_loop3A_1371 = tpu.vector_load %arg14[%parallel_loop3A_1369, %parallel_loop3A_1370] {strides = array<i32>} : memref<128x128xf32, #tpu.memory_space<vmem>>, vector<16xf32>,
        %parallel_loop3A_1372 = vector.broadcast %parallel_loop3A_1294 : f32 to vector<16xf32>
        %parallel_loop3A_1373 = arith.mulf %parallel_loop3A_1371, %parallel_loop3A_1372 : vector<16xf32>
        %parallel_loop3A_1374 = arith.constant 10 : i32
        %parallel_loop3A_1375 = arith.addi %parallel_loop3A_310, %parallel_loop3A_1374 : i32
        %parallel_loop3A_1376 = arith.index_cast %parallel_loop3A_1375 : i32 to index
        %parallel_loop3A_1377 = arith.constant 96 : index
        %parallel_loop3A_1378 = tpu.vector_load %arg14[%parallel_loop3A_1376, %parallel_loop3A_1377] {strides = array<i32>} : memref<128x128xf32, #tpu.memory_space<vmem>>, vector<16xf32>,
        tpu.vector_store %arg14[%parallel_loop3A_1376, %parallel_loop3A_1377], %parallel_loop3A_1373 {strides = array<i32>} : memref<128x128xf32, #tpu.memory_space<vmem>>, vector<16xf32>,
        %parallel_loop3A_1379 = arith.constant 10 : i32
        %parallel_loop3A_1380 = arith.addi %parallel_loop3A_310, %parallel_loop3A_1379 : i32
        %parallel_loop3A_1381 = arith.index_cast %parallel_loop3A_1380 : i32 to index
        %parallel_loop3A_1382 = arith.constant 112 : index
        %parallel_loop3A_1383 = tpu.vector_load %arg14[%parallel_loop3A_1381, %parallel_loop3A_1382] {strides = array<i32>} : memref<128x128xf32, #tpu.memory_space<vmem>>, vector<16xf32>,
        %parallel_loop3A_1384 = vector.broadcast %parallel_loop3A_1294 : f32 to vector<16xf32>
        %parallel_loop3A_1385 = arith.mulf %parallel_loop3A_1383, %parallel_loop3A_1384 : vector<16xf32>
        %parallel_loop3A_1386 = arith.constant 10 : i32
        %parallel_loop3A_1387 = arith.addi %parallel_loop3A_310, %parallel_loop3A_1386 : i32
        %parallel_loop3A_1388 = arith.index_cast %parallel_loop3A_1387 : i32 to index
        %parallel_loop3A_1389 = arith.constant 112 : index
        %parallel_loop3A_1390 = tpu.vector_load %arg14[%parallel_loop3A_1388, %parallel_loop3A_1389] {strides = array<i32>} : memref<128x128xf32, #tpu.memory_space<vmem>>, vector<16xf32>,
        tpu.vector_store %arg14[%parallel_loop3A_1388, %parallel_loop3A_1389], %parallel_loop3A_1385 {strides = array<i32>} : memref<128x128xf32, #tpu.memory_space<vmem>>, vector<16xf32>,
        %parallel_loop3A_1391 = vector.extract_strided_slice %parallel_loop3A_312 {offsets = [11], sizes = [1], strides = [1]} : vector<16xf32> to vector<1xf32>
        %parallel_loop3A_1392 = vector.extract %parallel_loop3A_1391[0] : f32 from vector<1xf32>
        %parallel_loop3A_1393 = arith.constant 11 : i32
        %parallel_loop3A_1394 = arith.addi %parallel_loop3A_310, %parallel_loop3A_1393 : i32
        %parallel_loop3A_1395 = arith.index_cast %parallel_loop3A_1394 : i32 to index
        %parallel_loop3A_1396 = arith.constant 0 : index
        %parallel_loop3A_1397 = tpu.vector_load %arg14[%parallel_loop3A_1395, %parallel_loop3A_1396] {strides = array<i32>} : memref<128x128xf32, #tpu.memory_space<vmem>>, vector<16xf32>,
        %parallel_loop3A_1398 = vector.broadcast %parallel_loop3A_1392 : f32 to vector<16xf32>
        %parallel_loop3A_1399 = arith.mulf %parallel_loop3A_1397, %parallel_loop3A_1398 : vector<16xf32>
        %parallel_loop3A_1400 = arith.constant 11 : i32
        %parallel_loop3A_1401 = arith.addi %parallel_loop3A_310, %parallel_loop3A_1400 : i32
        %parallel_loop3A_1402 = arith.index_cast %parallel_loop3A_1401 : i32 to index
        %parallel_loop3A_1403 = arith.constant 0 : index
        %parallel_loop3A_1404 = tpu.vector_load %arg14[%parallel_loop3A_1402, %parallel_loop3A_1403] {strides = array<i32>} : memref<128x128xf32, #tpu.memory_space<vmem>>, vector<16xf32>,
        tpu.vector_store %arg14[%parallel_loop3A_1402, %parallel_loop3A_1403], %parallel_loop3A_1399 {strides = array<i32>} : memref<128x128xf32, #tpu.memory_space<vmem>>, vector<16xf32>,
        %parallel_loop3A_1405 = arith.constant 11 : i32
        %parallel_loop3A_1406 = arith.addi %parallel_loop3A_310, %parallel_loop3A_1405 : i32
        %parallel_loop3A_1407 = arith.index_cast %parallel_loop3A_1406 : i32 to index
        %parallel_loop3A_1408 = arith.constant 16 : index
        %parallel_loop3A_1409 = tpu.vector_load %arg14[%parallel_loop3A_1407, %parallel_loop3A_1408] {strides = array<i32>} : memref<128x128xf32, #tpu.memory_space<vmem>>, vector<16xf32>,
        %parallel_loop3A_1410 = vector.broadcast %parallel_loop3A_1392 : f32 to vector<16xf32>
        %parallel_loop3A_1411 = arith.mulf %parallel_loop3A_1409, %parallel_loop3A_1410 : vector<16xf32>
        %parallel_loop3A_1412 = arith.constant 11 : i32
        %parallel_loop3A_1413 = arith.addi %parallel_loop3A_310, %parallel_loop3A_1412 : i32
        %parallel_loop3A_1414 = arith.index_cast %parallel_loop3A_1413 : i32 to index
        %parallel_loop3A_1415 = arith.constant 16 : index
        %parallel_loop3A_1416 = tpu.vector_load %arg14[%parallel_loop3A_1414, %parallel_loop3A_1415] {strides = array<i32>} : memref<128x128xf32, #tpu.memory_space<vmem>>, vector<16xf32>,
        tpu.vector_store %arg14[%parallel_loop3A_1414, %parallel_loop3A_1415], %parallel_loop3A_1411 {strides = array<i32>} : memref<128x128xf32, #tpu.memory_space<vmem>>, vector<16xf32>,
        %parallel_loop3A_1417 = arith.constant 11 : i32
        %parallel_loop3A_1418 = arith.addi %parallel_loop3A_310, %parallel_loop3A_1417 : i32
        %parallel_loop3A_1419 = arith.index_cast %parallel_loop3A_1418 : i32 to index
        %parallel_loop3A_1420 = arith.constant 32 : index
        %parallel_loop3A_1421 = tpu.vector_load %arg14[%parallel_loop3A_1419, %parallel_loop3A_1420] {strides = array<i32>} : memref<128x128xf32, #tpu.memory_space<vmem>>, vector<16xf32>,
        %parallel_loop3A_1422 = vector.broadcast %parallel_loop3A_1392 : f32 to vector<16xf32>
        %parallel_loop3A_1423 = arith.mulf %parallel_loop3A_1421, %parallel_loop3A_1422 : vector<16xf32>
        %parallel_loop3A_1424 = arith.constant 11 : i32
        %parallel_loop3A_1425 = arith.addi %parallel_loop3A_310, %parallel_loop3A_1424 : i32
        %parallel_loop3A_1426 = arith.index_cast %parallel_loop3A_1425 : i32 to index
        %parallel_loop3A_1427 = arith.constant 32 : index
        %parallel_loop3A_1428 = tpu.vector_load %arg14[%parallel_loop3A_1426, %parallel_loop3A_1427] {strides = array<i32>} : memref<128x128xf32, #tpu.memory_space<vmem>>, vector<16xf32>,
        tpu.vector_store %arg14[%parallel_loop3A_1426, %parallel_loop3A_1427], %parallel_loop3A_1423 {strides = array<i32>} : memref<128x128xf32, #tpu.memory_space<vmem>>, vector<16xf32>,
        %parallel_loop3A_1429 = arith.constant 11 : i32
        %parallel_loop3A_1430 = arith.addi %parallel_loop3A_310, %parallel_loop3A_1429 : i32
        %parallel_loop3A_1431 = arith.index_cast %parallel_loop3A_1430 : i32 to index
        %parallel_loop3A_1432 = arith.constant 48 : index
        %parallel_loop3A_1433 = tpu.vector_load %arg14[%parallel_loop3A_1431, %parallel_loop3A_1432] {strides = array<i32>} : memref<128x128xf32, #tpu.memory_space<vmem>>, vector<16xf32>,
        %parallel_loop3A_1434 = vector.broadcast %parallel_loop3A_1392 : f32 to vector<16xf32>
        %parallel_loop3A_1435 = arith.mulf %parallel_loop3A_1433, %parallel_loop3A_1434 : vector<16xf32>
        %parallel_loop3A_1436 = arith.constant 11 : i32
        %parallel_loop3A_1437 = arith.addi %parallel_loop3A_310, %parallel_loop3A_1436 : i32
        %parallel_loop3A_1438 = arith.index_cast %parallel_loop3A_1437 : i32 to index
        %parallel_loop3A_1439 = arith.constant 48 : index
        %parallel_loop3A_1440 = tpu.vector_load %arg14[%parallel_loop3A_1438, %parallel_loop3A_1439] {strides = array<i32>} : memref<128x128xf32, #tpu.memory_space<vmem>>, vector<16xf32>,
        tpu.vector_store %arg14[%parallel_loop3A_1438, %parallel_loop3A_1439], %parallel_loop3A_1435 {strides = array<i32>} : memref<128x128xf32, #tpu.memory_space<vmem>>, vector<16xf32>,
        %parallel_loop3A_1441 = arith.constant 11 : i32
        %parallel_loop3A_1442 = arith.addi %parallel_loop3A_310, %parallel_loop3A_1441 : i32
        %parallel_loop3A_1443 = arith.index_cast %parallel_loop3A_1442 : i32 to index
        %parallel_loop3A_1444 = arith.constant 64 : index
        %parallel_loop3A_1445 = tpu.vector_load %arg14[%parallel_loop3A_1443, %parallel_loop3A_1444] {strides = array<i32>} : memref<128x128xf32, #tpu.memory_space<vmem>>, vector<16xf32>,
        %parallel_loop3A_1446 = vector.broadcast %parallel_loop3A_1392 : f32 to vector<16xf32>
        %parallel_loop3A_1447 = arith.mulf %parallel_loop3A_1445, %parallel_loop3A_1446 : vector<16xf32>
        %parallel_loop3A_1448 = arith.constant 11 : i32
        %parallel_loop3A_1449 = arith.addi %parallel_loop3A_310, %parallel_loop3A_1448 : i32
        %parallel_loop3A_1450 = arith.index_cast %parallel_loop3A_1449 : i32 to index
        %parallel_loop3A_1451 = arith.constant 64 : index
        %parallel_loop3A_1452 = tpu.vector_load %arg14[%parallel_loop3A_1450, %parallel_loop3A_1451] {strides = array<i32>} : memref<128x128xf32, #tpu.memory_space<vmem>>, vector<16xf32>,
        tpu.vector_store %arg14[%parallel_loop3A_1450, %parallel_loop3A_1451], %parallel_loop3A_1447 {strides = array<i32>} : memref<128x128xf32, #tpu.memory_space<vmem>>, vector<16xf32>,
        %parallel_loop3A_1453 = arith.constant 11 : i32
        %parallel_loop3A_1454 = arith.addi %parallel_loop3A_310, %parallel_loop3A_1453 : i32
        %parallel_loop3A_1455 = arith.index_cast %parallel_loop3A_1454 : i32 to index
        %parallel_loop3A_1456 = arith.constant 80 : index
        %parallel_loop3A_1457 = tpu.vector_load %arg14[%parallel_loop3A_1455, %parallel_loop3A_1456] {strides = array<i32>} : memref<128x128xf32, #tpu.memory_space<vmem>>, vector<16xf32>,
        %parallel_loop3A_1458 = vector.broadcast %parallel_loop3A_1392 : f32 to vector<16xf32>
        %parallel_loop3A_1459 = arith.mulf %parallel_loop3A_1457, %parallel_loop3A_1458 : vector<16xf32>
        %parallel_loop3A_1460 = arith.constant 11 : i32
        %parallel_loop3A_1461 = arith.addi %parallel_loop3A_310, %parallel_loop3A_1460 : i32
        %parallel_loop3A_1462 = arith.index_cast %parallel_loop3A_1461 : i32 to index
        %parallel_loop3A_1463 = arith.constant 80 : index
        %parallel_loop3A_1464 = tpu.vector_load %arg14[%parallel_loop3A_1462, %parallel_loop3A_1463] {strides = array<i32>} : memref<128x128xf32, #tpu.memory_space<vmem>>, vector<16xf32>,
        tpu.vector_store %arg14[%parallel_loop3A_1462, %parallel_loop3A_1463], %parallel_loop3A_1459 {strides = array<i32>} : memref<128x128xf32, #tpu.memory_space<vmem>>, vector<16xf32>,
        %parallel_loop3A_1465 = arith.constant 11 : i32
        %parallel_loop3A_1466 = arith.addi %parallel_loop3A_310, %parallel_loop3A_1465 : i32
        %parallel_loop3A_1467 = arith.index_cast %parallel_loop3A_1466 : i32 to index
        %parallel_loop3A_1468 = arith.constant 96 : index
        %parallel_loop3A_1469 = tpu.vector_load %arg14[%parallel_loop3A_1467, %parallel_loop3A_1468] {strides = array<i32>} : memref<128x128xf32, #tpu.memory_space<vmem>>, vector<16xf32>,
        %parallel_loop3A_1470 = vector.broadcast %parallel_loop3A_1392 : f32 to vector<16xf32>
        %parallel_loop3A_1471 = arith.mulf %parallel_loop3A_1469, %parallel_loop3A_1470 : vector<16xf32>
        %parallel_loop3A_1472 = arith.constant 11 : i32
        %parallel_loop3A_1473 = arith.addi %parallel_loop3A_310, %parallel_loop3A_1472 : i32
        %parallel_loop3A_1474 = arith.index_cast %parallel_loop3A_1473 : i32 to index
        %parallel_loop3A_1475 = arith.constant 96 : index
        %parallel_loop3A_1476 = tpu.vector_load %arg14[%parallel_loop3A_1474, %parallel_loop3A_1475] {strides = array<i32>} : memref<128x128xf32, #tpu.memory_space<vmem>>, vector<16xf32>,
        tpu.vector_store %arg14[%parallel_loop3A_1474, %parallel_loop3A_1475], %parallel_loop3A_1471 {strides = array<i32>} : memref<128x128xf32, #tpu.memory_space<vmem>>, vector<16xf32>,
        %parallel_loop3A_1477 = arith.constant 11 : i32
        %parallel_loop3A_1478 = arith.addi %parallel_loop3A_310, %parallel_loop3A_1477 : i32
        %parallel_loop3A_1479 = arith.index_cast %parallel_loop3A_1478 : i32 to index
        %parallel_loop3A_1480 = arith.constant 112 : index
        %parallel_loop3A_1481 = tpu.vector_load %arg14[%parallel_loop3A_1479, %parallel_loop3A_1480] {strides = array<i32>} : memref<128x128xf32, #tpu.memory_space<vmem>>, vector<16xf32>,
        %parallel_loop3A_1482 = vector.broadcast %parallel_loop3A_1392 : f32 to vector<16xf32>
        %parallel_loop3A_1483 = arith.mulf %parallel_loop3A_1481, %parallel_loop3A_1482 : vector<16xf32>
        %parallel_loop3A_1484 = arith.constant 11 : i32
        %parallel_loop3A_1485 = arith.addi %parallel_loop3A_310, %parallel_loop3A_1484 : i32
        %parallel_loop3A_1486 = arith.index_cast %parallel_loop3A_1485 : i32 to index
        %parallel_loop3A_1487 = arith.constant 112 : index
        %parallel_loop3A_1488 = tpu.vector_load %arg14[%parallel_loop3A_1486, %parallel_loop3A_1487] {strides = array<i32>} : memref<128x128xf32, #tpu.memory_space<vmem>>, vector<16xf32>,
        tpu.vector_store %arg14[%parallel_loop3A_1486, %parallel_loop3A_1487], %parallel_loop3A_1483 {strides = array<i32>} : memref<128x128xf32, #tpu.memory_space<vmem>>, vector<16xf32>,
        %parallel_loop3A_1489 = vector.extract_strided_slice %parallel_loop3A_312 {offsets = [12], sizes = [1], strides = [1]} : vector<16xf32> to vector<1xf32>
        %parallel_loop3A_1490 = vector.extract %parallel_loop3A_1489[0] : f32 from vector<1xf32>
        %parallel_loop3A_1491 = arith.constant 12 : i32
        %parallel_loop3A_1492 = arith.addi %parallel_loop3A_310, %parallel_loop3A_1491 : i32
        %parallel_loop3A_1493 = arith.index_cast %parallel_loop3A_1492 : i32 to index
        %parallel_loop3A_1494 = arith.constant 0 : index
        %parallel_loop3A_1495 = tpu.vector_load %arg14[%parallel_loop3A_1493, %parallel_loop3A_1494] {strides = array<i32>} : memref<128x128xf32, #tpu.memory_space<vmem>>, vector<16xf32>,
        %parallel_loop3A_1496 = vector.broadcast %parallel_loop3A_1490 : f32 to vector<16xf32>
        %parallel_loop3A_1497 = arith.mulf %parallel_loop3A_1495, %parallel_loop3A_1496 : vector<16xf32>
        %parallel_loop3A_1498 = arith.constant 12 : i32
        %parallel_loop3A_1499 = arith.addi %parallel_loop3A_310, %parallel_loop3A_1498 : i32
        %parallel_loop3A_1500 = arith.index_cast %parallel_loop3A_1499 : i32 to index
        %parallel_loop3A_1501 = arith.constant 0 : index
        %parallel_loop3A_1502 = tpu.vector_load %arg14[%parallel_loop3A_1500, %parallel_loop3A_1501] {strides = array<i32>} : memref<128x128xf32, #tpu.memory_space<vmem>>, vector<16xf32>,
        tpu.vector_store %arg14[%parallel_loop3A_1500, %parallel_loop3A_1501], %parallel_loop3A_1497 {strides = array<i32>} : memref<128x128xf32, #tpu.memory_space<vmem>>, vector<16xf32>,
        %parallel_loop3A_1503 = arith.constant 12 : i32
        %parallel_loop3A_1504 = arith.addi %parallel_loop3A_310, %parallel_loop3A_1503 : i32
        %parallel_loop3A_1505 = arith.index_cast %parallel_loop3A_1504 : i32 to index
        %parallel_loop3A_1506 = arith.constant 16 : index
        %parallel_loop3A_1507 = tpu.vector_load %arg14[%parallel_loop3A_1505, %parallel_loop3A_1506] {strides = array<i32>} : memref<128x128xf32, #tpu.memory_space<vmem>>, vector<16xf32>,
        %parallel_loop3A_1508 = vector.broadcast %parallel_loop3A_1490 : f32 to vector<16xf32>
        %parallel_loop3A_1509 = arith.mulf %parallel_loop3A_1507, %parallel_loop3A_1508 : vector<16xf32>
        %parallel_loop3A_1510 = arith.constant 12 : i32
        %parallel_loop3A_1511 = arith.addi %parallel_loop3A_310, %parallel_loop3A_1510 : i32
        %parallel_loop3A_1512 = arith.index_cast %parallel_loop3A_1511 : i32 to index
        %parallel_loop3A_1513 = arith.constant 16 : index
        %parallel_loop3A_1514 = tpu.vector_load %arg14[%parallel_loop3A_1512, %parallel_loop3A_1513] {strides = array<i32>} : memref<128x128xf32, #tpu.memory_space<vmem>>, vector<16xf32>,
        tpu.vector_store %arg14[%parallel_loop3A_1512, %parallel_loop3A_1513], %parallel_loop3A_1509 {strides = array<i32>} : memref<128x128xf32, #tpu.memory_space<vmem>>, vector<16xf32>,
        %parallel_loop3A_1515 = arith.constant 12 : i32
        %parallel_loop3A_1516 = arith.addi %parallel_loop3A_310, %parallel_loop3A_1515 : i32
        %parallel_loop3A_1517 = arith.index_cast %parallel_loop3A_1516 : i32 to index
        %parallel_loop3A_1518 = arith.constant 32 : index
        %parallel_loop3A_1519 = tpu.vector_load %arg14[%parallel_loop3A_1517, %parallel_loop3A_1518] {strides = array<i32>} : memref<128x128xf32, #tpu.memory_space<vmem>>, vector<16xf32>,
        %parallel_loop3A_1520 = vector.broadcast %parallel_loop3A_1490 : f32 to vector<16xf32>
        %parallel_loop3A_1521 = arith.mulf %parallel_loop3A_1519, %parallel_loop3A_1520 : vector<16xf32>
        %parallel_loop3A_1522 = arith.constant 12 : i32
        %parallel_loop3A_1523 = arith.addi %parallel_loop3A_310, %parallel_loop3A_1522 : i32
        %parallel_loop3A_1524 = arith.index_cast %parallel_loop3A_1523 : i32 to index
        %parallel_loop3A_1525 = arith.constant 32 : index
        %parallel_loop3A_1526 = tpu.vector_load %arg14[%parallel_loop3A_1524, %parallel_loop3A_1525] {strides = array<i32>} : memref<128x128xf32, #tpu.memory_space<vmem>>, vector<16xf32>,
        tpu.vector_store %arg14[%parallel_loop3A_1524, %parallel_loop3A_1525], %parallel_loop3A_1521 {strides = array<i32>} : memref<128x128xf32, #tpu.memory_space<vmem>>, vector<16xf32>,
        %parallel_loop3A_1527 = arith.constant 12 : i32
        %parallel_loop3A_1528 = arith.addi %parallel_loop3A_310, %parallel_loop3A_1527 : i32
        %parallel_loop3A_1529 = arith.index_cast %parallel_loop3A_1528 : i32 to index
        %parallel_loop3A_1530 = arith.constant 48 : index
        %parallel_loop3A_1531 = tpu.vector_load %arg14[%parallel_loop3A_1529, %parallel_loop3A_1530] {strides = array<i32>} : memref<128x128xf32, #tpu.memory_space<vmem>>, vector<16xf32>,
        %parallel_loop3A_1532 = vector.broadcast %parallel_loop3A_1490 : f32 to vector<16xf32>
        %parallel_loop3A_1533 = arith.mulf %parallel_loop3A_1531, %parallel_loop3A_1532 : vector<16xf32>
        %parallel_loop3A_1534 = arith.constant 12 : i32
        %parallel_loop3A_1535 = arith.addi %parallel_loop3A_310, %parallel_loop3A_1534 : i32
        %parallel_loop3A_1536 = arith.index_cast %parallel_loop3A_1535 : i32 to index
        %parallel_loop3A_1537 = arith.constant 48 : index
        %parallel_loop3A_1538 = tpu.vector_load %arg14[%parallel_loop3A_1536, %parallel_loop3A_1537] {strides = array<i32>} : memref<128x128xf32, #tpu.memory_space<vmem>>, vector<16xf32>,
        tpu.vector_store %arg14[%parallel_loop3A_1536, %parallel_loop3A_1537], %parallel_loop3A_1533 {strides = array<i32>} : memref<128x128xf32, #tpu.memory_space<vmem>>, vector<16xf32>,
        %parallel_loop3A_1539 = arith.constant 12 : i32
        %parallel_loop3A_1540 = arith.addi %parallel_loop3A_310, %parallel_loop3A_1539 : i32
        %parallel_loop3A_1541 = arith.index_cast %parallel_loop3A_1540 : i32 to index
        %parallel_loop3A_1542 = arith.constant 64 : index
        %parallel_loop3A_1543 = tpu.vector_load %arg14[%parallel_loop3A_1541, %parallel_loop3A_1542] {strides = array<i32>} : memref<128x128xf32, #tpu.memory_space<vmem>>, vector<16xf32>,
        %parallel_loop3A_1544 = vector.broadcast %parallel_loop3A_1490 : f32 to vector<16xf32>
        %parallel_loop3A_1545 = arith.mulf %parallel_loop3A_1543, %parallel_loop3A_1544 : vector<16xf32>
        %parallel_loop3A_1546 = arith.constant 12 : i32
        %parallel_loop3A_1547 = arith.addi %parallel_loop3A_310, %parallel_loop3A_1546 : i32
        %parallel_loop3A_1548 = arith.index_cast %parallel_loop3A_1547 : i32 to index
        %parallel_loop3A_1549 = arith.constant 64 : index
        %parallel_loop3A_1550 = tpu.vector_load %arg14[%parallel_loop3A_1548, %parallel_loop3A_1549] {strides = array<i32>} : memref<128x128xf32, #tpu.memory_space<vmem>>, vector<16xf32>,
        tpu.vector_store %arg14[%parallel_loop3A_1548, %parallel_loop3A_1549], %parallel_loop3A_1545 {strides = array<i32>} : memref<128x128xf32, #tpu.memory_space<vmem>>, vector<16xf32>,
        %parallel_loop3A_1551 = arith.constant 12 : i32
        %parallel_loop3A_1552 = arith.addi %parallel_loop3A_310, %parallel_loop3A_1551 : i32
        %parallel_loop3A_1553 = arith.index_cast %parallel_loop3A_1552 : i32 to index
        %parallel_loop3A_1554 = arith.constant 80 : index
        %parallel_loop3A_1555 = tpu.vector_load %arg14[%parallel_loop3A_1553, %parallel_loop3A_1554] {strides = array<i32>} : memref<128x128xf32, #tpu.memory_space<vmem>>, vector<16xf32>,
        %parallel_loop3A_1556 = vector.broadcast %parallel_loop3A_1490 : f32 to vector<16xf32>
        %parallel_loop3A_1557 = arith.mulf %parallel_loop3A_1555, %parallel_loop3A_1556 : vector<16xf32>
        %parallel_loop3A_1558 = arith.constant 12 : i32
        %parallel_loop3A_1559 = arith.addi %parallel_loop3A_310, %parallel_loop3A_1558 : i32
        %parallel_loop3A_1560 = arith.index_cast %parallel_loop3A_1559 : i32 to index
        %parallel_loop3A_1561 = arith.constant 80 : index
        %parallel_loop3A_1562 = tpu.vector_load %arg14[%parallel_loop3A_1560, %parallel_loop3A_1561] {strides = array<i32>} : memref<128x128xf32, #tpu.memory_space<vmem>>, vector<16xf32>,
        tpu.vector_store %arg14[%parallel_loop3A_1560, %parallel_loop3A_1561], %parallel_loop3A_1557 {strides = array<i32>} : memref<128x128xf32, #tpu.memory_space<vmem>>, vector<16xf32>,
        %parallel_loop3A_1563 = arith.constant 12 : i32
        %parallel_loop3A_1564 = arith.addi %parallel_loop3A_310, %parallel_loop3A_1563 : i32
        %parallel_loop3A_1565 = arith.index_cast %parallel_loop3A_1564 : i32 to index
        %parallel_loop3A_1566 = arith.constant 96 : index
        %parallel_loop3A_1567 = tpu.vector_load %arg14[%parallel_loop3A_1565, %parallel_loop3A_1566] {strides = array<i32>} : memref<128x128xf32, #tpu.memory_space<vmem>>, vector<16xf32>,
        %parallel_loop3A_1568 = vector.broadcast %parallel_loop3A_1490 : f32 to vector<16xf32>
        %parallel_loop3A_1569 = arith.mulf %parallel_loop3A_1567, %parallel_loop3A_1568 : vector<16xf32>
        %parallel_loop3A_1570 = arith.constant 12 : i32
        %parallel_loop3A_1571 = arith.addi %parallel_loop3A_310, %parallel_loop3A_1570 : i32
        %parallel_loop3A_1572 = arith.index_cast %parallel_loop3A_1571 : i32 to index
        %parallel_loop3A_1573 = arith.constant 96 : index
        %parallel_loop3A_1574 = tpu.vector_load %arg14[%parallel_loop3A_1572, %parallel_loop3A_1573] {strides = array<i32>} : memref<128x128xf32, #tpu.memory_space<vmem>>, vector<16xf32>,
        tpu.vector_store %arg14[%parallel_loop3A_1572, %parallel_loop3A_1573], %parallel_loop3A_1569 {strides = array<i32>} : memref<128x128xf32, #tpu.memory_space<vmem>>, vector<16xf32>,
        %parallel_loop3A_1575 = arith.constant 12 : i32
        %parallel_loop3A_1576 = arith.addi %parallel_loop3A_310, %parallel_loop3A_1575 : i32
        %parallel_loop3A_1577 = arith.index_cast %parallel_loop3A_1576 : i32 to index
        %parallel_loop3A_1578 = arith.constant 112 : index
        %parallel_loop3A_1579 = tpu.vector_load %arg14[%parallel_loop3A_1577, %parallel_loop3A_1578] {strides = array<i32>} : memref<128x128xf32, #tpu.memory_space<vmem>>, vector<16xf32>,
        %parallel_loop3A_1580 = vector.broadcast %parallel_loop3A_1490 : f32 to vector<16xf32>
        %parallel_loop3A_1581 = arith.mulf %parallel_loop3A_1579, %parallel_loop3A_1580 : vector<16xf32>
        %parallel_loop3A_1582 = arith.constant 12 : i32
        %parallel_loop3A_1583 = arith.addi %parallel_loop3A_310, %parallel_loop3A_1582 : i32
        %parallel_loop3A_1584 = arith.index_cast %parallel_loop3A_1583 : i32 to index
        %parallel_loop3A_1585 = arith.constant 112 : index
        %parallel_loop3A_1586 = tpu.vector_load %arg14[%parallel_loop3A_1584, %parallel_loop3A_1585] {strides = array<i32>} : memref<128x128xf32, #tpu.memory_space<vmem>>, vector<16xf32>,
        tpu.vector_store %arg14[%parallel_loop3A_1584, %parallel_loop3A_1585], %parallel_loop3A_1581 {strides = array<i32>} : memref<128x128xf32, #tpu.memory_space<vmem>>, vector<16xf32>,
        %parallel_loop3A_1587 = vector.extract_strided_slice %parallel_loop3A_312 {offsets = [13], sizes = [1], strides = [1]} : vector<16xf32> to vector<1xf32>
        %parallel_loop3A_1588 = vector.extract %parallel_loop3A_1587[0] : f32 from vector<1xf32>
        %parallel_loop3A_1589 = arith.constant 13 : i32
        %parallel_loop3A_1590 = arith.addi %parallel_loop3A_310, %parallel_loop3A_1589 : i32
        %parallel_loop3A_1591 = arith.index_cast %parallel_loop3A_1590 : i32 to index
        %parallel_loop3A_1592 = arith.constant 0 : index
        %parallel_loop3A_1593 = tpu.vector_load %arg14[%parallel_loop3A_1591, %parallel_loop3A_1592] {strides = array<i32>} : memref<128x128xf32, #tpu.memory_space<vmem>>, vector<16xf32>,
        %parallel_loop3A_1594 = vector.broadcast %parallel_loop3A_1588 : f32 to vector<16xf32>
        %parallel_loop3A_1595 = arith.mulf %parallel_loop3A_1593, %parallel_loop3A_1594 : vector<16xf32>
        %parallel_loop3A_1596 = arith.constant 13 : i32
        %parallel_loop3A_1597 = arith.addi %parallel_loop3A_310, %parallel_loop3A_1596 : i32
        %parallel_loop3A_1598 = arith.index_cast %parallel_loop3A_1597 : i32 to index
        %parallel_loop3A_1599 = arith.constant 0 : index
        %parallel_loop3A_1600 = tpu.vector_load %arg14[%parallel_loop3A_1598, %parallel_loop3A_1599] {strides = array<i32>} : memref<128x128xf32, #tpu.memory_space<vmem>>, vector<16xf32>,
        tpu.vector_store %arg14[%parallel_loop3A_1598, %parallel_loop3A_1599], %parallel_loop3A_1595 {strides = array<i32>} : memref<128x128xf32, #tpu.memory_space<vmem>>, vector<16xf32>,
        %parallel_loop3A_1601 = arith.constant 13 : i32
        %parallel_loop3A_1602 = arith.addi %parallel_loop3A_310, %parallel_loop3A_1601 : i32
        %parallel_loop3A_1603 = arith.index_cast %parallel_loop3A_1602 : i32 to index
        %parallel_loop3A_1604 = arith.constant 16 : index
        %parallel_loop3A_1605 = tpu.vector_load %arg14[%parallel_loop3A_1603, %parallel_loop3A_1604] {strides = array<i32>} : memref<128x128xf32, #tpu.memory_space<vmem>>, vector<16xf32>,
        %parallel_loop3A_1606 = vector.broadcast %parallel_loop3A_1588 : f32 to vector<16xf32>
        %parallel_loop3A_1607 = arith.mulf %parallel_loop3A_1605, %parallel_loop3A_1606 : vector<16xf32>
        %parallel_loop3A_1608 = arith.constant 13 : i32
        %parallel_loop3A_1609 = arith.addi %parallel_loop3A_310, %parallel_loop3A_1608 : i32
        %parallel_loop3A_1610 = arith.index_cast %parallel_loop3A_1609 : i32 to index
        %parallel_loop3A_1611 = arith.constant 16 : index
        %parallel_loop3A_1612 = tpu.vector_load %arg14[%parallel_loop3A_1610, %parallel_loop3A_1611] {strides = array<i32>} : memref<128x128xf32, #tpu.memory_space<vmem>>, vector<16xf32>,
        tpu.vector_store %arg14[%parallel_loop3A_1610, %parallel_loop3A_1611], %parallel_loop3A_1607 {strides = array<i32>} : memref<128x128xf32, #tpu.memory_space<vmem>>, vector<16xf32>,
        %parallel_loop3A_1613 = arith.constant 13 : i32
        %parallel_loop3A_1614 = arith.addi %parallel_loop3A_310, %parallel_loop3A_1613 : i32
        %parallel_loop3A_1615 = arith.index_cast %parallel_loop3A_1614 : i32 to index
        %parallel_loop3A_1616 = arith.constant 32 : index
        %parallel_loop3A_1617 = tpu.vector_load %arg14[%parallel_loop3A_1615, %parallel_loop3A_1616] {strides = array<i32>} : memref<128x128xf32, #tpu.memory_space<vmem>>, vector<16xf32>,
        %parallel_loop3A_1618 = vector.broadcast %parallel_loop3A_1588 : f32 to vector<16xf32>
        %parallel_loop3A_1619 = arith.mulf %parallel_loop3A_1617, %parallel_loop3A_1618 : vector<16xf32>
        %parallel_loop3A_1620 = arith.constant 13 : i32
        %parallel_loop3A_1621 = arith.addi %parallel_loop3A_310, %parallel_loop3A_1620 : i32
        %parallel_loop3A_1622 = arith.index_cast %parallel_loop3A_1621 : i32 to index
        %parallel_loop3A_1623 = arith.constant 32 : index
        %parallel_loop3A_1624 = tpu.vector_load %arg14[%parallel_loop3A_1622, %parallel_loop3A_1623] {strides = array<i32>} : memref<128x128xf32, #tpu.memory_space<vmem>>, vector<16xf32>,
        tpu.vector_store %arg14[%parallel_loop3A_1622, %parallel_loop3A_1623], %parallel_loop3A_1619 {strides = array<i32>} : memref<128x128xf32, #tpu.memory_space<vmem>>, vector<16xf32>,
        %parallel_loop3A_1625 = arith.constant 13 : i32
        %parallel_loop3A_1626 = arith.addi %parallel_loop3A_310, %parallel_loop3A_1625 : i32
        %parallel_loop3A_1627 = arith.index_cast %parallel_loop3A_1626 : i32 to index
        %parallel_loop3A_1628 = arith.constant 48 : index
        %parallel_loop3A_1629 = tpu.vector_load %arg14[%parallel_loop3A_1627, %parallel_loop3A_1628] {strides = array<i32>} : memref<128x128xf32, #tpu.memory_space<vmem>>, vector<16xf32>,
        %parallel_loop3A_1630 = vector.broadcast %parallel_loop3A_1588 : f32 to vector<16xf32>
        %parallel_loop3A_1631 = arith.mulf %parallel_loop3A_1629, %parallel_loop3A_1630 : vector<16xf32>
        %parallel_loop3A_1632 = arith.constant 13 : i32
        %parallel_loop3A_1633 = arith.addi %parallel_loop3A_310, %parallel_loop3A_1632 : i32
        %parallel_loop3A_1634 = arith.index_cast %parallel_loop3A_1633 : i32 to index
        %parallel_loop3A_1635 = arith.constant 48 : index
        %parallel_loop3A_1636 = tpu.vector_load %arg14[%parallel_loop3A_1634, %parallel_loop3A_1635] {strides = array<i32>} : memref<128x128xf32, #tpu.memory_space<vmem>>, vector<16xf32>,
        tpu.vector_store %arg14[%parallel_loop3A_1634, %parallel_loop3A_1635], %parallel_loop3A_1631 {strides = array<i32>} : memref<128x128xf32, #tpu.memory_space<vmem>>, vector<16xf32>,
        %parallel_loop3A_1637 = arith.constant 13 : i32
        %parallel_loop3A_1638 = arith.addi %parallel_loop3A_310, %parallel_loop3A_1637 : i32
        %parallel_loop3A_1639 = arith.index_cast %parallel_loop3A_1638 : i32 to index
        %parallel_loop3A_1640 = arith.constant 64 : index
        %parallel_loop3A_1641 = tpu.vector_load %arg14[%parallel_loop3A_1639, %parallel_loop3A_1640] {strides = array<i32>} : memref<128x128xf32, #tpu.memory_space<vmem>>, vector<16xf32>,
        %parallel_loop3A_1642 = vector.broadcast %parallel_loop3A_1588 : f32 to vector<16xf32>
        %parallel_loop3A_1643 = arith.mulf %parallel_loop3A_1641, %parallel_loop3A_1642 : vector<16xf32>
        %parallel_loop3A_1644 = arith.constant 13 : i32
        %parallel_loop3A_1645 = arith.addi %parallel_loop3A_310, %parallel_loop3A_1644 : i32
        %parallel_loop3A_1646 = arith.index_cast %parallel_loop3A_1645 : i32 to index
        %parallel_loop3A_1647 = arith.constant 64 : index
        %parallel_loop3A_1648 = tpu.vector_load %arg14[%parallel_loop3A_1646, %parallel_loop3A_1647] {strides = array<i32>} : memref<128x128xf32, #tpu.memory_space<vmem>>, vector<16xf32>,
        tpu.vector_store %arg14[%parallel_loop3A_1646, %parallel_loop3A_1647], %parallel_loop3A_1643 {strides = array<i32>} : memref<128x128xf32, #tpu.memory_space<vmem>>, vector<16xf32>,
        %parallel_loop3A_1649 = arith.constant 13 : i32
        %parallel_loop3A_1650 = arith.addi %parallel_loop3A_310, %parallel_loop3A_1649 : i32
        %parallel_loop3A_1651 = arith.index_cast %parallel_loop3A_1650 : i32 to index
        %parallel_loop3A_1652 = arith.constant 80 : index
        %parallel_loop3A_1653 = tpu.vector_load %arg14[%parallel_loop3A_1651, %parallel_loop3A_1652] {strides = array<i32>} : memref<128x128xf32, #tpu.memory_space<vmem>>, vector<16xf32>,
        %parallel_loop3A_1654 = vector.broadcast %parallel_loop3A_1588 : f32 to vector<16xf32>
        %parallel_loop3A_1655 = arith.mulf %parallel_loop3A_1653, %parallel_loop3A_1654 : vector<16xf32>
        %parallel_loop3A_1656 = arith.constant 13 : i32
        %parallel_loop3A_1657 = arith.addi %parallel_loop3A_310, %parallel_loop3A_1656 : i32
        %parallel_loop3A_1658 = arith.index_cast %parallel_loop3A_1657 : i32 to index
        %parallel_loop3A_1659 = arith.constant 80 : index
        %parallel_loop3A_1660 = tpu.vector_load %arg14[%parallel_loop3A_1658, %parallel_loop3A_1659] {strides = array<i32>} : memref<128x128xf32, #tpu.memory_space<vmem>>, vector<16xf32>,
        tpu.vector_store %arg14[%parallel_loop3A_1658, %parallel_loop3A_1659], %parallel_loop3A_1655 {strides = array<i32>} : memref<128x128xf32, #tpu.memory_space<vmem>>, vector<16xf32>,
        %parallel_loop3A_1661 = arith.constant 13 : i32
        %parallel_loop3A_1662 = arith.addi %parallel_loop3A_310, %parallel_loop3A_1661 : i32
        %parallel_loop3A_1663 = arith.index_cast %parallel_loop3A_1662 : i32 to index
        %parallel_loop3A_1664 = arith.constant 96 : index
        %parallel_loop3A_1665 = tpu.vector_load %arg14[%parallel_loop3A_1663, %parallel_loop3A_1664] {strides = array<i32>} : memref<128x128xf32, #tpu.memory_space<vmem>>, vector<16xf32>,
        %parallel_loop3A_1666 = vector.broadcast %parallel_loop3A_1588 : f32 to vector<16xf32>
        %parallel_loop3A_1667 = arith.mulf %parallel_loop3A_1665, %parallel_loop3A_1666 : vector<16xf32>
        %parallel_loop3A_1668 = arith.constant 13 : i32
        %parallel_loop3A_1669 = arith.addi %parallel_loop3A_310, %parallel_loop3A_1668 : i32
        %parallel_loop3A_1670 = arith.index_cast %parallel_loop3A_1669 : i32 to index
        %parallel_loop3A_1671 = arith.constant 96 : index
        %parallel_loop3A_1672 = tpu.vector_load %arg14[%parallel_loop3A_1670, %parallel_loop3A_1671] {strides = array<i32>} : memref<128x128xf32, #tpu.memory_space<vmem>>, vector<16xf32>,
        tpu.vector_store %arg14[%parallel_loop3A_1670, %parallel_loop3A_1671], %parallel_loop3A_1667 {strides = array<i32>} : memref<128x128xf32, #tpu.memory_space<vmem>>, vector<16xf32>,
        %parallel_loop3A_1673 = arith.constant 13 : i32
        %parallel_loop3A_1674 = arith.addi %parallel_loop3A_310, %parallel_loop3A_1673 : i32
        %parallel_loop3A_1675 = arith.index_cast %parallel_loop3A_1674 : i32 to index
        %parallel_loop3A_1676 = arith.constant 112 : index
        %parallel_loop3A_1677 = tpu.vector_load %arg14[%parallel_loop3A_1675, %parallel_loop3A_1676] {strides = array<i32>} : memref<128x128xf32, #tpu.memory_space<vmem>>, vector<16xf32>,
        %parallel_loop3A_1678 = vector.broadcast %parallel_loop3A_1588 : f32 to vector<16xf32>
        %parallel_loop3A_1679 = arith.mulf %parallel_loop3A_1677, %parallel_loop3A_1678 : vector<16xf32>
        %parallel_loop3A_1680 = arith.constant 13 : i32
        %parallel_loop3A_1681 = arith.addi %parallel_loop3A_310, %parallel_loop3A_1680 : i32
        %parallel_loop3A_1682 = arith.index_cast %parallel_loop3A_1681 : i32 to index
        %parallel_loop3A_1683 = arith.constant 112 : index
        %parallel_loop3A_1684 = tpu.vector_load %arg14[%parallel_loop3A_1682, %parallel_loop3A_1683] {strides = array<i32>} : memref<128x128xf32, #tpu.memory_space<vmem>>, vector<16xf32>,
        tpu.vector_store %arg14[%parallel_loop3A_1682, %parallel_loop3A_1683], %parallel_loop3A_1679 {strides = array<i32>} : memref<128x128xf32, #tpu.memory_space<vmem>>, vector<16xf32>,
        %parallel_loop3A_1685 = vector.extract_strided_slice %parallel_loop3A_312 {offsets = [14], sizes = [1], strides = [1]} : vector<16xf32> to vector<1xf32>
        %parallel_loop3A_1686 = vector.extract %parallel_loop3A_1685[0] : f32 from vector<1xf32>
        %parallel_loop3A_1687 = arith.constant 14 : i32
        %parallel_loop3A_1688 = arith.addi %parallel_loop3A_310, %parallel_loop3A_1687 : i32
        %parallel_loop3A_1689 = arith.index_cast %parallel_loop3A_1688 : i32 to index
        %parallel_loop3A_1690 = arith.constant 0 : index
        %parallel_loop3A_1691 = tpu.vector_load %arg14[%parallel_loop3A_1689, %parallel_loop3A_1690] {strides = array<i32>} : memref<128x128xf32, #tpu.memory_space<vmem>>, vector<16xf32>,
        %parallel_loop3A_1692 = vector.broadcast %parallel_loop3A_1686 : f32 to vector<16xf32>
        %parallel_loop3A_1693 = arith.mulf %parallel_loop3A_1691, %parallel_loop3A_1692 : vector<16xf32>
        %parallel_loop3A_1694 = arith.constant 14 : i32
        %parallel_loop3A_1695 = arith.addi %parallel_loop3A_310, %parallel_loop3A_1694 : i32
        %parallel_loop3A_1696 = arith.index_cast %parallel_loop3A_1695 : i32 to index
        %parallel_loop3A_1697 = arith.constant 0 : index
        %parallel_loop3A_1698 = tpu.vector_load %arg14[%parallel_loop3A_1696, %parallel_loop3A_1697] {strides = array<i32>} : memref<128x128xf32, #tpu.memory_space<vmem>>, vector<16xf32>,
        tpu.vector_store %arg14[%parallel_loop3A_1696, %parallel_loop3A_1697], %parallel_loop3A_1693 {strides = array<i32>} : memref<128x128xf32, #tpu.memory_space<vmem>>, vector<16xf32>,
        %parallel_loop3A_1699 = arith.constant 14 : i32
        %parallel_loop3A_1700 = arith.addi %parallel_loop3A_310, %parallel_loop3A_1699 : i32
        %parallel_loop3A_1701 = arith.index_cast %parallel_loop3A_1700 : i32 to index
        %parallel_loop3A_1702 = arith.constant 16 : index
        %parallel_loop3A_1703 = tpu.vector_load %arg14[%parallel_loop3A_1701, %parallel_loop3A_1702] {strides = array<i32>} : memref<128x128xf32, #tpu.memory_space<vmem>>, vector<16xf32>,
        %parallel_loop3A_1704 = vector.broadcast %parallel_loop3A_1686 : f32 to vector<16xf32>
        %parallel_loop3A_1705 = arith.mulf %parallel_loop3A_1703, %parallel_loop3A_1704 : vector<16xf32>
        %parallel_loop3A_1706 = arith.constant 14 : i32
        %parallel_loop3A_1707 = arith.addi %parallel_loop3A_310, %parallel_loop3A_1706 : i32
        %parallel_loop3A_1708 = arith.index_cast %parallel_loop3A_1707 : i32 to index
        %parallel_loop3A_1709 = arith.constant 16 : index
        %parallel_loop3A_1710 = tpu.vector_load %arg14[%parallel_loop3A_1708, %parallel_loop3A_1709] {strides = array<i32>} : memref<128x128xf32, #tpu.memory_space<vmem>>, vector<16xf32>,
        tpu.vector_store %arg14[%parallel_loop3A_1708, %parallel_loop3A_1709], %parallel_loop3A_1705 {strides = array<i32>} : memref<128x128xf32, #tpu.memory_space<vmem>>, vector<16xf32>,
        %parallel_loop3A_1711 = arith.constant 14 : i32
        %parallel_loop3A_1712 = arith.addi %parallel_loop3A_310, %parallel_loop3A_1711 : i32
        %parallel_loop3A_1713 = arith.index_cast %parallel_loop3A_1712 : i32 to index
        %parallel_loop3A_1714 = arith.constant 32 : index
        %parallel_loop3A_1715 = tpu.vector_load %arg14[%parallel_loop3A_1713, %parallel_loop3A_1714] {strides = array<i32>} : memref<128x128xf32, #tpu.memory_space<vmem>>, vector<16xf32>,
        %parallel_loop3A_1716 = vector.broadcast %parallel_loop3A_1686 : f32 to vector<16xf32>
        %parallel_loop3A_1717 = arith.mulf %parallel_loop3A_1715, %parallel_loop3A_1716 : vector<16xf32>
        %parallel_loop3A_1718 = arith.constant 14 : i32
        %parallel_loop3A_1719 = arith.addi %parallel_loop3A_310, %parallel_loop3A_1718 : i32
        %parallel_loop3A_1720 = arith.index_cast %parallel_loop3A_1719 : i32 to index
        %parallel_loop3A_1721 = arith.constant 32 : index
        %parallel_loop3A_1722 = tpu.vector_load %arg14[%parallel_loop3A_1720, %parallel_loop3A_1721] {strides = array<i32>} : memref<128x128xf32, #tpu.memory_space<vmem>>, vector<16xf32>,
        tpu.vector_store %arg14[%parallel_loop3A_1720, %parallel_loop3A_1721], %parallel_loop3A_1717 {strides = array<i32>} : memref<128x128xf32, #tpu.memory_space<vmem>>, vector<16xf32>,
        %parallel_loop3A_1723 = arith.constant 14 : i32
        %parallel_loop3A_1724 = arith.addi %parallel_loop3A_310, %parallel_loop3A_1723 : i32
        %parallel_loop3A_1725 = arith.index_cast %parallel_loop3A_1724 : i32 to index
        %parallel_loop3A_1726 = arith.constant 48 : index
        %parallel_loop3A_1727 = tpu.vector_load %arg14[%parallel_loop3A_1725, %parallel_loop3A_1726] {strides = array<i32>} : memref<128x128xf32, #tpu.memory_space<vmem>>, vector<16xf32>,
        %parallel_loop3A_1728 = vector.broadcast %parallel_loop3A_1686 : f32 to vector<16xf32>
        %parallel_loop3A_1729 = arith.mulf %parallel_loop3A_1727, %parallel_loop3A_1728 : vector<16xf32>
        %parallel_loop3A_1730 = arith.constant 14 : i32
        %parallel_loop3A_1731 = arith.addi %parallel_loop3A_310, %parallel_loop3A_1730 : i32
        %parallel_loop3A_1732 = arith.index_cast %parallel_loop3A_1731 : i32 to index
        %parallel_loop3A_1733 = arith.constant 48 : index
        %parallel_loop3A_1734 = tpu.vector_load %arg14[%parallel_loop3A_1732, %parallel_loop3A_1733] {strides = array<i32>} : memref<128x128xf32, #tpu.memory_space<vmem>>, vector<16xf32>,
        tpu.vector_store %arg14[%parallel_loop3A_1732, %parallel_loop3A_1733], %parallel_loop3A_1729 {strides = array<i32>} : memref<128x128xf32, #tpu.memory_space<vmem>>, vector<16xf32>,
        %parallel_loop3A_1735 = arith.constant 14 : i32
        %parallel_loop3A_1736 = arith.addi %parallel_loop3A_310, %parallel_loop3A_1735 : i32
        %parallel_loop3A_1737 = arith.index_cast %parallel_loop3A_1736 : i32 to index
        %parallel_loop3A_1738 = arith.constant 64 : index
        %parallel_loop3A_1739 = tpu.vector_load %arg14[%parallel_loop3A_1737, %parallel_loop3A_1738] {strides = array<i32>} : memref<128x128xf32, #tpu.memory_space<vmem>>, vector<16xf32>,
        %parallel_loop3A_1740 = vector.broadcast %parallel_loop3A_1686 : f32 to vector<16xf32>
        %parallel_loop3A_1741 = arith.mulf %parallel_loop3A_1739, %parallel_loop3A_1740 : vector<16xf32>
        %parallel_loop3A_1742 = arith.constant 14 : i32
        %parallel_loop3A_1743 = arith.addi %parallel_loop3A_310, %parallel_loop3A_1742 : i32
        %parallel_loop3A_1744 = arith.index_cast %parallel_loop3A_1743 : i32 to index
        %parallel_loop3A_1745 = arith.constant 64 : index
        %parallel_loop3A_1746 = tpu.vector_load %arg14[%parallel_loop3A_1744, %parallel_loop3A_1745] {strides = array<i32>} : memref<128x128xf32, #tpu.memory_space<vmem>>, vector<16xf32>,
        tpu.vector_store %arg14[%parallel_loop3A_1744, %parallel_loop3A_1745], %parallel_loop3A_1741 {strides = array<i32>} : memref<128x128xf32, #tpu.memory_space<vmem>>, vector<16xf32>,
        %parallel_loop3A_1747 = arith.constant 14 : i32
        %parallel_loop3A_1748 = arith.addi %parallel_loop3A_310, %parallel_loop3A_1747 : i32
        %parallel_loop3A_1749 = arith.index_cast %parallel_loop3A_1748 : i32 to index
        %parallel_loop3A_1750 = arith.constant 80 : index
        %parallel_loop3A_1751 = tpu.vector_load %arg14[%parallel_loop3A_1749, %parallel_loop3A_1750] {strides = array<i32>} : memref<128x128xf32, #tpu.memory_space<vmem>>, vector<16xf32>,
        %parallel_loop3A_1752 = vector.broadcast %parallel_loop3A_1686 : f32 to vector<16xf32>
        %parallel_loop3A_1753 = arith.mulf %parallel_loop3A_1751, %parallel_loop3A_1752 : vector<16xf32>
        %parallel_loop3A_1754 = arith.constant 14 : i32
        %parallel_loop3A_1755 = arith.addi %parallel_loop3A_310, %parallel_loop3A_1754 : i32
        %parallel_loop3A_1756 = arith.index_cast %parallel_loop3A_1755 : i32 to index
        %parallel_loop3A_1757 = arith.constant 80 : index
        %parallel_loop3A_1758 = tpu.vector_load %arg14[%parallel_loop3A_1756, %parallel_loop3A_1757] {strides = array<i32>} : memref<128x128xf32, #tpu.memory_space<vmem>>, vector<16xf32>,
        tpu.vector_store %arg14[%parallel_loop3A_1756, %parallel_loop3A_1757], %parallel_loop3A_1753 {strides = array<i32>} : memref<128x128xf32, #tpu.memory_space<vmem>>, vector<16xf32>,
        %parallel_loop3A_1759 = arith.constant 14 : i32
        %parallel_loop3A_1760 = arith.addi %parallel_loop3A_310, %parallel_loop3A_1759 : i32
        %parallel_loop3A_1761 = arith.index_cast %parallel_loop3A_1760 : i32 to index
        %parallel_loop3A_1762 = arith.constant 96 : index
        %parallel_loop3A_1763 = tpu.vector_load %arg14[%parallel_loop3A_1761, %parallel_loop3A_1762] {strides = array<i32>} : memref<128x128xf32, #tpu.memory_space<vmem>>, vector<16xf32>,
        %parallel_loop3A_1764 = vector.broadcast %parallel_loop3A_1686 : f32 to vector<16xf32>
        %parallel_loop3A_1765 = arith.mulf %parallel_loop3A_1763, %parallel_loop3A_1764 : vector<16xf32>
        %parallel_loop3A_1766 = arith.constant 14 : i32
        %parallel_loop3A_1767 = arith.addi %parallel_loop3A_310, %parallel_loop3A_1766 : i32
        %parallel_loop3A_1768 = arith.index_cast %parallel_loop3A_1767 : i32 to index
        %parallel_loop3A_1769 = arith.constant 96 : index
        %parallel_loop3A_1770 = tpu.vector_load %arg14[%parallel_loop3A_1768, %parallel_loop3A_1769] {strides = array<i32>} : memref<128x128xf32, #tpu.memory_space<vmem>>, vector<16xf32>,
        tpu.vector_store %arg14[%parallel_loop3A_1768, %parallel_loop3A_1769], %parallel_loop3A_1765 {strides = array<i32>} : memref<128x128xf32, #tpu.memory_space<vmem>>, vector<16xf32>,
        %parallel_loop3A_1771 = arith.constant 14 : i32
        %parallel_loop3A_1772 = arith.addi %parallel_loop3A_310, %parallel_loop3A_1771 : i32
        %parallel_loop3A_1773 = arith.index_cast %parallel_loop3A_1772 : i32 to index
        %parallel_loop3A_1774 = arith.constant 112 : index
        %parallel_loop3A_1775 = tpu.vector_load %arg14[%parallel_loop3A_1773, %parallel_loop3A_1774] {strides = array<i32>} : memref<128x128xf32, #tpu.memory_space<vmem>>, vector<16xf32>,
        %parallel_loop3A_1776 = vector.broadcast %parallel_loop3A_1686 : f32 to vector<16xf32>
        %parallel_loop3A_1777 = arith.mulf %parallel_loop3A_1775, %parallel_loop3A_1776 : vector<16xf32>
        %parallel_loop3A_1778 = arith.constant 14 : i32
        %parallel_loop3A_1779 = arith.addi %parallel_loop3A_310, %parallel_loop3A_1778 : i32
        %parallel_loop3A_1780 = arith.index_cast %parallel_loop3A_1779 : i32 to index
        %parallel_loop3A_1781 = arith.constant 112 : index
        %parallel_loop3A_1782 = tpu.vector_load %arg14[%parallel_loop3A_1780, %parallel_loop3A_1781] {strides = array<i32>} : memref<128x128xf32, #tpu.memory_space<vmem>>, vector<16xf32>,
        tpu.vector_store %arg14[%parallel_loop3A_1780, %parallel_loop3A_1781], %parallel_loop3A_1777 {strides = array<i32>} : memref<128x128xf32, #tpu.memory_space<vmem>>, vector<16xf32>,
        %parallel_loop3A_1783 = vector.extract_strided_slice %parallel_loop3A_312 {offsets = [15], sizes = [1], strides = [1]} : vector<16xf32> to vector<1xf32>
        %parallel_loop3A_1784 = vector.extract %parallel_loop3A_1783[0] : f32 from vector<1xf32>
        %parallel_loop3A_1785 = arith.constant 15 : i32
        %parallel_loop3A_1786 = arith.addi %parallel_loop3A_310, %parallel_loop3A_1785 : i32
        %parallel_loop3A_1787 = arith.index_cast %parallel_loop3A_1786 : i32 to index
        %parallel_loop3A_1788 = arith.constant 0 : index
        %parallel_loop3A_1789 = tpu.vector_load %arg14[%parallel_loop3A_1787, %parallel_loop3A_1788] {strides = array<i32>} : memref<128x128xf32, #tpu.memory_space<vmem>>, vector<16xf32>,
        %parallel_loop3A_1790 = vector.broadcast %parallel_loop3A_1784 : f32 to vector<16xf32>
        %parallel_loop3A_1791 = arith.mulf %parallel_loop3A_1789, %parallel_loop3A_1790 : vector<16xf32>
        %parallel_loop3A_1792 = arith.constant 15 : i32
        %parallel_loop3A_1793 = arith.addi %parallel_loop3A_310, %parallel_loop3A_1792 : i32
        %parallel_loop3A_1794 = arith.index_cast %parallel_loop3A_1793 : i32 to index
        %parallel_loop3A_1795 = arith.constant 0 : index
        %parallel_loop3A_1796 = tpu.vector_load %arg14[%parallel_loop3A_1794, %parallel_loop3A_1795] {strides = array<i32>} : memref<128x128xf32, #tpu.memory_space<vmem>>, vector<16xf32>,
        tpu.vector_store %arg14[%parallel_loop3A_1794, %parallel_loop3A_1795], %parallel_loop3A_1791 {strides = array<i32>} : memref<128x128xf32, #tpu.memory_space<vmem>>, vector<16xf32>,
        %parallel_loop3A_1797 = arith.constant 15 : i32
        %parallel_loop3A_1798 = arith.addi %parallel_loop3A_310, %parallel_loop3A_1797 : i32
        %parallel_loop3A_1799 = arith.index_cast %parallel_loop3A_1798 : i32 to index
        %parallel_loop3A_1800 = arith.constant 16 : index
        %parallel_loop3A_1801 = tpu.vector_load %arg14[%parallel_loop3A_1799, %parallel_loop3A_1800] {strides = array<i32>} : memref<128x128xf32, #tpu.memory_space<vmem>>, vector<16xf32>,
        %parallel_loop3A_1802 = vector.broadcast %parallel_loop3A_1784 : f32 to vector<16xf32>
        %parallel_loop3A_1803 = arith.mulf %parallel_loop3A_1801, %parallel_loop3A_1802 : vector<16xf32>
        %parallel_loop3A_1804 = arith.constant 15 : i32
        %parallel_loop3A_1805 = arith.addi %parallel_loop3A_310, %parallel_loop3A_1804 : i32
        %parallel_loop3A_1806 = arith.index_cast %parallel_loop3A_1805 : i32 to index
        %parallel_loop3A_1807 = arith.constant 16 : index
        %parallel_loop3A_1808 = tpu.vector_load %arg14[%parallel_loop3A_1806, %parallel_loop3A_1807] {strides = array<i32>} : memref<128x128xf32, #tpu.memory_space<vmem>>, vector<16xf32>,
        tpu.vector_store %arg14[%parallel_loop3A_1806, %parallel_loop3A_1807], %parallel_loop3A_1803 {strides = array<i32>} : memref<128x128xf32, #tpu.memory_space<vmem>>, vector<16xf32>,
        %parallel_loop3A_1809 = arith.constant 15 : i32
        %parallel_loop3A_1810 = arith.addi %parallel_loop3A_310, %parallel_loop3A_1809 : i32
        %parallel_loop3A_1811 = arith.index_cast %parallel_loop3A_1810 : i32 to index
        %parallel_loop3A_1812 = arith.constant 32 : index
        %parallel_loop3A_1813 = tpu.vector_load %arg14[%parallel_loop3A_1811, %parallel_loop3A_1812] {strides = array<i32>} : memref<128x128xf32, #tpu.memory_space<vmem>>, vector<16xf32>,
        %parallel_loop3A_1814 = vector.broadcast %parallel_loop3A_1784 : f32 to vector<16xf32>
        %parallel_loop3A_1815 = arith.mulf %parallel_loop3A_1813, %parallel_loop3A_1814 : vector<16xf32>
        %parallel_loop3A_1816 = arith.constant 15 : i32
        %parallel_loop3A_1817 = arith.addi %parallel_loop3A_310, %parallel_loop3A_1816 : i32
        %parallel_loop3A_1818 = arith.index_cast %parallel_loop3A_1817 : i32 to index
        %parallel_loop3A_1819 = arith.constant 32 : index
        %parallel_loop3A_1820 = tpu.vector_load %arg14[%parallel_loop3A_1818, %parallel_loop3A_1819] {strides = array<i32>} : memref<128x128xf32, #tpu.memory_space<vmem>>, vector<16xf32>,
        tpu.vector_store %arg14[%parallel_loop3A_1818, %parallel_loop3A_1819], %parallel_loop3A_1815 {strides = array<i32>} : memref<128x128xf32, #tpu.memory_space<vmem>>, vector<16xf32>,
        %parallel_loop3A_1821 = arith.constant 15 : i32
        %parallel_loop3A_1822 = arith.addi %parallel_loop3A_310, %parallel_loop3A_1821 : i32
        %parallel_loop3A_1823 = arith.index_cast %parallel_loop3A_1822 : i32 to index
        %parallel_loop3A_1824 = arith.constant 48 : index
        %parallel_loop3A_1825 = tpu.vector_load %arg14[%parallel_loop3A_1823, %parallel_loop3A_1824] {strides = array<i32>} : memref<128x128xf32, #tpu.memory_space<vmem>>, vector<16xf32>,
        %parallel_loop3A_1826 = vector.broadcast %parallel_loop3A_1784 : f32 to vector<16xf32>
        %parallel_loop3A_1827 = arith.mulf %parallel_loop3A_1825, %parallel_loop3A_1826 : vector<16xf32>
        %parallel_loop3A_1828 = arith.constant 15 : i32
        %parallel_loop3A_1829 = arith.addi %parallel_loop3A_310, %parallel_loop3A_1828 : i32
        %parallel_loop3A_1830 = arith.index_cast %parallel_loop3A_1829 : i32 to index
        %parallel_loop3A_1831 = arith.constant 48 : index
        %parallel_loop3A_1832 = tpu.vector_load %arg14[%parallel_loop3A_1830, %parallel_loop3A_1831] {strides = array<i32>} : memref<128x128xf32, #tpu.memory_space<vmem>>, vector<16xf32>,
        tpu.vector_store %arg14[%parallel_loop3A_1830, %parallel_loop3A_1831], %parallel_loop3A_1827 {strides = array<i32>} : memref<128x128xf32, #tpu.memory_space<vmem>>, vector<16xf32>,
        %parallel_loop3A_1833 = arith.constant 15 : i32
        %parallel_loop3A_1834 = arith.addi %parallel_loop3A_310, %parallel_loop3A_1833 : i32
        %parallel_loop3A_1835 = arith.index_cast %parallel_loop3A_1834 : i32 to index
        %parallel_loop3A_1836 = arith.constant 64 : index
        %parallel_loop3A_1837 = tpu.vector_load %arg14[%parallel_loop3A_1835, %parallel_loop3A_1836] {strides = array<i32>} : memref<128x128xf32, #tpu.memory_space<vmem>>, vector<16xf32>,
        %parallel_loop3A_1838 = vector.broadcast %parallel_loop3A_1784 : f32 to vector<16xf32>
        %parallel_loop3A_1839 = arith.mulf %parallel_loop3A_1837, %parallel_loop3A_1838 : vector<16xf32>
        %parallel_loop3A_1840 = arith.constant 15 : i32
        %parallel_loop3A_1841 = arith.addi %parallel_loop3A_310, %parallel_loop3A_1840 : i32
        %parallel_loop3A_1842 = arith.index_cast %parallel_loop3A_1841 : i32 to index
        %parallel_loop3A_1843 = arith.constant 64 : index
        %parallel_loop3A_1844 = tpu.vector_load %arg14[%parallel_loop3A_1842, %parallel_loop3A_1843] {strides = array<i32>} : memref<128x128xf32, #tpu.memory_space<vmem>>, vector<16xf32>,
        tpu.vector_store %arg14[%parallel_loop3A_1842, %parallel_loop3A_1843], %parallel_loop3A_1839 {strides = array<i32>} : memref<128x128xf32, #tpu.memory_space<vmem>>, vector<16xf32>,
        %parallel_loop3A_1845 = arith.constant 15 : i32
        %parallel_loop3A_1846 = arith.addi %parallel_loop3A_310, %parallel_loop3A_1845 : i32
        %parallel_loop3A_1847 = arith.index_cast %parallel_loop3A_1846 : i32 to index
        %parallel_loop3A_1848 = arith.constant 80 : index
        %parallel_loop3A_1849 = tpu.vector_load %arg14[%parallel_loop3A_1847, %parallel_loop3A_1848] {strides = array<i32>} : memref<128x128xf32, #tpu.memory_space<vmem>>, vector<16xf32>,
        %parallel_loop3A_1850 = vector.broadcast %parallel_loop3A_1784 : f32 to vector<16xf32>
        %parallel_loop3A_1851 = arith.mulf %parallel_loop3A_1849, %parallel_loop3A_1850 : vector<16xf32>
        %parallel_loop3A_1852 = arith.constant 15 : i32
        %parallel_loop3A_1853 = arith.addi %parallel_loop3A_310, %parallel_loop3A_1852 : i32
        %parallel_loop3A_1854 = arith.index_cast %parallel_loop3A_1853 : i32 to index
        %parallel_loop3A_1855 = arith.constant 80 : index
        %parallel_loop3A_1856 = tpu.vector_load %arg14[%parallel_loop3A_1854, %parallel_loop3A_1855] {strides = array<i32>} : memref<128x128xf32, #tpu.memory_space<vmem>>, vector<16xf32>,
        tpu.vector_store %arg14[%parallel_loop3A_1854, %parallel_loop3A_1855], %parallel_loop3A_1851 {strides = array<i32>} : memref<128x128xf32, #tpu.memory_space<vmem>>, vector<16xf32>,
        %parallel_loop3A_1857 = arith.constant 15 : i32
        %parallel_loop3A_1858 = arith.addi %parallel_loop3A_310, %parallel_loop3A_1857 : i32
        %parallel_loop3A_1859 = arith.index_cast %parallel_loop3A_1858 : i32 to index
        %parallel_loop3A_1860 = arith.constant 96 : index
        %parallel_loop3A_1861 = tpu.vector_load %arg14[%parallel_loop3A_1859, %parallel_loop3A_1860] {strides = array<i32>} : memref<128x128xf32, #tpu.memory_space<vmem>>, vector<16xf32>,
        %parallel_loop3A_1862 = vector.broadcast %parallel_loop3A_1784 : f32 to vector<16xf32>
        %parallel_loop3A_1863 = arith.mulf %parallel_loop3A_1861, %parallel_loop3A_1862 : vector<16xf32>
        %parallel_loop3A_1864 = arith.constant 15 : i32
        %parallel_loop3A_1865 = arith.addi %parallel_loop3A_310, %parallel_loop3A_1864 : i32
        %parallel_loop3A_1866 = arith.index_cast %parallel_loop3A_1865 : i32 to index
        %parallel_loop3A_1867 = arith.constant 96 : index
        %parallel_loop3A_1868 = tpu.vector_load %arg14[%parallel_loop3A_1866, %parallel_loop3A_1867] {strides = array<i32>} : memref<128x128xf32, #tpu.memory_space<vmem>>, vector<16xf32>,
        tpu.vector_store %arg14[%parallel_loop3A_1866, %parallel_loop3A_1867], %parallel_loop3A_1863 {strides = array<i32>} : memref<128x128xf32, #tpu.memory_space<vmem>>, vector<16xf32>,
        %parallel_loop3A_1869 = arith.constant 15 : i32
        %parallel_loop3A_1870 = arith.addi %parallel_loop3A_310, %parallel_loop3A_1869 : i32
        %parallel_loop3A_1871 = arith.index_cast %parallel_loop3A_1870 : i32 to index
        %parallel_loop3A_1872 = arith.constant 112 : index
        %parallel_loop3A_1873 = tpu.vector_load %arg14[%parallel_loop3A_1871, %parallel_loop3A_1872] {strides = array<i32>} : memref<128x128xf32, #tpu.memory_space<vmem>>, vector<16xf32>,
        %parallel_loop3A_1874 = vector.broadcast %parallel_loop3A_1784 : f32 to vector<16xf32>
        %parallel_loop3A_1875 = arith.mulf %parallel_loop3A_1873, %parallel_loop3A_1874 : vector<16xf32>
        %parallel_loop3A_1876 = arith.constant 15 : i32
        %parallel_loop3A_1877 = arith.addi %parallel_loop3A_310, %parallel_loop3A_1876 : i32
        %parallel_loop3A_1878 = arith.index_cast %parallel_loop3A_1877 : i32 to index
        %parallel_loop3A_1879 = arith.constant 112 : index
        %parallel_loop3A_1880 = tpu.vector_load %arg14[%parallel_loop3A_1878, %parallel_loop3A_1879] {strides = array<i32>} : memref<128x128xf32, #tpu.memory_space<vmem>>, vector<16xf32>,
        tpu.vector_store %arg14[%parallel_loop3A_1878, %parallel_loop3A_1879], %parallel_loop3A_1875 {strides = array<i32>} : memref<128x128xf32, #tpu.memory_space<vmem>>, vector<16xf32>,
      } {sc.loop_unroll_factor = 1 : i64, sc.parallel_access}
      "tpu.region"() ({
        %run_scoped3A = tpu.sem_alloc : memref<!tpu.dma_semaphore, #tpu.memory_space<semaphore_mem>>
        %dma_start3A = arith.constant 0 : i32
        %dma_start3A_310 = arith.constant 0 : i32
        %dma_start3A_311 = tpu.memref_slice %arg16[%dma_start3A, %dma_start3A_310] : memref<10240x128xf32, #tpu.memory_space<vmem_shared>> -> memref<10240x128xf32, #tpu.memory_space<vmem_shared>>
        tpu.enqueue_indirect_dma source(%arg14 : memref<128x128xf32, #tpu.memory_space<vmem>>) target(%dma_start3A_311 : memref<10240x128xf32, #tpu.memory_space<vmem_shared>>) offsets(%arg12 : memref<128xi32, #tpu.memory_space<vmem>>) semaphore(%run_scoped3A : memref<!tpu.dma_semaphore, #tpu.memory_space<semaphore_mem>>) {add = true}
        %dma_wait3A = arith.constant 0 : i32
        %dma_wait3A_312 = arith.constant 0 : i32
        %dma_wait3A_313 = tpu.memref_slice %arg16[%dma_wait3A, %dma_wait3A_312] : memref<10240x128xf32, #tpu.memory_space<vmem_shared>> -> memref<10240x128xf32, #tpu.memory_space<vmem_shared>>
        tpu.wait_indirect_dma semaphore(%run_scoped3A : memref<!tpu.dma_semaphore, #tpu.memory_space<semaphore_mem>>) src(%arg14 : memref<128x128xf32, #tpu.memory_space<vmem>>) dst(%dma_wait3A_313 : memref<10240x128xf32, #tpu.memory_space<vmem_shared>>)
        tpu.yield
      }) : () -> ()
      %scan3A_309 = arith.constant 0 : i32
      scf.yield %scan3A_309 : i32
    }
    %scan3A_151 = arith.constant 79 : i32
    %barrier3A_152 = arith.constant 0 : index
    tpu.barrier barrier_id(%barrier3A_152)
    %mul3A_153 = arith.constant 640 : i32
    %mul3A_154 = arith.muli %arg1, %mul3A_153 : i32
    %mul3A_155 = arith.constant 640 : i32
    %mul3A_156 = arith.muli %arg1, %mul3A_155 : i32
    "tpu.region"() ({
      %run_scoped3A = tpu.sem_alloc : memref<!tpu.dma_semaphore, #tpu.memory_space<semaphore_mem>>
      %dma_start3A = arith.constant 0 : i32
      %dma_start3A_157 = tpu.memref_slice %arg7[%arg0, %mul3A_156, %dma_start3A] : memref<2x10240x128xf32, #tpu.memory_space<hbm>> -> memref<1x640x128xf32, #tpu.memory_space<hbm>>
      %dma_start3A_158 = tpu.memref_squeeze %dma_start3A_157 : memref<1x640x128xf32, #tpu.memory_space<hbm>> -> memref<640x128xf32, #tpu.memory_space<hbm>>
      %dma_start3A_159 = arith.constant 0 : i32
      %dma_start3A_160 = tpu.memref_slice %arg16[%mul3A_154, %dma_start3A_159] : memref<10240x128xf32, #tpu.memory_space<vmem_shared>> -> memref<640x128xf32, #tpu.memory_space<vmem_shared>>
      tpu.enqueue_dma source(%dma_start3A_160 : memref<640x128xf32, #tpu.memory_space<vmem_shared>>) target(%dma_start3A_158 : memref<640x128xf32, #tpu.memory_space<hbm>>) target_semaphore(%run_scoped3A : memref<!tpu.dma_semaphore, #tpu.memory_space<semaphore_mem>>)
      %dma_wait3A = arith.constant 0 : i32
      %dma_wait3A_161 = tpu.memref_slice %arg7[%arg0, %mul3A_156, %dma_wait3A] : memref<2x10240x128xf32, #tpu.memory_space<hbm>> -> memref<1x640x128xf32, #tpu.memory_space<hbm>>
      %dma_wait3A_162 = tpu.memref_squeeze %dma_wait3A_161 : memref<1x640x128xf32, #tpu.memory_space<hbm>> -> memref<640x128xf32, #tpu.memory_space<hbm>>
      %dma_wait3A_163 = arith.constant 0 : i32
      %dma_wait3A_164 = tpu.memref_slice %arg16[%mul3A_154, %dma_wait3A_163] : memref<10240x128xf32, #tpu.memory_space<vmem_shared>> -> memref<640x128xf32, #tpu.memory_space<vmem_shared>>
      tpu.wait_dma2 semaphore(%run_scoped3A : memref<!tpu.dma_semaphore, #tpu.memory_space<semaphore_mem>>) src(%dma_wait3A_164 : memref<640x128xf32, #tpu.memory_space<vmem_shared>>) dst(%dma_wait3A_162 : memref<640x128xf32, #tpu.memory_space<hbm>>)
      tpu.yield
    }) : () -> ()
    "tpu.region"() ({
      %run_scoped3A = tpu.sem_alloc : memref<!tpu.dma_semaphore, #tpu.memory_space<semaphore_mem>>
      %dma_start3A = arith.constant 0 : i32
      %dma_start3A_157 = tpu.memref_slice %arg8[%add3A, %dma_start3A] : memref<32x10240xf32, #tpu.memory_space<hbm>> -> memref<1x10240xf32, #tpu.memory_space<hbm>>
      %dma_start3A_158 = tpu.memref_squeeze %dma_start3A_157 : memref<1x10240xf32, #tpu.memory_space<hbm>> -> memref<10240xf32, #tpu.memory_space<hbm>>
      %dma_start3A_159 = arith.constant 0 : i32
      %dma_start3A_160 = tpu.memref_slice %arg8[%add3A, %dma_start3A_159] : memref<32x10240xf32, #tpu.memory_space<hbm>> -> memref<1x10240xf32, #tpu.memory_space<hbm>>
      %dma_start3A_161 = tpu.memref_squeeze %dma_start3A_160 : memref<1x10240xf32, #tpu.memory_space<hbm>> -> memref<10240xf32, #tpu.memory_space<hbm>>
      tpu.enqueue_dma source(%arg15 : memref<10240xf32, #tpu.memory_space<vmem>>) target(%dma_start3A_161 : memref<10240xf32, #tpu.memory_space<hbm>>) target_semaphore(%run_scoped3A : memref<!tpu.dma_semaphore, #tpu.memory_space<semaphore_mem>>)
      %dma_wait3A = arith.constant 0 : i32
      %dma_wait3A_162 = tpu.memref_slice %arg8[%add3A, %dma_wait3A] : memref<32x10240xf32, #tpu.memory_space<hbm>> -> memref<1x10240xf32, #tpu.memory_space<hbm>>
      %dma_wait3A_163 = tpu.memref_squeeze %dma_wait3A_162 : memref<1x10240xf32, #tpu.memory_space<hbm>> -> memref<10240xf32, #tpu.memory_space<hbm>>
      %dma_wait3A_164 = arith.constant 0 : i32
      %dma_wait3A_165 = tpu.memref_slice %arg8[%add3A, %dma_wait3A_164] : memref<32x10240xf32, #tpu.memory_space<hbm>> -> memref<1x10240xf32, #tpu.memory_space<hbm>>
      %dma_wait3A_166 = tpu.memref_squeeze %dma_wait3A_165 : memref<1x10240xf32, #tpu.memory_space<hbm>> -> memref<10240xf32, #tpu.memory_space<hbm>>
      tpu.wait_dma2 semaphore(%run_scoped3A : memref<!tpu.dma_semaphore, #tpu.memory_space<semaphore_mem>>) src(%arg15 : memref<10240xf32, #tpu.memory_space<vmem>>) dst(%dma_wait3A_166 : memref<10240xf32, #tpu.memory_space<hbm>>)
      tpu.yield
    }) : () -> ()
    return
  }
}

module attributes {stable_mosaic.version = 14 : i64} {
  func.func @_mm_body(%arg0: i32, %arg1: memref<1024x128xf32, #tpu.memory_space<vmem>>, %arg2: memref<128x128xf32, #tpu.memory_space<vmem>>, %arg3: memref<1x128xf32, #tpu.memory_space<vmem>>, %arg4: memref<1x128xf32, #tpu.memory_space<vmem>>, %arg5: memref<1024x128xf32, #tpu.memory_space<vmem>>, %arg6: memref<1024xf32, #tpu.memory_space<vmem>>, %arg7: memref<1024xf32, #tpu.memory_space<vmem>>) attributes {dimension_semantics = [#tpu.dimension_semantics<arbitrary>], iteration_bounds = array<i64: 10>, scalar_prefetch = 0 : i64, scratch_operands = 0 : i64, tpu.core_type = #tpu.core_type<tc>, window_params = [{transform_indices = @transform_0, window_bounds = array<i64: 1024, 128>}, {pipeline_mode = #tpu.pipeline_mode<synchronous>, transform_indices = @transform_1, window_bounds = array<i64: 128, 128>}, {pipeline_mode = #tpu.pipeline_mode<synchronous>, transform_indices = @transform_2, window_bounds = array<i64: 1, 128>}, {pipeline_mode = #tpu.pipeline_mode<synchronous>, transform_indices = @transform_3, window_bounds = array<i64: 1, 128>}, {transform_indices = @transform_4, window_bounds = array<i64: 1024, 128>}, {transform_indices = @transform_5, window_bounds = array<i64: 1024>}, {transform_indices = @transform_6, window_bounds = array<i64: 1024>}]} {
    %get3A = arith.constant 0 : index
    %get3A_0 = arith.constant 0 : index
    %get3A_1 = vector.load %arg1[%get3A, %get3A_0] : memref<1024x128xf32, #tpu.memory_space<vmem>>, vector<1024x128xf32>
    %get3A_2 = arith.constant 0 : index
    %get3A_3 = arith.constant 0 : index
    %get3A_4 = vector.load %arg2[%get3A_2, %get3A_3] : memref<128x128xf32, #tpu.memory_space<vmem>>, vector<128x128xf32>
    %dot_general3A = arith.constant dense<0.000000e+00> : vector<1024x128xf32>
    %dot_general3A_5 = tpu.matmul %get3A_1, %get3A_4, %dot_general3A {dimension_numbers = #tpu.dot_dimension_numbers<[1], [0], [0], [1], [0, 0, 1, 1], [], []>, transpose_lhs_hint = false} : vector<1024x128xf32>, vector<128x128xf32>, vector<1024x128xf32> -> vector<1024x128xf32>
    %swap3A = arith.constant 0 : index
    %swap3A_6 = arith.constant 0 : index
    %swap3A_7 = vector.load %arg5[%swap3A, %swap3A_6] : memref<1024x128xf32, #tpu.memory_space<vmem>>, vector<1024x128xf32>
    tpu.vector_store %arg5[%swap3A, %swap3A_6], %dot_general3A_5 {strides = array<i32>} : memref<1024x128xf32, #tpu.memory_space<vmem>>, vector<1024x128xf32>,
    %get3A_8 = arith.constant 0 : index
    %get3A_9 = arith.constant 0 : index
    %get3A_10 = vector.load %arg3[%get3A_8, %get3A_9] : memref<1x128xf32, #tpu.memory_space<vmem>>, vector<1x128xf32>
    %mul3A = vector.broadcast %get3A_10 : vector<1x128xf32> to vector<1024x128xf32>
    %mul3A_11 = arith.mulf %dot_general3A_5, %mul3A : vector<1024x128xf32>
    %reduce_sum3A = arith.constant dense<0.000000e+00> : vector<1024xf32>
    %reduce_sum3A_12 = vector.multi_reduction <add>, %mul3A_11, %reduce_sum3A [1] : vector<1024x128xf32> to vector<1024xf32>
    %swap3A_13 = arith.constant 0 : index
    %swap3A_14 = vector.load %arg6[%swap3A_13] : memref<1024xf32, #tpu.memory_space<vmem>>, vector<1024xf32>
    tpu.vector_store %arg6[%swap3A_13], %reduce_sum3A_12 {strides = array<i32>} : memref<1024xf32, #tpu.memory_space<vmem>>, vector<1024xf32>,
    %get3A_15 = arith.constant 0 : index
    %get3A_16 = arith.constant 0 : index
    %get3A_17 = vector.load %arg4[%get3A_15, %get3A_16] : memref<1x128xf32, #tpu.memory_space<vmem>>, vector<1x128xf32>
    %mul3A_18 = vector.broadcast %get3A_17 : vector<1x128xf32> to vector<1024x128xf32>
    %mul3A_19 = arith.mulf %dot_general3A_5, %mul3A_18 : vector<1024x128xf32>
    %reduce_sum3A_20 = arith.constant dense<0.000000e+00> : vector<1024xf32>
    %reduce_sum3A_21 = vector.multi_reduction <add>, %mul3A_19, %reduce_sum3A_20 [1] : vector<1024x128xf32> to vector<1024xf32>
    %swap3A_22 = arith.constant 0 : index
    %swap3A_23 = vector.load %arg7[%swap3A_22] : memref<1024xf32, #tpu.memory_space<vmem>>, vector<1024xf32>
    tpu.vector_store %arg7[%swap3A_22], %reduce_sum3A_21 {strides = array<i32>} : memref<1024xf32, #tpu.memory_space<vmem>>, vector<1024xf32>,
    return
  }
  func.func @transform_0(%arg0: i32) -> (i32, i32) {
    %c0_i32 = arith.constant 0 : i32
    %c0_i32_0 = arith.constant 0 : i32
    return %arg0, %c0_i32 : i32, i32
  }
  func.func @transform_1(%arg0: i32) -> (i32, i32) {
    %c0_i32 = arith.constant 0 : i32
    %c0_i32_0 = arith.constant 0 : i32
    %c0_i32_1 = arith.constant 0 : i32
    return %c0_i32, %c0_i32_0 : i32, i32
  }
  func.func @transform_2(%arg0: i32) -> (i32, i32) {
    %c0_i32 = arith.constant 0 : i32
    %c0_i32_0 = arith.constant 0 : i32
    %c0_i32_1 = arith.constant 0 : i32
    return %c0_i32, %c0_i32_0 : i32, i32
  }
  func.func @transform_3(%arg0: i32) -> (i32, i32) {
    %c0_i32 = arith.constant 0 : i32
    %c0_i32_0 = arith.constant 0 : i32
    %c0_i32_1 = arith.constant 0 : i32
    return %c0_i32, %c0_i32_0 : i32, i32
  }
  func.func @transform_4(%arg0: i32) -> (i32, i32) {
    %c0_i32 = arith.constant 0 : i32
    %c0_i32_0 = arith.constant 0 : i32
    return %arg0, %c0_i32 : i32, i32
  }
  func.func @transform_5(%arg0: i32) -> i32 {
    %c0_i32 = arith.constant 0 : i32
    return %arg0 : i32
  }
  func.func @transform_6(%arg0: i32) -> i32 {
    %c0_i32 = arith.constant 0 : i32
    return %arg0 : i32
  }
}

module attributes {stable_mosaic.version = 14 : i64} {
  func.func @_comb_body(%arg0: i32, %arg1: memref<2x1024x128xf32, #tpu.memory_space<vmem>>, %arg2: memref<32x1024xf32, #tpu.memory_space<vmem>>, %arg3: memref<1x128xf32, #tpu.memory_space<vmem>>, %arg4: memref<1024x128xf32, #tpu.memory_space<vmem>>) attributes {dimension_semantics = [#tpu.dimension_semantics<arbitrary>], iteration_bounds = array<i64: 10>, scalar_prefetch = 0 : i64, scratch_operands = 0 : i64, tpu.core_type = #tpu.core_type<tc>, window_params = [{transform_indices = @transform_0, window_bounds = array<i64: 2, 1024, 128>}, {transform_indices = @transform_1, window_bounds = array<i64: 32, 1024>}, {pipeline_mode = #tpu.pipeline_mode<synchronous>, transform_indices = @transform_2, window_bounds = array<i64: 1, 128>}, {transform_indices = @transform_3, window_bounds = array<i64: 1024, 128>}]} {
    %get3A = arith.constant 0 : index
    %get3A_0 = arith.constant 0 : index
    %get3A_1 = arith.constant 0 : index
    %get3A_2 = vector.load %arg1[%get3A, %get3A_0, %get3A_1] : memref<2x1024x128xf32, #tpu.memory_space<vmem>>, vector<1x1024x128xf32>
    %get3A_3 = vector.shape_cast %get3A_2 : vector<1x1024x128xf32> to vector<1024x128xf32>
    %get3A_4 = arith.constant 1 : index
    %get3A_5 = arith.constant 0 : index
    %get3A_6 = arith.constant 0 : index
    %get3A_7 = vector.load %arg1[%get3A_4, %get3A_5, %get3A_6] : memref<2x1024x128xf32, #tpu.memory_space<vmem>>, vector<1x1024x128xf32>
    %get3A_8 = vector.shape_cast %get3A_7 : vector<1x1024x128xf32> to vector<1024x128xf32>
    %add3A = arith.addf %get3A_3, %get3A_8 : vector<1024x128xf32>
    %get3A_9 = arith.constant 0 : index
    %get3A_10 = arith.constant 0 : index
    %get3A_11 = vector.load %arg2[%get3A_9, %get3A_10] : memref<32x1024xf32, #tpu.memory_space<vmem>>, vector<32x1024xf32>
    %reduce_sum3A = arith.constant dense<0.000000e+00> : vector<1024xf32>
    %reduce_sum3A_12 = vector.multi_reduction <add>, %get3A_11, %reduce_sum3A [0] : vector<32x1024xf32> to vector<1024xf32>
    %add3A_13 = arith.constant 1.000000e-16 : f32
    %add3A_14 = vector.broadcast %add3A_13 : f32 to vector<1024xf32>
    %add3A_15 = arith.addf %reduce_sum3A_12, %add3A_14 : vector<1024xf32>
    %broadcast_in_dim3A = vector.shape_cast %add3A_15 : vector<1024xf32> to vector<1024x1xf32>
    %div3A = vector.broadcast %broadcast_in_dim3A : vector<1024x1xf32> to vector<1024x128xf32>
    %div3A_16 = arith.divf %add3A, %div3A : vector<1024x128xf32>
    %get3A_17 = arith.constant 0 : index
    %get3A_18 = arith.constant 0 : index
    %get3A_19 = vector.load %arg3[%get3A_17, %get3A_18] : memref<1x128xf32, #tpu.memory_space<vmem>>, vector<1x128xf32>
    %add3A_20 = vector.broadcast %get3A_19 : vector<1x128xf32> to vector<1024x128xf32>
    %add3A_21 = arith.addf %div3A_16, %add3A_20 : vector<1024x128xf32>
    %swap3A = arith.constant 0 : index
    %swap3A_22 = arith.constant 0 : index
    %swap3A_23 = vector.load %arg4[%swap3A, %swap3A_22] : memref<1024x128xf32, #tpu.memory_space<vmem>>, vector<1024x128xf32>
    tpu.vector_store %arg4[%swap3A, %swap3A_22], %add3A_21 {strides = array<i32>} : memref<1024x128xf32, #tpu.memory_space<vmem>>, vector<1024x128xf32>,
    return
  }
  func.func @transform_0(%arg0: i32) -> (i32, i32, i32) {
    %c0_i32 = arith.constant 0 : i32
    %c0_i32_0 = arith.constant 0 : i32
    %c0_i32_1 = arith.constant 0 : i32
    return %c0_i32, %arg0, %c0_i32_0 : i32, i32, i32
  }
  func.func @transform_1(%arg0: i32) -> (i32, i32) {
    %c0_i32 = arith.constant 0 : i32
    %c0_i32_0 = arith.constant 0 : i32
    return %c0_i32, %arg0 : i32, i32
  }
  func.func @transform_2(%arg0: i32) -> (i32, i32) {
    %c0_i32 = arith.constant 0 : i32
    %c0_i32_0 = arith.constant 0 : i32
    %c0_i32_1 = arith.constant 0 : i32
    return %c0_i32, %c0_i32_0 : i32, i32
  }
  func.func @transform_3(%arg0: i32) -> (i32, i32) {
    %c0_i32 = arith.constant 0 : i32
    %c0_i32_0 = arith.constant 0 : i32
    return %arg0, %c0_i32 : i32, i32
  }
}

</mosaic_0001>

<sc_bundles>
// kernel: kernel.5.cloned.1.call-start
scs
__scs_entry_jumppad:
0x0: {  	(pc) =	sbr.rel $0x88, $3  }
0x1: {  	(tag) =	ssettag $0x0;
	lr =	simm.s32 $0x1  }
0x2: {  	[smem:$0x3F9B] =	sst lr;
	_ =	strace $0xD0000000  }
0x3: {  	_ = 	snop  }
0x4: {  	_ = 	snop  }
0x5: {  	_ = 	snop  }
0x6: {  	_ = 	snop  }
0x7: {  	_ = 	snop  }
__scs_overlays_trampoline_lowered:
0x8: {  	[smem:$0x3FAA] =	sst s0  }
0x9: {  	[smem:$0x3FAB] =	sst s1  }
0xa: {  	[smem:$0x3FAC] =	sst s2  }
0xb: {  	[smem:$0x3FAD] =	sst s3  }
0xc: {  	[smem:$0x3FAE] =	sst s4  }
0xd: {  	[smem:$0x3FAF] =	sst s5  }
0xe: {  	[smem:$0x3FB0] =	sst s6  }
0xf: {  	[smem:$0x3FB1] =	sst s7  }
0x10: {  	[smem:$0x3FB2] =	sst s8  }
0x11: {  	[smem:$0x3FB3] =	sst s9;
	s0 =	simm.s32 @!p0 $0x0  }
0x12: {  	s1 =	sld [smem:$0x3F99];
	s0 =	simm.s32 @p0 $0x1  }
0x13: {  	[smem:$0x3FB4] =	sst s0;
	s0 =	simm.s32 @!p1 $0x0  }
0x14: {  	s2 =	sld [smem:$0x3F98];
	s0 =	simm.s32 @p1 $0x1  }
0x15: {  	[smem:$0x3FB5] =	sst s0;
	s0 =	simm.s32 @!p2 $0x0  }
0x16: {  	s3 =	sld [smem:$0x3FDB];
	s0 =	simm.s32 @p2 $0x1  }
0x17: {  	s4 =	simm.s32 $0x1BF5;
	[smem:$0x3FB7] =	sst s0  }
0x18: {  	s0 =	sld [smem:$0x3F9A];
	_ =	swait.ge [sflag:s4], $0x0  }
0x19: {  	s7 =	sld [smem:$0x3F9B]  }
0x1a: {  	s8 =	sadd.s32 $0xFFFFE003, lr  }
0x1b: {  	s9 =	sadd.s32 $0xFFFFFEF7, lr;
	s5 =	simm.s32 $0xFFFFFFFF;
	p2 =	slt.u32 s8, $0xFFFFF086  }
0x1c: {  	p1 =	slt.u32 s9, $0xF7A;
	s5 =	simm.s32 @!p2 $0x0  }
0x1d: {  	s5 =	simm.s32 @p1 $0x1;
	p0 =	seq.s32 s7, s2  }
0x1e: {  	s7 =	smul.u32 @!p0 $0xF7A, s2;
	p2 =	seq.s32 @!p0 s5, $0x0  }
0x1f: {  	s9 =	smul.u32 $0xF7A, s1;
	s8 =	simm.s32 @!p0 $0x1BF5;
	p2 =	por !p2, p0  }
0x20: {  	[sflag:s8] =	ssyncset.s32 @!p0 $0xFFFFF086;
	s6 =	sadd.s32 @!p0 s3, s7;
	s7 =	simm.s32 @!p0 $0x108  }
0x21: {  	s3 =	sadd.s32 s3, s9;
	s6 =	sadd.s32 @!p0 $0x88, s6;
	s7 =	simm.s32 @p2 $0x1082  }
0x22: {  	[simem:s7], [sflag:s8] =	dma.local @!p0 [hbm:s6], $0xF7A  }
0x23: {  	s9 =	sor.u32 $0xD0000000, s2;
	s6 =	simm.s32 $0x108;
	_ =	swait.ge @!p0 [sflag:s8], $0x0  }
0x24: {  	s3 =	sadd.s32 $0x88, s3;
	s6 =	simm.s32 @!p1 $0x1082;
	[sflag:s4] =	ssyncset.s32 $0xFFFFF086  }
0x25: {  	[simem:s6], [sflag:s4] =	dma.local [hbm:s3], $0xF7A  }
0x26: {  	[smem:$0x3F9B] =	sst s1;
	(tag) =	ssettag s2;
	_ =	strace s9  }
0x27: {  	s1 =	sld [smem:$0x3FAB]  }
0x28: {  	s2 =	sld [smem:$0x3FAC]  }
0x29: {  	s4 =	sld [smem:$0x3FAE]  }
0x2a: {  	p0 =	seq.s32 s5, $0x0;
	s5 =	sld [smem:$0x3FAF]  }
0x2b: {  	s6 =	sld [smem:$0x3FB0]  }
0x2c: {  	s7 =	sld [smem:$0x3FB1]  }
0x2d: {  	s3 =	simm.s32 $0x108;
	s8 =	sld [smem:$0x3FB2]  }
0x2e: {  	s3 =	simm.s32 @!p0 $0x1082;
	s9 =	sld [smem:$0x3FB3]  }
0x2f: {  	lr =	sadd.s32 s0, s3;
	s0 =	sld [smem:$0x3FAA]  }
0x30: {  	s3 =	sld [smem:$0x3FAD]  }
0x31: {  	[smem:$0x3FB6] =	sst s10  }
0x32: {  	s10 =	sld [smem:$0x3FB4];
	_ =	sdelay $0x3  }
0x33: {  	p0 =	seq.s32 s10, $0x1;
	s10 =	sld [smem:$0x3FB6];
	_ =	sdelay $0x3  }
0x34: {  	[smem:$0x3FB6] =	sst s10  }
0x35: {  	s10 =	sld [smem:$0x3FB5];
	_ =	sdelay $0x3  }
0x36: {  	p1 =	seq.s32 s10, $0x1;
	s10 =	sld [smem:$0x3FB6];
	_ =	sdelay $0x3  }
0x37: {  	[smem:$0x3FB6] =	sst s10  }
0x38: {  	s10 =	sld [smem:$0x3FB7]  }
0x39: {  	_ = 	snop;
	(pc) =	sbr.ind lr, $3  }
0x3a: {  	_ = 	snop  }
0x3b: {  	_ = 	snop  }
0x3c: {  	p2 =	seq.s32 s10, $0x1;
	s10 =	sld [smem:$0x3FB6]  }
0x3d: {  	_ =	shalt  }
0x3e: {  	_ =	shalt  }
0x3f: {  	_ =	shalt  }
0x40: {  	_ =	shalt  }
0x41: {  	_ =	shalt  }
0x42: {  	_ =	shalt  }
0x43: {  	_ =	shalt  }
0x44: {  	_ =	shalt  }
0x45: {  	_ =	shalt  }
0x46: {  	_ =	shalt  }
0x47: {  	_ =	shalt  }
0x48: {  	_ =	shalt  }
0x49: {  	_ =	shalt  }
0x4a: {  	_ =	shalt  }
0x4b: {  	_ =	shalt  }
0x4c: {  	_ =	shalt  }
0x4d: {  	_ =	shalt  }
0x4e: {  	_ =	shalt  }
0x4f: {  	_ =	shalt  }
0x50: {  	_ =	shalt  }
0x51: {  	_ =	shalt  }
0x52: {  	_ =	shalt  }
0x53: {  	_ =	shalt  }
0x54: {  	_ =	shalt  }
0x55: {  	_ =	shalt  }
0x56: {  	_ =	shalt  }
0x57: {  	_ =	shalt  }
0x58: {  	_ =	shalt  }
0x59: {  	_ =	shalt  }
0x5a: {  	_ =	shalt  }
0x5b: {  	_ =	shalt  }
0x5c: {  	_ =	shalt  }
0x5d: {  	_ =	shalt  }
0x5e: {  	_ =	shalt  }
0x5f: {  	_ =	shalt  }
0x60: {  	_ =	shalt  }
0x61: {  	_ =	shalt  }
0x62: {  	_ =	shalt  }
0x63: {  	_ =	shalt  }
0x64: {  	_ =	shalt  }
0x65: {  	_ =	shalt  }
0x66: {  	_ =	shalt  }
0x67: {  	_ =	shalt  }
0x68: {  	_ =	shalt  }
0x69: {  	_ =	shalt  }
0x6a: {  	_ =	shalt  }
0x6b: {  	_ =	shalt  }
0x6c: {  	_ =	shalt  }
0x6d: {  	_ =	shalt  }
0x6e: {  	_ =	shalt  }
0x6f: {  	_ =	shalt  }
0x70: {  	_ =	shalt  }
0x71: {  	_ =	shalt  }
0x72: {  	_ =	shalt  }
0x73: {  	_ =	shalt  }
0x74: {  	_ =	shalt  }
0x75: {  	_ =	shalt  }
0x76: {  	_ =	shalt  }
0x77: {  	_ =	shalt  }
0x78: {  	_ =	shalt  }
0x79: {  	_ =	shalt  }
0x7a: {  	_ =	shalt  }
0x7b: {  	_ =	shalt  }
0x7c: {  	_ =	shalt  }
0x7d: {  	_ =	shalt  }
0x7e: {  	_ =	shalt  }
0x7f: {  	_ =	shalt  }
0x80: {  	_ =	shalt  }
0x81: {  	_ =	shalt  }
0x82: {  	_ =	shalt  }
0x83: {  	_ =	shalt  }
0x84: {  	_ =	shalt  }
0x85: {  	_ =	shalt  }
0x86: {  	_ =	shalt  }
0x87: {  	_ =	shalt  }
.Lfunc_end0:
.L_simem_size_0:
called_computation_lowered:
.L_overlay_start_0:
0x88: {  	s2 =	sld [smem:$0x3FD9]  }
0x89: {  	s3 =	sld [smem:$0x3FFE];
	_ =	sdelay $0x1  }
0x8a: {  	s1 =	srdreg.scid  }
0x8b: {  	s0 =	sand.u32 $0x1, s1  }
0x8c: {  	s17 =	sshll.u32 s0, $0xA;
	s2 =	sadd.s32 s3, s2  }
0x8d: {  	s2 =	sadd.s32 s2, s17  }
0x8e: {  	[smem:$0x3FC2] =	sst s2  }
0x8f: {  	_ = 	snop  }
0x90: {  	s2 =	sld [smem:$0x3FD0];
	(tm) =	ssettm $0x1  }
0x91: {  	s18 =	sld [smem:$0x3FFB];
	_ =	sdelay $0x3  }
0x92: {  	_ =	strace s18  }
0x93: {  	s3 =	sld [smem:$0x3FFC];
	_ =	sdelay $0x3  }
0x94: {  	_ =	strace s3  }
0x95: {  	s3 =	sld [smem:$0x3FFD];
	_ =	sdelay $0x3  }
0x96: {  	_ =	strace s3  }
0x97: {  	_ =	strace $0x8FFFFFFF  }
0x98: {  	s19 =	sld [smem:$0x3FDB];
	_ =	sdelay $0x1  }
0x99: {  	s4 =	simm.s32 $_scs_section_size  }
0x9a: {  	s5 =	simm.s32 $_size__tile_overlayer_lowered;
	s6 =	simm.s32 $_tile_overlayer_lowered  }
0x9b: {  	s22 =	simm.s32 $0x1BFF;
	s21 =	sshll.u32 s6, $0x1;
	s3 =	sadd.s32 s4, s19  }
0x9c: {  	s7 =	simm.s32 $0x0;
	s20 =	sshll.u32 s5, $0x1;
	s5 =	sadd.s32 s21, s3  }
0x9d: {  	[timem:s7], [sflag:s22] =	dma.local [hbm:s5], s20  }
0x9e: {  	_ =	swait.ge [sflag:s22], s20  }
0x9f: {  	s4 =	ssub.s32 $0x0, s20;
	[sflag:s22] =	ssyncset.done $0x0  }
0xa0: {  	[sflag:s22] =	ssyncadd.s32 s4;
	_ =	sdelay $0x1  }
0xa1: {  	s23 =	simm.s32 $0x1B8B  }
0xa2: {  	_ =	swait.ge [sflag:s23], $0x1  }
0xa3: {  	[sflag:s23] =	ssyncset.done $0x0  }
0xa4: {  	s25 =	simm.s32 $0x1B8E;
	s24 =	sld [smem:$0x3FFE];
	[sflag:s23] =	ssyncadd.s32 $0xFFFFFFFF  }
0xa5: {  	s26 =	simm.s32 $execute0_lowered;
	[smem:$0x3FD2] =	sst s25  }
0xa6: {  	s5 =	sshll.u32 s26, $0x1;
	_ =	strace $0x80000046;
	[dreg:$0x1] =	wrdreg $0xFFFFFFFF  }
0xa7: {  	s28 =	simm.s32 $_size_execute0_lowered;
	s3 =	sadd.s32 s3, s5;
	[dreg:$0x0] =	wrdreg $0x0  }
0xa8: {  	s5 =	sshll.u32 s28, $0x1;
	[dreg:$0x2] =	wrdreg s3  }
0xa9: {  	[dreg:$0x3] =	wrdreg s5  }
0xaa: {  	[dreg:$0x4] =	wrdreg $0xC0  }
0xab: {  	_ =	task [dreg:s7], $0x5FFFF  }
0xac: {  	[dreg:$0x1] =	wrdreg $0xFFFFFFFF  }
0xad: {  	[dreg:$0x0] =	wrdreg $0x60  }
0xae: {  	[dreg:$0x2] =	wrdreg s24  }
0xaf: {  	[dreg:$0x3] =	wrdreg s2  }
0xb0: {  	[dreg:$0x4] =	wrdreg $0xB9800  }
0xb1: {  	[dreg:$0x5] =	wrdreg $0x9  }
0xb2: {  	_ =	task.clear_ibuf [dreg:s7], $0x6FFFF;
	_ =	strace $0x90000046  }
0xb3: {  	s29 =	simm.s32 $0x9;
	_ =	strace $0x80000048  }
0xb4: {  	_ =	swait.ge [sflag:s29], $0x1  }
0xb5: {  	[sflag:s29] =	ssyncadd.s32 $0xFFFFFFFF  }
0xb6: {  	_ =	strace $0x90000048  }
0xb7: {  	_ =	sfence  }
0xb8: {  	s30 =	sld [smem:$0x0];
	_ =	sdelay $0x2  }
0xb9: {  	s31 =	sshll.u32 s1, $0xD;
	s1 =	sshrl.u32 s1, $0x2  }
0xba: {  	s3 =	sand.u32 $0x4000, s31;
	s1 =	sadd.s32 s1, s30  }
0xbb: {  	s0 =	sor.u32 s3, s0;
	s1 =	sshll.u32 s1, $0x11  }
0xbc: {  	s0 =	sor.u32 s1, s0  }
0xbd: {  	s0 =	sadd.s32 $0x8F2B, s0  }
0xbe: {  	[sflag:s0] =	ssyncadd.remote.s32 $0x1  }
0xbf: {  	_ =	sfence.sel $0xFFFF  }
0xc0: {  	[dreg:$0x0] =	wrdreg $0xFFFFFFFF;
	(pc) =	sbr.abs _section_cstart, $3  }
0xc1: {  	[dreg:$0x1] =	wrdreg $0xFFFFFFFF  }
0xc2: {  	_ =	task.clear_ibuf [dreg:s7], $0x2FFFF;
	_ =	strace $0x9FFFFFFF  }
0xc3: {  	(tm) =	ssettm $0x7FFFFFFF  }
tec
execute0_lowered:
.L_overlay_start_1:
0x0: {  	(tag) =	ssettag $0x1  }
0x1: {  	s0 =	rddreg [dreg:$0x0]  }
0x2: {  	s16 =	rddreg [dreg:$0x1]  }
0x3: {  	s1 =	rddreg [dreg:$0x2];
	s3 =	simm.s32 $0x0  }
0x4: {  	s2 =	srdreg.scid;
	s19 =	simm.s32 $0x2800;
	s20 =	simm.s32 $0x5180  }
0x5: {  	s21 =	simm.s32 $0x5000;
	s22 =	simm.s32 $0x5080;
	s23 =	simm.s32 $0x9180  }
0x6: {  	s24 =	simm.s32 $0x80;
	[smem:$0x7FF] =	sst s3;
	s9 =	sand.u32 $0x1, s2  }
0x7: {  	s2 =	stileid.u32;
	s4 =	sadd.s32 $0x15200, s0;
	s5 =	sadd.s32 $0x3D200, s0  }
0x8: {  	s6 =	sadd.s32 $0x3D800, s0;
	s7 =	sadd.s32 $0xB400, s0;
	s10 =	smul.u32 $0x140000, s9  }
0x9: {  	s8 =	sadd.s32 $0x1600, s0;
	_ =	strace $0x80000047;
	s11 =	smul.u32 $0x14000, s2  }
0xa: {  	s25 =	ssub.s32 $0x2, s9;
	s12 =	smul.u32 $0x50000, s2;
	s13 =	sshll.u32 s2, $0x1  }
0xb: {  	s29 =	sshrl.u32 s2, $0x2;
	s26 =	sshrl.u32 s25, $0x1;
	s14 =	sor.u32 s9, s13  }
0xc: {  	s30 =	smul.u32 $0x14000, s29;
	s10 =	sadd.s32 s11, s10;
	s28 =	sshrl.u32 s12, $0x2  }
0xd: {  	s31 =	sshll.u32 s14, $0x7;
	s17 =	ssub.s32 s25, s26;
	s14 =	smul.u32 $0x4F, s14  }
0xe: {  	s26 =	simm.s32 $0x0;
	s10 =	sshrl.u32 s10, $0x3;
	s9 =	sadd.s32 s28, s1  }
0xf: {  	s15 =	sand.u32 $0x380, s31;
	s17 =	smax.u32 s17, $0x1;
	s0 =	sadd.s32 s10, s0  }
0x10: {  	s10 =	sadd.s32 $0x4000, s9;
	s11 =	sadd.s32 $0x8000, s9;
	s15 =	sor.u32 s30, s15  }
0x11: {  	s12 =	sadd.s32 $0xC000, s9;
	s13 =	sadd.s32 $0x10000, s9;
	s18 =	sshrl.u32 s15, $0x3  }
0x12: {  	v0 =	vimm.f32 $0.0e+00;
	s15 =	sadd.s32 $0x3DE00, s0;
	s16 =	sadd.s32 s16, s18;
	s18 =	simm.s32 $0x1  }
.LBB2_1:
0x13: {  	[tilespmem:s3], [sflag:$0x1] =	stream.linear.gather [hbm4b:s5+s3], $0x2800, $0x38;
	[tilespmem:$0x1F980] =	vst v63  }
0x14: {  	_ =	swait.ge [sflag:s18], $0x2800  }
0x15: {  	[sflag:s18] =	ssyncset.done $0x0  }
0x16: {  	[sflag:s18] =	ssyncadd.s32 $0xFFFFD800  }
0x17: {  	[tilespmem:s19], [sflag:$0x1] =	stream.linear.gather [hbm4b:s6+s3], $0x2800, $0x38;
	[tilespmem:$0x1F980] =	vst v63  }
0x18: {  	_ =	swait.ge [sflag:s18], $0x2800  }
0x19: {  	[sflag:s18] =	ssyncset.done $0x0  }
0x1a: {  	s0 =	simm.s32 $0x0;
	[sflag:s18] =	ssyncadd.s32 $0xFFFFD800  }
.LBB2_2:
0x1b: {  	p0 =	sne.s32 s0, $0x9FC0  }
.Ltmp0:
0x1c: {  	_ = 	snop;
	(pc) =	sbr.rel @p0 .LBB2_2-.Ltmp0, $3  }
0x1d: {  	_ =	sdelay $0x1  }
0x1e: {  	s28 =	sshra.s32 s0, $0x2  }
0x1f: {  	s0 =	sadd.s32 $0x40, s0;
	[tilespmem:s28+$0x9180] =	vst v0  }
0x20: {  	s0 =	simm.s32 $0x0;
	s28 =	simm.s32 $0x200  }
.LBB2_4:
0x21: {  	p0 =	sne.s32 s28, $0xFE00;
	[tilespmem:s0+$0x51F0] =	vst v0  }
0x22: {  	[tilespmem:s0+$0x5180] =	vst v0  }
0x23: {  	[tilespmem:s0+$0x5190] =	vst v0  }
.Ltmp1:
0x24: {  	[tilespmem:s0+$0x51A0] =	vst v0;
	(pc) =	sbr.rel @p0 .LBB2_4-.Ltmp1, $4  }
0x25: {  	[tilespmem:s0+$0x51B0] =	vst v0  }
0x26: {  	[tilespmem:s0+$0x51C0] =	vst v0  }
0x27: {  	[tilespmem:s0+$0x51D0] =	vst v0  }
0x28: {  	[tilespmem:s0+$0x51E0] =	vst v0;
	s0 =	sshra.s32 s28, $0x2;
	s28 =	sadd.s32 $0x200, s28  }
0x29: {  	[tilespmem:s0+$0x51F0] =	vst v0  }
0x2a: {  	[tilespmem:s0+$0x5180] =	vst v0  }
0x2b: {  	[tilespmem:s0+$0x5190] =	vst v0  }
0x2c: {  	[tilespmem:s0+$0x51A0] =	vst v0  }
0x2d: {  	[tilespmem:s0+$0x51B0] =	vst v0  }
0x2e: {  	[tilespmem:s0+$0x51C0] =	vst v0  }
0x2f: {  	[tilespmem:s0+$0x51D0] =	vst v0  }
0x30: {  	[tilespmem:s0+$0x51E0] =	vst v0  }
0x31: {  	[spmem:s9] =	stream.linear.scatter [tilespmem:s20], [sflag:$0x1], $0x4000, $0x38;
	[tilespmem:$0x1F980] =	vst v63  }
0x32: {  	_ =	swait.ge [sflag:s18], $0x4000  }
0x33: {  	[sflag:s18] =	ssyncset.done $0x0  }
0x34: {  	[sflag:s18] =	ssyncadd.s32 $0xFFFFC000  }
0x35: {  	[spmem:s10] =	stream.linear.scatter [tilespmem:s20], [sflag:$0x1], $0x4000, $0x38;
	[tilespmem:$0x1F980] =	vst v63  }
0x36: {  	_ =	swait.ge [sflag:s18], $0x4000  }
0x37: {  	[sflag:s18] =	ssyncset.done $0x0  }
0x38: {  	[sflag:s18] =	ssyncadd.s32 $0xFFFFC000  }
0x39: {  	[spmem:s11] =	stream.linear.scatter [tilespmem:s20], [sflag:$0x1], $0x4000, $0x38;
	[tilespmem:$0x1F980] =	vst v63  }
0x3a: {  	_ =	swait.ge [sflag:s18], $0x4000  }
0x3b: {  	[sflag:s18] =	ssyncset.done $0x0  }
0x3c: {  	[sflag:s18] =	ssyncadd.s32 $0xFFFFC000  }
0x3d: {  	[spmem:s12] =	stream.linear.scatter [tilespmem:s20], [sflag:$0x1], $0x4000, $0x38;
	[tilespmem:$0x1F980] =	vst v63  }
0x3e: {  	_ =	swait.ge [sflag:s18], $0x4000  }
0x3f: {  	[sflag:s18] =	ssyncset.done $0x0  }
0x40: {  	[sflag:s18] =	ssyncadd.s32 $0xFFFFC000  }
0x41: {  	[spmem:s13] =	stream.linear.scatter [tilespmem:s20], [sflag:$0x1], $0x4000, $0x38;
	[tilespmem:$0x1F980] =	vst v63  }
0x42: {  	_ =	swait.ge [sflag:s18], $0x4000  }
0x43: {  	[sflag:s18] =	ssyncset.done $0x0  }
0x44: {  	[sflag:s18] =	ssyncadd.s32 $0xFFFFC000  }
0x45: {  	s0 =	simm.s32 $0x0;
	[bflag:$0x0] =	sbarrier.arrive $0xFFFF  }
0x46: {  	v1 =	vimm.f32 $-Inf;
	s28 =	simm.s32 $0x40;
	v2 =	vimm.f32 $-Inf;
	v3 =	vld [tilespmem:s0+$0x0]  }
.LBB2_6:
0x47: {  	p0 =	sne.s32 s28, $0x9FC0  }
.Ltmp2:
0x48: {  	_ = 	snop;
	(pc) =	sbr.rel @p0 .LBB2_6-.Ltmp2, $3  }
0x49: {  	_ =	sdelay $0x1  }
0x4a: {  	s29 =	sshra.s32 s28, $0x2;
	s28 =	sadd.s32 $0x40, s28;
	v2 =	vmax.f32 v2, v3  }
0x4b: {  	v3 =	vld [tilespmem:s29+$0x0]  }
0x4c: {  	_ =	sdelay $0x3  }
0x4d: {  	s28 =	simm.s32 $0x40;
	v2 =	vmax.f32 v2, v3;
	v3 =	vld [tilespmem:s0+$0x2800]  }
.LBB2_8:
0x4e: {  	p0 =	sne.s32 s28, $0x9FC0  }
.Ltmp3:
0x4f: {  	_ = 	snop;
	(pc) =	sbr.rel @p0 .LBB2_8-.Ltmp3, $3  }
0x50: {  	_ =	sdelay $0x1  }
0x51: {  	s0 =	sshra.s32 s28, $0x2;
	s28 =	sadd.s32 $0x40, s28;
	v1 =	vmax.f32 v1, v3  }
0x52: {  	v3 =	vld [tilespmem:s0+$0x2800]  }
0x53: {  	(v2sf) =	vpush v2, $0x0  }
0x54: {  	(v2sf) =	vpush v2, $0x1  }
0x55: {  	(v2sf) =	vpush v2, $0x2  }
0x56: {  	(v2sf) =	vpush v2, $0x3  }
0x57: {  	(v2sf) =	vpush v2, $0x4  }
0x58: {  	(v2sf) =	vpush v2, $0x5  }
0x59: {  	(v2sf) =	vpush v2, $0x6  }
0x5a: {  	(v2sf) =	vpush v2, $0x7  }
0x5b: {  	(v2sf) =	vpush v2, $0x8  }
0x5c: {  	(v2sf) =	vpush v2, $0x9  }
0x5d: {  	(v2sf) =	vpush v2, $0xA  }
0x5e: {  	(v2sf) =	vpush v2, $0xB  }
0x5f: {  	(v2sf) =	vpush v2, $0xC  }
0x60: {  	(v2sf) =	vpush v2, $0xD  }
0x61: {  	(v2sf) =	vpush v2, $0xE  }
0x62: {  	v1 =	vmax.f32 v1, v3;
	s0 =	spop (v2sf);
	(v2sf) =	vpush v2, $0xF  }
0x63: {  	s28 =	spop (v2sf);
	(v2sf) =	vpush v1, $0x0  }
0x64: {  	s29 =	spop (v2sf);
	(v2sf) =	vpush v1, $0x1  }
0x65: {  	s30 =	spop (v2sf);
	(v2sf) =	vpush v1, $0x2  }
0x66: {  	s0 =	smax.f32 s0, s28;
	s28 =	spop (v2sf);
	(v2sf) =	vpush v1, $0x3  }
0x67: {  	s0 =	smax.f32 s0, s29;
	s29 =	spop (v2sf);
	(v2sf) =	vpush v1, $0x4  }
0x68: {  	s0 =	smax.f32 s0, s30;
	s25 =	spop (v2sf);
	(v2sf) =	vpush v1, $0x5  }
0x69: {  	s0 =	smax.f32 s0, s28;
	s28 =	spop (v2sf);
	(v2sf) =	vpush v1, $0x6  }
0x6a: {  	s0 =	smax.f32 s0, s29;
	s29 =	spop (v2sf);
	(v2sf) =	vpush v1, $0x7  }
0x6b: {  	s0 =	smax.f32 s0, s25;
	s31 =	spop (v2sf);
	(v2sf) =	vpush v1, $0x8  }
0x6c: {  	s0 =	smax.f32 s0, s28;
	s28 =	spop (v2sf);
	(v2sf) =	vpush v1, $0x9  }
0x6d: {  	s0 =	smax.f32 s0, s29;
	s29 =	spop (v2sf);
	(v2sf) =	vpush v1, $0xA  }
0x6e: {  	s0 =	smax.f32 s0, s31;
	s25 =	spop (v2sf);
	(v2sf) =	vpush v1, $0xB  }
0x6f: {  	s0 =	smax.f32 s0, s28;
	s28 =	spop (v2sf);
	(v2sf) =	vpush v1, $0xC  }
0x70: {  	s0 =	smax.f32 s0, s29;
	s29 =	spop (v2sf);
	(v2sf) =	vpush v1, $0xD  }
0x71: {  	s0 =	smax.f32 s0, s25;
	s31 =	spop (v2sf);
	(v2sf) =	vpush v1, $0xE  }
0x72: {  	s0 =	smax.f32 s0, s28;
	s28 =	spop (v2sf);
	(v2sf) =	vpush v1, $0xF  }
0x73: {  	s0 =	smax.f32 s0, s29;
	s29 =	spop (v2sf)  }
0x74: {  	s28 =	smax.f32 s28, s29;
	s29 =	spop (v2sf)  }
0x75: {  	s28 =	smax.f32 s28, s29;
	s29 =	spop (v2sf)  }
0x76: {  	s28 =	smax.f32 s28, s29;
	s29 =	spop (v2sf)  }
0x77: {  	s28 =	smax.f32 s28, s29;
	s29 =	spop (v2sf)  }
0x78: {  	s28 =	smax.f32 s28, s29;
	s29 =	spop (v2sf)  }
0x79: {  	s28 =	smax.f32 s28, s29;
	s29 =	spop (v2sf)  }
0x7a: {  	s28 =	smax.f32 s28, s29;
	s29 =	spop (v2sf)  }
0x7b: {  	s28 =	smax.f32 s28, s29;
	s29 =	spop (v2sf)  }
0x7c: {  	s28 =	smax.f32 s28, s29;
	s29 =	spop (v2sf)  }
0x7d: {  	s28 =	smax.f32 s28, s29;
	s29 =	spop (v2sf)  }
0x7e: {  	s28 =	smax.f32 s28, s29;
	s29 =	spop (v2sf)  }
0x7f: {  	s28 =	smax.f32 s28, s29;
	s29 =	spop (v2sf)  }
0x80: {  	s28 =	smax.f32 s28, s29;
	s29 =	spop (v2sf)  }
0x81: {  	s28 =	smax.f32 s28, s29;
	s29 =	spop (v2sf)  }
0x82: {  	s0 =	smax.f32 s0, s31;
	s28 =	smax.f32 s28, s29  }
0x83: {  	s0 =	sadd.f32 s28, s0;
	_ =	sdelay $0x1  }
0x84: {  	s29 =	simm.s32 $0x0;
	s28 =	simm.s32 $0x0;
	v1 =	vmov s0  }
.LBB2_10:
0x85: {  	s0 =	sadd.s32 s14, s29  }
0x86: {  	s0 =	sshll.u32 s0, $0x4  }
0x87: {  	s30 =	sadd.s32 s7, s0  }
0x88: {  	[tilespmem:s21], [sflag:$0x1] =	stream.linear.gather [hbm4b:s30+s28], $0x80, $0x38;
	[tilespmem:$0x1F980] =	vst v63  }
0x89: {  	_ =	swait.ge [sflag:s18], $0x80  }
0x8a: {  	[sflag:s18] =	ssyncset.done $0x0  }
0x8b: {  	s0 =	sadd.s32 s8, s0;
	[sflag:s18] =	ssyncadd.s32 $0xFFFFFF80  }
0x8c: {  	[tilespmem:s22], [sflag:$0x1] =	stream.linear.gather [hbm4b:s0+s28], $0x80, $0x38;
	[tilespmem:$0x1F980] =	vst v63  }
0x8d: {  	_ =	swait.ge [sflag:s18], $0x80  }
0x8e: {  	[sflag:s18] =	ssyncset.done $0x0  }
0x8f: {  	[sflag:s18] =	ssyncadd.s32 $0xFFFFFF80  }
0x90: {  	v2 =	vld [tilespmem:$0x5000]  }
0x91: {  	v3 =	vld [tilespmem:$0x5080];
	_ =	sdelay $0x6  }
0x92: {  	v2 =	vld.idx.msk [tilespmem:v2+s28+$0x0], $0xffff  }
0x93: {  	v4 =	vld.idx.msk [tilespmem:v3+s19+$0x0], $0xffff;
	_ =	sdelay $0x4  }
0x94: {  	v2 =	vadd.f32 v4, v2;
	_ =	sdelay $0x1  }
0x95: {  	v4 =	vmul.f32 $2.000000030e-01, v2  }
0x96: {  	vm0 =	vgt.f32 v2, $0.0e+00  }
0x97: {  	v2 =	vsel vm0, v2, v4  }
0x98: {  	v2 =	vsub.f32 v2, v1;
	_ =	sdelay $0x1  }
0x99: {  	v2 =	vmul.f32 $1.442695020e+00, v2;
	_ =	sdelay $0x1  }
0x9a: {  	(erf) = vpow2.f32 v2;
	_ =	sdelay $0x8  }
0x9b: {  	v2 =	vpop (erf)  }
0x9c: {  	[tilespmem:$0x5100] =	vst v2  }
0x9d: {  	[tilespmem:v3+s23+$0x0] =	vst.idx.add.f32.msk $0xffff, v2  }
0x9e: {  	v2 =	vld [tilespmem:$0x5010]  }
0x9f: {  	v3 =	vld [tilespmem:$0x5090];
	_ =	sdelay $0x6  }
0xa0: {  	v2 =	vld.idx.msk [tilespmem:v2+s28+$0x0], $0xffff  }
0xa1: {  	v4 =	vld.idx.msk [tilespmem:v3+s19+$0x0], $0xffff;
	_ =	sdelay $0x4  }
0xa2: {  	v2 =	vadd.f32 v4, v2;
	_ =	sdelay $0x1  }
0xa3: {  	v4 =	vmul.f32 $2.000000030e-01, v2  }
0xa4: {  	vm9 =	vgt.f32 v2, $0.0e+00  }
0xa5: {  	v2 =	vsel vm9, v2, v4  }
0xa6: {  	v2 =	vsub.f32 v2, v1;
	_ =	sdelay $0x1  }
0xa7: {  	v2 =	vmul.f32 $1.442695020e+00, v2;
	_ =	sdelay $0x1  }
0xa8: {  	(erf) = vpow2.f32 v2;
	_ =	sdelay $0x8  }
0xa9: {  	v2 =	vpop (erf)  }
0xaa: {  	[tilespmem:$0x5110] =	vst v2  }
0xab: {  	[tilespmem:v3+s23+$0x0] =	vst.idx.add.f32.msk $0xffff, v2  }
0xac: {  	v2 =	vld [tilespmem:$0x5020]  }
0xad: {  	v3 =	vld [tilespmem:$0x50A0];
	_ =	sdelay $0x6  }
0xae: {  	v2 =	vld.idx.msk [tilespmem:v2+s28+$0x0], $0xffff  }
0xaf: {  	v4 =	vld.idx.msk [tilespmem:v3+s19+$0x0], $0xffff;
	_ =	sdelay $0x4  }
0xb0: {  	v2 =	vadd.f32 v4, v2;
	_ =	sdelay $0x1  }
0xb1: {  	v4 =	vmul.f32 $2.000000030e-01, v2  }
0xb2: {  	vm10 =	vgt.f32 v2, $0.0e+00  }
0xb3: {  	v2 =	vsel vm10, v2, v4  }
0xb4: {  	v2 =	vsub.f32 v2, v1;
	_ =	sdelay $0x1  }
0xb5: {  	v2 =	vmul.f32 $1.442695020e+00, v2;
	_ =	sdelay $0x1  }
0xb6: {  	(erf) = vpow2.f32 v2;
	_ =	sdelay $0x8  }
0xb7: {  	v2 =	vpop (erf)  }
0xb8: {  	[tilespmem:$0x5120] =	vst v2  }
0xb9: {  	[tilespmem:v3+s23+$0x0] =	vst.idx.add.f32.msk $0xffff, v2  }
0xba: {  	v2 =	vld [tilespmem:$0x5030]  }
0xbb: {  	v3 =	vld [tilespmem:$0x50B0];
	_ =	sdelay $0x6  }
0xbc: {  	v2 =	vld.idx.msk [tilespmem:v2+s28+$0x0], $0xffff  }
0xbd: {  	v4 =	vld.idx.msk [tilespmem:v3+s19+$0x0], $0xffff;
	_ =	sdelay $0x4  }
0xbe: {  	v2 =	vadd.f32 v4, v2;
	_ =	sdelay $0x1  }
0xbf: {  	v4 =	vmul.f32 $2.000000030e-01, v2  }
0xc0: {  	vm11 =	vgt.f32 v2, $0.0e+00  }
0xc1: {  	v2 =	vsel vm11, v2, v4  }
0xc2: {  	v2 =	vsub.f32 v2, v1;
	_ =	sdelay $0x1  }
0xc3: {  	v2 =	vmul.f32 $1.442695020e+00, v2;
	_ =	sdelay $0x1  }
0xc4: {  	(erf) = vpow2.f32 v2;
	_ =	sdelay $0x8  }
0xc5: {  	v2 =	vpop (erf)  }
0xc6: {  	[tilespmem:$0x5130] =	vst v2  }
0xc7: {  	[tilespmem:v3+s23+$0x0] =	vst.idx.add.f32.msk $0xffff, v2  }
0xc8: {  	v2 =	vld [tilespmem:$0x5040]  }
0xc9: {  	v3 =	vld [tilespmem:$0x50C0];
	_ =	sdelay $0x6  }
0xca: {  	v2 =	vld.idx.msk [tilespmem:v2+s28+$0x0], $0xffff  }
0xcb: {  	v4 =	vld.idx.msk [tilespmem:v3+s19+$0x0], $0xffff;
	_ =	sdelay $0x4  }
0xcc: {  	v2 =	vadd.f32 v4, v2;
	_ =	sdelay $0x1  }
0xcd: {  	v4 =	vmul.f32 $2.000000030e-01, v2  }
0xce: {  	vm12 =	vgt.f32 v2, $0.0e+00  }
0xcf: {  	v2 =	vsel vm12, v2, v4  }
0xd0: {  	v2 =	vsub.f32 v2, v1;
	_ =	sdelay $0x1  }
0xd1: {  	v2 =	vmul.f32 $1.442695020e+00, v2;
	_ =	sdelay $0x1  }
0xd2: {  	(erf) = vpow2.f32 v2;
	_ =	sdelay $0x8  }
0xd3: {  	v2 =	vpop (erf)  }
0xd4: {  	[tilespmem:$0x5140] =	vst v2  }
0xd5: {  	[tilespmem:v3+s23+$0x0] =	vst.idx.add.f32.msk $0xffff, v2  }
0xd6: {  	v2 =	vld [tilespmem:$0x5050]  }
0xd7: {  	v3 =	vld [tilespmem:$0x50D0];
	_ =	sdelay $0x6  }
0xd8: {  	v2 =	vld.idx.msk [tilespmem:v2+s28+$0x0], $0xffff  }
0xd9: {  	v4 =	vld.idx.msk [tilespmem:v3+s19+$0x0], $0xffff;
	_ =	sdelay $0x4  }
0xda: {  	v2 =	vadd.f32 v4, v2;
	_ =	sdelay $0x1  }
0xdb: {  	v4 =	vmul.f32 $2.000000030e-01, v2  }
0xdc: {  	vm13 =	vgt.f32 v2, $0.0e+00  }
0xdd: {  	v2 =	vsel vm13, v2, v4  }
0xde: {  	v2 =	vsub.f32 v2, v1;
	_ =	sdelay $0x1  }
0xdf: {  	v2 =	vmul.f32 $1.442695020e+00, v2;
	_ =	sdelay $0x1  }
0xe0: {  	(erf) = vpow2.f32 v2;
	_ =	sdelay $0x8  }
0xe1: {  	v2 =	vpop (erf)  }
0xe2: {  	[tilespmem:$0x5150] =	vst v2  }
0xe3: {  	[tilespmem:v3+s23+$0x0] =	vst.idx.add.f32.msk $0xffff, v2  }
0xe4: {  	v2 =	vld [tilespmem:$0x5060]  }
0xe5: {  	v3 =	vld [tilespmem:$0x50E0];
	_ =	sdelay $0x6  }
0xe6: {  	v2 =	vld.idx.msk [tilespmem:v2+s28+$0x0], $0xffff  }
0xe7: {  	v4 =	vld.idx.msk [tilespmem:v3+s19+$0x0], $0xffff;
	_ =	sdelay $0x4  }
0xe8: {  	v2 =	vadd.f32 v4, v2;
	_ =	sdelay $0x1  }
0xe9: {  	v4 =	vmul.f32 $2.000000030e-01, v2  }
0xea: {  	vm14 =	vgt.f32 v2, $0.0e+00  }
0xeb: {  	v2 =	vsel vm14, v2, v4  }
0xec: {  	v2 =	vsub.f32 v2, v1;
	_ =	sdelay $0x1  }
0xed: {  	v2 =	vmul.f32 $1.442695020e+00, v2;
	_ =	sdelay $0x1  }
0xee: {  	(erf) = vpow2.f32 v2;
	_ =	sdelay $0x8  }
0xef: {  	v2 =	vpop (erf)  }
0xf0: {  	[tilespmem:$0x5160] =	vst v2  }
0xf1: {  	[tilespmem:v3+s23+$0x0] =	vst.idx.add.f32.msk $0xffff, v2  }
0xf2: {  	v2 =	vld [tilespmem:$0x5070]  }
0xf3: {  	v3 =	vld [tilespmem:$0x50F0];
	_ =	sdelay $0x6  }
0xf4: {  	v2 =	vld.idx.msk [tilespmem:v2+s28+$0x0], $0xffff  }
0xf5: {  	v4 =	vld.idx.msk [tilespmem:v3+s19+$0x0], $0xffff;
	_ =	sdelay $0x4  }
0xf6: {  	v2 =	vadd.f32 v4, v2;
	_ =	sdelay $0x1  }
0xf7: {  	v4 =	vmul.f32 $2.000000030e-01, v2  }
0xf8: {  	vm15 =	vgt.f32 v2, $0.0e+00  }
0xf9: {  	v2 =	vsel vm15, v2, v4  }
0xfa: {  	v2 =	vsub.f32 v2, v1;
	_ =	sdelay $0x1  }
0xfb: {  	v2 =	vmul.f32 $1.442695020e+00, v2;
	_ =	sdelay $0x1  }
0xfc: {  	(erf) = vpow2.f32 v2;
	_ =	sdelay $0x8  }
0xfd: {  	v2 =	vpop (erf)  }
0xfe: {  	[tilespmem:$0x5170] =	vst v2  }
0xff: {  	[tilespmem:v3+s23+$0x0] =	vst.idx.add.f32.msk $0xffff, v2  }
0x100: {  	[tilespmem:s20], [sflag:$0x1] =	stream.indirect.gather [hbm4b:s4+s24], $0x80, s21, s24, $0xb8;
	[tilespmem:$0x1F980] =	vst v63  }
0x101: {  	_ =	swait.ge [sflag:s18], $0x4000  }
0x102: {  	[sflag:s18] =	ssyncset.done $0x0  }
0x103: {  	s25 =	simm.s32 $0x0;
	[sflag:s18] =	ssyncadd.s32 $0xFFFFC000  }
0x104: {  	s30 =	sand.u32 $0x3FFFFF80, s25;
	v5 =	vld [tilespmem:s28+$0x5100]  }
0x105: {  	v2 =	vld [tilespmem:s30+$0x5970]  }
0x106: {  	v4 =	vld [tilespmem:s30+$0x5180]  }
0x107: {  	v6 =	vld [tilespmem:s30+$0x5190]  }
0x108: {  	v7 =	vld [tilespmem:s30+$0x51A0]  }
0x109: {  	v8 =	vld [tilespmem:s30+$0x51B0]  }
0x10a: {  	v9 =	vld [tilespmem:s30+$0x51C0]  }
0x10b: {  	v10 =	vld [tilespmem:s30+$0x51D0]  }
0x10c: {  	v11 =	vld [tilespmem:s30+$0x51E0]  }
0x10d: {  	v13 =	vld [tilespmem:s30+$0x5200]  }
0x10e: {  	v14 =	vld [tilespmem:s30+$0x5210]  }
0x10f: {  	v18 =	vld [tilespmem:s30+$0x52D0];
	v3 =	vbroadcast v5, $0xF  }
0x110: {  	v26 =	vld [tilespmem:s30+$0x52E0];
	v12 =	vbroadcast v5, $0x0  }
0x111: {  	v15 =	vld [tilespmem:s30+$0x5220];
	v2 =	vmul.f32 v2, v3  }
0x112: {  	s31 =	simm.s32 $0x800;
	v16 =	vld [tilespmem:s30+$0x5230];
	v44 =	vbroadcast v5, $0x2;
	v4 =	vmul.f32 v12, v4  }
0x113: {  	s31 =	sand.u32 $0x3FFFFF80, s31;
	v17 =	vld [tilespmem:s30+$0x5240];
	v6 =	vmul.f32 v6, v12;
	[tilespmem:s30+$0x5970] =	vst v2  }
0x114: {  	v19 =	vld [tilespmem:s31+$0x5970];
	v18 =	vmul.f32 v18, v44;
	[tilespmem:s30+$0x5180] =	vst v4  }
0x115: {  	v20 =	vld [tilespmem:s31+$0x5180];
	v26 =	vmul.f32 v26, v44;
	[tilespmem:s30+$0x5190] =	vst v6  }
0x116: {  	v2 =	vld [tilespmem:s30+$0x51F0];
	v4 =	vmul.f32 v7, v12;
	[tilespmem:s30+$0x52D0] =	vst v18  }
0x117: {  	v21 =	vld [tilespmem:s31+$0x5190];
	v7 =	vmul.f32 v8, v12;
	[tilespmem:s30+$0x52E0] =	vst v26  }
0x118: {  	v22 =	vld [tilespmem:s31+$0x51A0];
	[tilespmem:s30+$0x51A0] =	vst v4;
	v4 =	vmul.f32 v9, v12  }
0x119: {  	v23 =	vld [tilespmem:s31+$0x51B0];
	[tilespmem:s30+$0x51B0] =	vst v7;
	v9 =	vmul.f32 v10, v12  }
0x11a: {  	v24 =	vld [tilespmem:s31+$0x51C0];
	[tilespmem:s30+$0x51C0] =	vst v4;
	v4 =	vmul.f32 v11, v12;
	v11 =	vbroadcast v5, $0x1  }
0x11b: {  	v6 =	vld [tilespmem:s30+$0x5250];
	[tilespmem:s30+$0x51D0] =	vst v9;
	v2 =	vmul.f32 v2, v12  }
0x11c: {  	v8 =	vld [tilespmem:s30+$0x5260];
	[tilespmem:s30+$0x51E0] =	vst v4;
	v4 =	vmul.f32 v13, v11  }
0x11d: {  	v7 =	vld [tilespmem:s30+$0x5270];
	v15 =	vmul.f32 v15, v11;
	[tilespmem:s30+$0x51F0] =	vst v2  }
0x11e: {  	v10 =	vld [tilespmem:s30+$0x5280];
	v16 =	vmul.f32 v16, v11;
	[tilespmem:s30+$0x5200] =	vst v4  }
0x11f: {  	v9 =	vld [tilespmem:s30+$0x5290];
	v17 =	vmul.f32 v17, v11;
	[tilespmem:s30+$0x5220] =	vst v15  }
0x120: {  	v12 =	vld [tilespmem:s30+$0x52A0];
	v6 =	vmul.f32 v6, v11;
	[tilespmem:s30+$0x5230] =	vst v16  }
0x121: {  	s25 =	simm.s32 $0x10;
	v13 =	vld [tilespmem:s30+$0x52B0];
	v8 =	vmul.f32 v8, v11;
	[tilespmem:s30+$0x5240] =	vst v17  }
0x122: {  	v2 =	vmul.f32 v14, v11;
	v4 =	vld [tilespmem:s25+$0x5100];
	[tilespmem:s30+$0x5250] =	vst v6  }
0x123: {  	v14 =	vld [tilespmem:s30+$0x52C0];
	v7 =	vmul.f32 v7, v11;
	[tilespmem:s30+$0x5260] =	vst v8  }
0x124: {  	v25 =	vld [tilespmem:s31+$0x51D0];
	v10 =	vmul.f32 v10, v44;
	[tilespmem:s30+$0x5210] =	vst v2  }
0x125: {  	v41 =	vld [tilespmem:s31+$0x51F0];
	[tilespmem:s30+$0x5270] =	vst v7;
	v9 =	vmul.f32 v9, v44  }
0x126: {  	v28 =	vld [tilespmem:s31+$0x5200];
	[tilespmem:s30+$0x5280] =	vst v10;
	v12 =	vmul.f32 v12, v44  }
0x127: {  	v29 =	vld [tilespmem:s31+$0x5210];
	[tilespmem:s30+$0x5290] =	vst v9;
	v13 =	vmul.f32 v13, v44;
	v2 =	vbroadcast v4, $0xF  }
0x128: {  	v30 =	vld [tilespmem:s31+$0x5220];
	[tilespmem:s30+$0x52A0] =	vst v12;
	v14 =	vmul.f32 v14, v44;
	v27 =	vbroadcast v4, $0x0  }
0x129: {  	v31 =	vld [tilespmem:s30+$0x52F0];
	[tilespmem:s30+$0x52B0] =	vst v13;
	v19 =	vmul.f32 v19, v2  }
0x12a: {  	v42 =	vld [tilespmem:s30+$0x5300];
	[tilespmem:s30+$0x52C0] =	vst v14;
	v20 =	vmul.f32 v27, v20  }
0x12b: {  	v15 =	vld [tilespmem:s31+$0x51E0];
	v21 =	vmul.f32 v21, v27;
	[tilespmem:s31+$0x5970] =	vst v19  }
0x12c: {  	v43 =	vld [tilespmem:s30+$0x5310];
	v22 =	vmul.f32 v22, v27;
	[tilespmem:s31+$0x5180] =	vst v20  }
0x12d: {  	v45 =	vld [tilespmem:s30+$0x5330];
	v23 =	vmul.f32 v23, v27;
	[tilespmem:s31+$0x5190] =	vst v21  }
0x12e: {  	v46 =	vld [tilespmem:s30+$0x5340];
	v24 =	vmul.f32 v24, v27;
	[tilespmem:s31+$0x51A0] =	vst v22  }
0x12f: {  	v16 =	vld [tilespmem:s31+$0x5230];
	v48 =	vbroadcast v4, $0x1;
	v25 =	vmul.f32 v25, v27;
	[tilespmem:s31+$0x51B0] =	vst v23  }
0x130: {  	v17 =	vld [tilespmem:s31+$0x5240];
	v15 =	vmul.f32 v15, v27;
	[tilespmem:s31+$0x51C0] =	vst v24  }
0x131: {  	v6 =	vld [tilespmem:s31+$0x5250];
	v28 =	vmul.f32 v28, v48;
	[tilespmem:s31+$0x51D0] =	vst v25  }
0x132: {  	v8 =	vld [tilespmem:s31+$0x5260];
	v29 =	vmul.f32 v29, v48;
	[tilespmem:s31+$0x51E0] =	vst v15  }
0x133: {  	v7 =	vld [tilespmem:s31+$0x5270];
	v30 =	vmul.f32 v30, v48;
	[tilespmem:s31+$0x5200] =	vst v28  }
0x134: {  	v10 =	vld [tilespmem:s31+$0x5280];
	v16 =	vmul.f32 v16, v48;
	[tilespmem:s31+$0x5210] =	vst v29  }
0x135: {  	v51 =	vld [tilespmem:s31+$0x52D0];
	v17 =	vmul.f32 v17, v48;
	[tilespmem:s31+$0x5220] =	vst v30  }
0x136: {  	v54 =	vld [tilespmem:s31+$0x52E0];
	v6 =	vmul.f32 v6, v48;
	[tilespmem:s31+$0x5230] =	vst v16  }
0x137: {  	v9 =	vld [tilespmem:s31+$0x5290];
	v59 =	vbroadcast v4, $0x2;
	v8 =	vmul.f32 v8, v48;
	[tilespmem:s31+$0x5240] =	vst v17  }
0x138: {  	v47 =	vld [tilespmem:s30+$0x5350];
	v7 =	vmul.f32 v7, v48;
	[tilespmem:s31+$0x5250] =	vst v6  }
0x139: {  	v49 =	vld [tilespmem:s30+$0x5370];
	v10 =	vmul.f32 v10, v59;
	[tilespmem:s31+$0x5260] =	vst v8  }
0x13a: {  	v50 =	vld [tilespmem:s30+$0x5380];
	v18 =	vmul.f32 v51, v59;
	[tilespmem:s31+$0x5270] =	vst v7  }
0x13b: {  	v52 =	vld [tilespmem:s30+$0x5390];
	v26 =	vmul.f32 v54, v59;
	[tilespmem:s31+$0x5280] =	vst v10  }
0x13c: {  	v11 =	vld [tilespmem:s30+$0x5320];
	v9 =	vmul.f32 v9, v59;
	[tilespmem:s31+$0x52D0] =	vst v18  }
0x13d: {  	v55 =	vld [tilespmem:s30+$0x53A0];
	v53 =	vbroadcast v5, $0x3;
	v19 =	vmul.f32 v41, v27;
	[tilespmem:s31+$0x52E0] =	vst v26  }
0x13e: {  	v56 =	vld [tilespmem:s31+$0x52F0];
	v22 =	vmul.f32 v31, v44;
	[tilespmem:s31+$0x5290] =	vst v9  }
0x13f: {  	v57 =	vld [tilespmem:s30+$0x53B0];
	v16 =	vmul.f32 v42, v53;
	[tilespmem:s31+$0x51F0] =	vst v19  }
0x140: {  	v12 =	vld [tilespmem:s31+$0x52A0];
	v17 =	vmul.f32 v43, v53;
	[tilespmem:s30+$0x52F0] =	vst v22  }
0x141: {  	v58 =	vld [tilespmem:s30+$0x53C0];
	v6 =	vmul.f32 v11, v53;
	[tilespmem:s30+$0x5300] =	vst v16  }
0x142: {  	v13 =	vld [tilespmem:s31+$0x52B0];
	v8 =	vmul.f32 v45, v53;
	[tilespmem:s30+$0x5310] =	vst v17  }
0x143: {  	v60 =	vld [tilespmem:s30+$0x53E0];
	v7 =	vmul.f32 v46, v53;
	[tilespmem:s30+$0x5320] =	vst v6  }
0x144: {  	v14 =	vld [tilespmem:s31+$0x52C0];
	v10 =	vmul.f32 v47, v53;
	[tilespmem:s30+$0x5330] =	vst v8  }
0x145: {  	v61 =	vld [tilespmem:s30+$0x53F0];
	v12 =	vmul.f32 v12, v59;
	[tilespmem:s30+$0x5340] =	vst v7  }
0x146: {  	v62 =	vld [tilespmem:s30+$0x5400];
	v20 =	vmul.f32 v56, v59;
	[tilespmem:s30+$0x5350] =	vst v10  }
0x147: {  	v63 =	vld [tilespmem:s30+$0x5420];
	v13 =	vmul.f32 v13, v59;
	[tilespmem:s31+$0x52A0] =	vst v12  }
0x148: {  	v33 =	vld [tilespmem:s31+$0x5370];
	v12 =	vbroadcast v5, $0x4;
	v19 =	vmul.f32 v49, v53;
	[tilespmem:s31+$0x52F0] =	vst v20  }
0x149: {  	v34 =	vld [tilespmem:s30+$0x5430];
	v14 =	vmul.f32 v14, v59;
	[tilespmem:s31+$0x52B0] =	vst v13  }
0x14a: {  	v35 =	vld [tilespmem:s30+$0x5440];
	v13 =	vmul.f32 v50, v12;
	[tilespmem:s30+$0x5370] =	vst v19  }
0x14b: {  	v39 =	vld [tilespmem:s31+$0x53A0];
	[tilespmem:s31+$0x52C0] =	vst v14;
	v14 =	vmul.f32 v52, v12  }
0x14c: {  	v15 =	vld [tilespmem:s30+$0x5360];
	v36 =	vmul.f32 v55, v12;
	[tilespmem:s30+$0x5380] =	vst v13  }
0x14d: {  	v38 =	vbroadcast v4, $0x3;
	v11 =	vld [tilespmem:s31+$0x5310];
	v22 =	vmul.f32 v57, v12;
	[tilespmem:s30+$0x5390] =	vst v14  }
0x14e: {  	v42 =	vld [tilespmem:s31+$0x53B0];
	v49 =	vbroadcast v4, $0x4;
	v41 =	vmul.f32 v58, v12;
	[tilespmem:s30+$0x53A0] =	vst v36  }
0x14f: {  	v44 =	vld [tilespmem:s30+$0x5480];
	v19 =	vmul.f32 v33, v38;
	[tilespmem:s30+$0x53B0] =	vst v22  }
0x150: {  	v16 =	vld [tilespmem:s31+$0x5300];
	v18 =	vmul.f32 v39, v49;
	[tilespmem:s30+$0x53C0] =	vst v41  }
0x151: {  	v6 =	vld [tilespmem:s31+$0x5320];
	v9 =	vmul.f32 v15, v53;
	[tilespmem:s31+$0x5370] =	vst v19  }
0x152: {  	v37 =	vld [tilespmem:s30+$0x5450];
	v56 =	vbroadcast v5, $0x6;
	v11 =	vmul.f32 v11, v38;
	[tilespmem:s31+$0x53A0] =	vst v18  }
0x153: {  	v8 =	vld [tilespmem:s31+$0x5330];
	v21 =	vmul.f32 v42, v49;
	[tilespmem:s30+$0x5360] =	vst v9  }
0x154: {  	v7 =	vld [tilespmem:s31+$0x5340];
	v20 =	vmul.f32 v44, v56;
	[tilespmem:s31+$0x5310] =	vst v11  }
0x155: {  	v10 =	vld [tilespmem:s31+$0x5350];
	v16 =	vmul.f32 v16, v38;
	[tilespmem:s31+$0x53B0] =	vst v21  }
0x156: {  	v59 =	vld [tilespmem:s31+$0x5480];
	v6 =	vmul.f32 v6, v38;
	[tilespmem:s30+$0x5480] =	vst v20  }
0x157: {  	v17 =	vld [tilespmem:s30+$0x53D0];
	v11 =	vmul.f32 v60, v12;
	[tilespmem:s31+$0x5300] =	vst v16  }
0x158: {  	v40 =	vld [tilespmem:s30+$0x5460];
	v8 =	vmul.f32 v8, v38;
	[tilespmem:s31+$0x5320] =	vst v6  }
0x159: {  	v52 =	vld [tilespmem:s30+$0x54F0];
	v42 =	vbroadcast v4, $0x6;
	v7 =	vmul.f32 v7, v38;
	[tilespmem:s30+$0x53E0] =	vst v11  }
0x15a: {  	v48 =	vld [tilespmem:s30+$0x54D0];
	v10 =	vmul.f32 v10, v38;
	[tilespmem:s31+$0x5330] =	vst v8  }
0x15b: {  	v15 =	vld [tilespmem:s30+$0x5410];
	v20 =	vmul.f32 v59, v42;
	[tilespmem:s31+$0x5340] =	vst v7  }
0x15c: {  	v54 =	vld [tilespmem:s30+$0x5500];
	v16 =	vmul.f32 v17, v12;
	[tilespmem:s31+$0x5350] =	vst v10  }
0x15d: {  	v13 =	vld [tilespmem:s31+$0x5380];
	v6 =	vbroadcast v5, $0x5;
	v12 =	vmul.f32 v61, v12;
	[tilespmem:s31+$0x5480] =	vst v20  }
0x15e: {  	v43 =	vld [tilespmem:s30+$0x5470];
	v18 =	vmul.f32 v52, v56;
	[tilespmem:s30+$0x53D0] =	vst v16  }
0x15f: {  	v14 =	vld [tilespmem:s31+$0x5390];
	v8 =	vmul.f32 v62, v6;
	[tilespmem:s30+$0x53F0] =	vst v12  }
0x160: {  	v36 =	vld [tilespmem:s31+$0x54F0];
	v7 =	vmul.f32 v15, v6;
	[tilespmem:s30+$0x54F0] =	vst v18  }
0x161: {  	v9 =	vld [tilespmem:s31+$0x5360];
	v10 =	vmul.f32 v63, v6;
	[tilespmem:s30+$0x5400] =	vst v8  }
0x162: {  	v45 =	vld [tilespmem:s30+$0x5490];
	v13 =	vmul.f32 v13, v49;
	[tilespmem:s30+$0x5410] =	vst v7  }
0x163: {  	v46 =	vld [tilespmem:s30+$0x54A0];
	v51 =	vmul.f32 v35, v6;
	[tilespmem:s30+$0x5420] =	vst v10  }
0x164: {  	v53 =	vld [tilespmem:s31+$0x5440];
	v14 =	vmul.f32 v14, v49;
	[tilespmem:s31+$0x5380] =	vst v13  }
0x165: {  	v47 =	vld [tilespmem:s30+$0x54B0];
	v18 =	vmul.f32 v36, v42;
	[tilespmem:s30+$0x5440] =	vst v51  }
0x166: {  	v50 =	vld [tilespmem:s30+$0x54E0];
	v9 =	vmul.f32 v9, v38;
	[tilespmem:s31+$0x5390] =	vst v14  }
0x167: {  	v17 =	vld [tilespmem:s31+$0x53C0];
	v62 =	vbroadcast v4, $0x5;
	v13 =	vmul.f32 v37, v6;
	[tilespmem:s31+$0x54F0] =	vst v18  }
0x168: {  	v11 =	vld [tilespmem:s31+$0x53E0];
	v14 =	vmul.f32 v40, v6;
	[tilespmem:s31+$0x5360] =	vst v9  }
0x169: {  	v16 =	vld [tilespmem:s31+$0x53D0];
	v19 =	vmul.f32 v53, v62;
	[tilespmem:s30+$0x5450] =	vst v13  }
0x16a: {  	v55 =	vld [tilespmem:s30+$0x5510];
	v9 =	vmul.f32 v34, v6;
	[tilespmem:s30+$0x5460] =	vst v14  }
0x16b: {  	v12 =	vld [tilespmem:s31+$0x53F0];
	v6 =	vmul.f32 v43, v6;
	[tilespmem:s31+$0x5440] =	vst v19  }
0x16c: {  	v57 =	vld [tilespmem:s30+$0x5520];
	v17 =	vmul.f32 v17, v49;
	[tilespmem:s30+$0x5430] =	vst v9  }
0x16d: {  	v58 =	vld [tilespmem:s30+$0x5530];
	v11 =	vmul.f32 v11, v49;
	[tilespmem:s30+$0x5470] =	vst v6  }
0x16e: {  	v8 =	vld [tilespmem:s31+$0x5400];
	v16 =	vmul.f32 v16, v49;
	[tilespmem:s31+$0x53C0] =	vst v17  }
0x16f: {  	v15 =	vld [tilespmem:s30+$0x54C0];
	v17 =	vmul.f32 v45, v56;
	[tilespmem:s31+$0x53E0] =	vst v11  }
0x170: {  	v7 =	vld [tilespmem:s31+$0x5410];
	v12 =	vmul.f32 v12, v49;
	[tilespmem:s31+$0x53D0] =	vst v16  }
0x171: {  	v10 =	vld [tilespmem:s31+$0x5420];
	v11 =	vmul.f32 v47, v56;
	[tilespmem:s30+$0x5490] =	vst v17  }
0x172: {  	v40 =	vld [tilespmem:s31+$0x5510];
	v16 =	vmul.f32 v46, v56;
	[tilespmem:s31+$0x53F0] =	vst v12  }
0x173: {  	v33 =	vld [tilespmem:s30+$0x5580];
	v8 =	vmul.f32 v8, v62;
	[tilespmem:s30+$0x54B0] =	vst v11  }
0x174: {  	v39 =	vld [tilespmem:s30+$0x55C0];
	v12 =	vmul.f32 v15, v56;
	[tilespmem:s30+$0x54A0] =	vst v16  }
0x175: {  	v52 =	vbroadcast v4, $0x7;
	v13 =	vld [tilespmem:s31+$0x5450];
	v7 =	vmul.f32 v7, v62;
	[tilespmem:s31+$0x5400] =	vst v8  }
0x176: {  	v14 =	vld [tilespmem:s31+$0x5460];
	v10 =	vmul.f32 v10, v62;
	[tilespmem:s30+$0x54C0] =	vst v12  }
0x177: {  	v9 =	vld [tilespmem:s31+$0x5430];
	v19 =	vmul.f32 v40, v52;
	[tilespmem:s31+$0x5410] =	vst v7  }
0x178: {  	v6 =	vld [tilespmem:s31+$0x5470];
	v8 =	vmul.f32 v48, v56;
	[tilespmem:s31+$0x5420] =	vst v10  }
0x179: {  	v47 =	vld [tilespmem:s31+$0x5550];
	v7 =	vmul.f32 v50, v56;
	[tilespmem:s31+$0x5510] =	vst v19  }
0x17a: {  	v44 =	vld [tilespmem:s30+$0x55F0];
	v13 =	vmul.f32 v13, v62;
	[tilespmem:s30+$0x54D0] =	vst v8  }
0x17b: {  	v41 =	vld [tilespmem:s30+$0x55D0];
	v14 =	vmul.f32 v14, v62;
	[tilespmem:s30+$0x54E0] =	vst v7  }
0x17c: {  	v60 =	vld [tilespmem:s30+$0x5540];
	v9 =	vmul.f32 v9, v62;
	[tilespmem:s31+$0x5450] =	vst v13  }
0x17d: {  	v61 =	vld [tilespmem:s30+$0x5550];
	v10 =	vbroadcast v5, $0x7;
	v6 =	vmul.f32 v6, v62;
	[tilespmem:s31+$0x5460] =	vst v14  }
0x17e: {  	v59 =	vld [tilespmem:s30+$0x5690];
	v20 =	vmul.f32 v47, v52;
	[tilespmem:s31+$0x5430] =	vst v9  }
0x17f: {  	v63 =	vld [tilespmem:s30+$0x5560];
	v38 =	vmul.f32 v55, v10;
	[tilespmem:s31+$0x5470] =	vst v6  }
0x180: {  	v17 =	vld [tilespmem:s31+$0x5490];
	v13 =	vmul.f32 v57, v10;
	[tilespmem:s31+$0x5550] =	vst v20  }
0x181: {  	v11 =	vld [tilespmem:s31+$0x54B0];
	v14 =	vmul.f32 v58, v10;
	[tilespmem:s30+$0x5510] =	vst v38  }
0x182: {  	v16 =	vld [tilespmem:s31+$0x54A0];
	v45 =	vmul.f32 v61, v10;
	[tilespmem:s30+$0x5520] =	vst v13  }
0x183: {  	v35 =	vld [tilespmem:s30+$0x55A0];
	v9 =	vmul.f32 v54, v10;
	[tilespmem:s30+$0x5530] =	vst v14  }
0x184: {  	v15 =	vld [tilespmem:s30+$0x5570];
	v6 =	vmul.f32 v60, v10;
	[tilespmem:s30+$0x5550] =	vst v45  }
0x185: {  	v12 =	vld [tilespmem:s31+$0x54C0];
	v17 =	vmul.f32 v17, v42;
	[tilespmem:s30+$0x5500] =	vst v9  }
0x186: {  	v8 =	vld [tilespmem:s31+$0x54D0];
	v11 =	vmul.f32 v11, v42;
	[tilespmem:s30+$0x5540] =	vst v6  }
0x187: {  	v7 =	vld [tilespmem:s31+$0x54E0];
	v16 =	vmul.f32 v16, v42;
	[tilespmem:s31+$0x5490] =	vst v17  }
0x188: {  	v36 =	vld [tilespmem:s30+$0x56F0];
	v17 =	vmul.f32 v63, v10;
	[tilespmem:s31+$0x54B0] =	vst v11  }
0x189: {  	v34 =	vld [tilespmem:s30+$0x5590];
	v10 =	vmul.f32 v15, v10;
	[tilespmem:s31+$0x54A0] =	vst v16  }
0x18a: {  	v37 =	vld [tilespmem:s30+$0x55B0];
	v12 =	vmul.f32 v12, v42;
	[tilespmem:s30+$0x5560] =	vst v17  }
0x18b: {  	v51 =	vld [tilespmem:s30+$0x5650];
	v16 =	vbroadcast v5, $0x8;
	[tilespmem:s30+$0x5570] =	vst v10;
	v8 =	vmul.f32 v8, v42  }
0x18c: {  	v53 =	vld [tilespmem:s30+$0x5660];
	[tilespmem:s31+$0x54C0] =	vst v12;
	v7 =	vmul.f32 v7, v42  }
0x18d: {  	v13 =	vld [tilespmem:s31+$0x5520];
	v11 =	vmul.f32 v33, v16;
	[tilespmem:s31+$0x54D0] =	vst v8  }
0x18e: {  	v43 =	vld [tilespmem:s30+$0x55E0];
	v12 =	vmul.f32 v34, v16;
	[tilespmem:s31+$0x54E0] =	vst v7  }
0x18f: {  	v14 =	vld [tilespmem:s31+$0x5530];
	v8 =	vmul.f32 v35, v16;
	[tilespmem:s30+$0x5580] =	vst v11  }
0x190: {  	v9 =	vld [tilespmem:s31+$0x5500];
	v7 =	vmul.f32 v37, v16;
	[tilespmem:s30+$0x5590] =	vst v12  }
0x191: {  	v6 =	vld [tilespmem:s31+$0x5540];
	v54 =	vmul.f32 v39, v16;
	[tilespmem:s30+$0x55A0] =	vst v8  }
0x192: {  	v15 =	vld [tilespmem:s31+$0x5560];
	v13 =	vmul.f32 v13, v52;
	[tilespmem:s30+$0x55B0] =	vst v7  }
0x193: {  	v56 =	vld [tilespmem:s31+$0x55C0];
	v58 =	vmul.f32 v43, v16;
	[tilespmem:s30+$0x55C0] =	vst v54  }
0x194: {  	v60 =	vld [tilespmem:s31+$0x55E0];
	v14 =	vmul.f32 v14, v52;
	[tilespmem:s31+$0x5520] =	vst v13  }
0x195: {  	v49 =	vld [tilespmem:s30+$0x5630];
	v9 =	vmul.f32 v9, v52;
	[tilespmem:s30+$0x55E0] =	vst v58  }
0x196: {  	v46 =	vld [tilespmem:s30+$0x5600];
	v34 =	vbroadcast v4, $0x8;
	v6 =	vmul.f32 v6, v52;
	[tilespmem:s31+$0x5530] =	vst v14  }
0x197: {  	v10 =	vld [tilespmem:s31+$0x5570];
	v15 =	vmul.f32 v15, v52;
	[tilespmem:s31+$0x5500] =	vst v9  }
0x198: {  	v40 =	vld [tilespmem:s30+$0x5730];
	v18 =	vmul.f32 v56, v34;
	[tilespmem:s31+$0x5540] =	vst v6  }
0x199: {  	v48 =	vld [tilespmem:s30+$0x5610];
	v19 =	vmul.f32 v60, v34;
	[tilespmem:s31+$0x5560] =	vst v15  }
0x19a: {  	v17 =	vld [tilespmem:s30+$0x5620];
	v9 =	vmul.f32 v41, v16;
	[tilespmem:s31+$0x55C0] =	vst v18  }
0x19b: {  	v50 =	vld [tilespmem:s30+$0x5640];
	v13 =	vbroadcast v5, $0x9;
	v16 =	vmul.f32 v44, v16;
	[tilespmem:s31+$0x55E0] =	vst v19  }
0x19c: {  	v62 =	vld [tilespmem:s30+$0x56B0];
	v10 =	vmul.f32 v10, v52;
	[tilespmem:s30+$0x55D0] =	vst v9  }
0x19d: {  	v43 =	vld [tilespmem:s31+$0x5690];
	v14 =	vmul.f32 v46, v13;
	[tilespmem:s30+$0x55F0] =	vst v16  }
0x19e: {  	v11 =	vld [tilespmem:s31+$0x5580];
	v6 =	vmul.f32 v48, v13;
	[tilespmem:s31+$0x5570] =	vst v10  }
0x19f: {  	v12 =	vld [tilespmem:s31+$0x5590];
	v17 =	vmul.f32 v17, v13;
	[tilespmem:s30+$0x5600] =	vst v14  }
0x1a0: {  	v8 =	vld [tilespmem:s31+$0x55A0];
	v56 =	vbroadcast v4, $0xA;
	v15 =	vmul.f32 v49, v13;
	[tilespmem:s30+$0x5610] =	vst v6  }
0x1a1: {  	v7 =	vld [tilespmem:s31+$0x55B0];
	v10 =	vmul.f32 v50, v13;
	[tilespmem:s30+$0x5620] =	vst v17  }
0x1a2: {  	v47 =	vld [tilespmem:s30+$0x5760];
	v18 =	vmul.f32 v43, v56;
	[tilespmem:s30+$0x5630] =	vst v15  }
0x1a3: {  	v55 =	vld [tilespmem:s30+$0x5670];
	v11 =	vmul.f32 v11, v34;
	[tilespmem:s30+$0x5640] =	vst v10  }
0x1a4: {  	v57 =	vld [tilespmem:s30+$0x5680];
	v12 =	vmul.f32 v12, v34;
	[tilespmem:s31+$0x5690] =	vst v18  }
0x1a5: {  	v48 =	vld [tilespmem:s31+$0x56B0];
	v8 =	vmul.f32 v8, v34;
	[tilespmem:s31+$0x5580] =	vst v11  }
0x1a6: {  	v9 =	vld [tilespmem:s31+$0x55D0];
	v7 =	vmul.f32 v7, v34;
	[tilespmem:s31+$0x5590] =	vst v12  }
0x1a7: {  	v16 =	vld [tilespmem:s31+$0x55F0];
	v11 =	vmul.f32 v51, v13;
	[tilespmem:s31+$0x55A0] =	vst v8  }
0x1a8: {  	v61 =	vld [tilespmem:s30+$0x56A0];
	v12 =	vmul.f32 v53, v13;
	[tilespmem:s31+$0x55B0] =	vst v7  }
0x1a9: {  	v38 =	vld [tilespmem:s30+$0x5710];
	v13 =	vmul.f32 v55, v13;
	[tilespmem:s30+$0x5650] =	vst v11  }
0x1aa: {  	v63 =	vld [tilespmem:s30+$0x56C0];
	v19 =	vmul.f32 v48, v56;
	[tilespmem:s30+$0x5660] =	vst v12  }
0x1ab: {  	v14 =	vld [tilespmem:s31+$0x5600];
	v8 =	vbroadcast v5, $0xA;
	v9 =	vmul.f32 v9, v34;
	[tilespmem:s30+$0x5670] =	vst v13  }
0x1ac: {  	v6 =	vld [tilespmem:s31+$0x5610];
	v16 =	vmul.f32 v16, v34;
	[tilespmem:s31+$0x56B0] =	vst v19  }
0x1ad: {  	v17 =	vld [tilespmem:s31+$0x5620];
	v7 =	vmul.f32 v57, v8;
	[tilespmem:s31+$0x55D0] =	vst v9  }
0x1ae: {  	v45 =	vbroadcast v4, $0x9;
	v15 =	vld [tilespmem:s31+$0x5630];
	v41 =	vmul.f32 v59, v8;
	[tilespmem:s31+$0x55F0] =	vst v16  }
0x1af: {  	v42 =	vld [tilespmem:s30+$0x5740];
	v46 =	vmul.f32 v62, v8;
	[tilespmem:s30+$0x5680] =	vst v7  }
0x1b0: {  	v33 =	vld [tilespmem:s30+$0x56D0];
	v14 =	vmul.f32 v14, v45;
	[tilespmem:s30+$0x5690] =	vst v41  }
0x1b1: {  	v10 =	vld [tilespmem:s31+$0x5640];
	v6 =	vmul.f32 v6, v45;
	[tilespmem:s30+$0x56B0] =	vst v46  }
0x1b2: {  	v35 =	vld [tilespmem:s30+$0x56E0];
	v17 =	vmul.f32 v17, v45;
	[tilespmem:s31+$0x5600] =	vst v14  }
0x1b3: {  	v37 =	vld [tilespmem:s30+$0x5700];
	v15 =	vmul.f32 v15, v45;
	[tilespmem:s31+$0x5610] =	vst v6  }
0x1b4: {  	v39 =	vld [tilespmem:s30+$0x5720];
	v9 =	vmul.f32 v61, v8;
	[tilespmem:s31+$0x5620] =	vst v17  }
0x1b5: {  	v54 =	vld [tilespmem:s30+$0x57C0];
	v16 =	vmul.f32 v63, v8;
	[tilespmem:s31+$0x5630] =	vst v15  }
0x1b6: {  	v58 =	vld [tilespmem:s30+$0x57F0];
	v10 =	vmul.f32 v10, v45;
	[tilespmem:s30+$0x56A0] =	vst v9  }
0x1b7: {  	v44 =	vld [tilespmem:s30+$0x5750];
	v14 =	vmul.f32 v33, v8;
	[tilespmem:s30+$0x56C0] =	vst v16  }
0x1b8: {  	v11 =	vld [tilespmem:s31+$0x5650];
	v6 =	vmul.f32 v35, v8;
	v17 =	vbroadcast v5, $0xB;
	[tilespmem:s31+$0x5640] =	vst v10  }
0x1b9: {  	v12 =	vld [tilespmem:s31+$0x5660];
	v8 =	vmul.f32 v36, v8;
	[tilespmem:s30+$0x56D0] =	vst v14  }
0x1ba: {  	v13 =	vld [tilespmem:s31+$0x5670];
	[tilespmem:s30+$0x56E0] =	vst v6;
	v15 =	vmul.f32 v37, v17  }
0x1bb: {  	v62 =	vld [tilespmem:s31+$0x5760];
	[tilespmem:s30+$0x56F0] =	vst v8;
	v10 =	vmul.f32 v38, v17  }
0x1bc: {  	v52 =	vld [tilespmem:s30+$0x57A0];
	v60 =	vmul.f32 v47, v17;
	[tilespmem:s30+$0x5700] =	vst v15  }
0x1bd: {  	v49 =	vld [tilespmem:s30+$0x5770];
	v11 =	vmul.f32 v11, v45;
	[tilespmem:s30+$0x5710] =	vst v10  }
0x1be: {  	v7 =	vld [tilespmem:s31+$0x5680];
	v38 =	vbroadcast v4, $0xB;
	v12 =	vmul.f32 v12, v45;
	[tilespmem:s30+$0x5760] =	vst v60  }
0x1bf: {  	v50 =	vld [tilespmem:s30+$0x5780];
	v13 =	vmul.f32 v13, v45;
	[tilespmem:s31+$0x5650] =	vst v11  }
0x1c0: {  	v35 =	vld [tilespmem:s31+$0x5780];
	v18 =	vmul.f32 v62, v38;
	[tilespmem:s31+$0x5660] =	vst v12  }
0x1c1: {  	v9 =	vld [tilespmem:s31+$0x56A0];
	v11 =	vmul.f32 v39, v17;
	[tilespmem:s31+$0x5670] =	vst v13  }
0x1c2: {  	v16 =	vld [tilespmem:s31+$0x56C0];
	v12 =	vmul.f32 v40, v17;
	[tilespmem:s31+$0x5760] =	vst v18  }
0x1c3: {  	v43 =	vld [tilespmem:s30+$0x58A0];
	v47 =	vbroadcast v4, $0xC;
	v7 =	vmul.f32 v7, v56;
	[tilespmem:s30+$0x5720] =	vst v11  }
0x1c4: {  	v51 =	vld [tilespmem:s30+$0x5790];
	v13 =	vmul.f32 v42, v17;
	[tilespmem:s30+$0x5730] =	vst v12  }
0x1c5: {  	v14 =	vld [tilespmem:s31+$0x56D0];
	v19 =	vmul.f32 v35, v47;
	[tilespmem:s31+$0x5680] =	vst v7  }
0x1c6: {  	v6 =	vld [tilespmem:s31+$0x56E0];
	v9 =	vmul.f32 v9, v56;
	[tilespmem:s30+$0x5740] =	vst v13  }
0x1c7: {  	v8 =	vld [tilespmem:s31+$0x56F0];
	v16 =	vmul.f32 v16, v56;
	[tilespmem:s31+$0x5780] =	vst v19  }
0x1c8: {  	v15 =	vld [tilespmem:s31+$0x5700];
	v7 =	vmul.f32 v44, v17;
	[tilespmem:s31+$0x56A0] =	vst v9  }
0x1c9: {  	v10 =	vld [tilespmem:s31+$0x5710];
	v17 =	vmul.f32 v49, v17;
	[tilespmem:s31+$0x56C0] =	vst v16  }
0x1ca: {  	v53 =	vld [tilespmem:s30+$0x57B0];
	v14 =	vmul.f32 v14, v56;
	[tilespmem:s30+$0x5750] =	vst v7  }
0x1cb: {  	v55 =	vld [tilespmem:s30+$0x57D0];
	v6 =	vmul.f32 v6, v56;
	[tilespmem:s30+$0x5770] =	vst v17  }
0x1cc: {  	v34 =	vld [tilespmem:s30+$0x5830];
	v8 =	vmul.f32 v8, v56;
	[tilespmem:s31+$0x56D0] =	vst v14  }
0x1cd: {  	v57 =	vld [tilespmem:s30+$0x57E0];
	v9 =	vbroadcast v5, $0xC;
	[tilespmem:s31+$0x56E0] =	vst v6;
	v15 =	vmul.f32 v15, v38  }
0x1ce: {  	v59 =	vld [tilespmem:s30+$0x5800];
	[tilespmem:s31+$0x56F0] =	vst v8;
	v10 =	vmul.f32 v10, v38  }
0x1cf: {  	v61 =	vld [tilespmem:s30+$0x5810];
	v33 =	vmul.f32 v50, v9;
	[tilespmem:s31+$0x5700] =	vst v15  }
0x1d0: {  	v63 =	vld [tilespmem:s30+$0x5820];
	v16 =	vmul.f32 v51, v9;
	[tilespmem:s31+$0x5710] =	vst v10  }
0x1d1: {  	v36 =	vld [tilespmem:s30+$0x5840];
	v14 =	vmul.f32 v52, v9;
	[tilespmem:s30+$0x5780] =	vst v33  }
0x1d2: {  	v11 =	vld [tilespmem:s31+$0x5720];
	v6 =	vmul.f32 v53, v9;
	[tilespmem:s30+$0x5790] =	vst v16  }
0x1d3: {  	v12 =	vld [tilespmem:s31+$0x5730];
	v8 =	vmul.f32 v54, v9;
	[tilespmem:s30+$0x57A0] =	vst v14  }
0x1d4: {  	v13 =	vld [tilespmem:s31+$0x5740];
	v15 =	vmul.f32 v55, v9;
	[tilespmem:s30+$0x57B0] =	vst v6  }
0x1d5: {  	v7 =	vld [tilespmem:s31+$0x5750];
	v10 =	vmul.f32 v57, v9;
	[tilespmem:s30+$0x57C0] =	vst v8  }
0x1d6: {  	v17 =	vld [tilespmem:s31+$0x5770];
	v9 =	vmul.f32 v58, v9;
	[tilespmem:s30+$0x57D0] =	vst v15  }
0x1d7: {  	v41 =	vld [tilespmem:s30+$0x5880];
	v11 =	vmul.f32 v11, v38;
	[tilespmem:s30+$0x57E0] =	vst v10  }
0x1d8: {  	v46 =	vld [tilespmem:s30+$0x58D0];
	v12 =	vmul.f32 v12, v38;
	[tilespmem:s30+$0x57F0] =	vst v9  }
0x1d9: {  	v37 =	vld [tilespmem:s30+$0x5850];
	v13 =	vmul.f32 v13, v38;
	[tilespmem:s31+$0x5720] =	vst v11  }
0x1da: {  	v45 =	vld [tilespmem:s30+$0x58C0];
	v11 =	vbroadcast v5, $0xD;
	[tilespmem:s31+$0x5730] =	vst v12;
	v7 =	vmul.f32 v7, v38  }
0x1db: {  	v60 =	vld [tilespmem:s31+$0x58B0];
	[tilespmem:s31+$0x5740] =	vst v13;
	v17 =	vmul.f32 v17, v38  }
0x1dc: {  	v62 =	vld [tilespmem:s31+$0x58E0];
	v12 =	vmul.f32 v59, v11;
	[tilespmem:s31+$0x5750] =	vst v7  }
0x1dd: {  	v16 =	vld [tilespmem:s31+$0x5790];
	v13 =	vmul.f32 v61, v11;
	[tilespmem:s31+$0x5770] =	vst v17  }
0x1de: {  	v14 =	vld [tilespmem:s31+$0x57A0];
	v7 =	vmul.f32 v63, v11;
	[tilespmem:s30+$0x5800] =	vst v12  }
0x1df: {  	v6 =	vld [tilespmem:s31+$0x57B0];
	v48 =	vmul.f32 v34, v11;
	[tilespmem:s30+$0x5810] =	vst v13  }
0x1e0: {  	v8 =	vld [tilespmem:s31+$0x57C0];
	v17 =	vmul.f32 v36, v11;
	[tilespmem:s30+$0x5820] =	vst v7  }
0x1e1: {  	v15 =	vld [tilespmem:s31+$0x57D0];
	v52 =	vmul.f32 v37, v11;
	[tilespmem:s30+$0x5830] =	vst v48  }
0x1e2: {  	v9 =	vld [tilespmem:s31+$0x57F0];
	v16 =	vmul.f32 v16, v47;
	[tilespmem:s30+$0x5840] =	vst v17  }
0x1e3: {  	v39 =	vld [tilespmem:s30+$0x5860];
	v14 =	vmul.f32 v14, v47;
	[tilespmem:s30+$0x5850] =	vst v52  }
0x1e4: {  	v40 =	vld [tilespmem:s30+$0x5870];
	v6 =	vmul.f32 v6, v47;
	[tilespmem:s31+$0x5790] =	vst v16  }
0x1e5: {  	v42 =	vld [tilespmem:s30+$0x5890];
	v8 =	vmul.f32 v8, v47;
	[tilespmem:s31+$0x57A0] =	vst v14  }
0x1e6: {  	v44 =	vld [tilespmem:s30+$0x58B0];
	v15 =	vmul.f32 v15, v47;
	[tilespmem:s31+$0x57B0] =	vst v6  }
0x1e7: {  	v49 =	vld [tilespmem:s30+$0x58E0];
	v9 =	vmul.f32 v9, v47;
	[tilespmem:s31+$0x57C0] =	vst v8  }
0x1e8: {  	v10 =	vld [tilespmem:s31+$0x57E0];
	v5 =	vbroadcast v5, $0xE;
	v16 =	vmul.f32 v39, v11;
	[tilespmem:s31+$0x57D0] =	vst v15  }
0x1e9: {  	v56 =	vld [tilespmem:s30+$0x5930];
	v11 =	vmul.f32 v40, v11;
	[tilespmem:s31+$0x57F0] =	vst v9  }
0x1ea: {  	v50 =	vld [tilespmem:s31+$0x5830];
	v6 =	vmul.f32 v41, v5;
	[tilespmem:s30+$0x5860] =	vst v16  }
0x1eb: {  	v12 =	vld [tilespmem:s31+$0x5800];
	v8 =	vmul.f32 v42, v5;
	[tilespmem:s30+$0x5870] =	vst v11  }
0x1ec: {  	v7 =	vld [tilespmem:s31+$0x5820];
	v9 =	vmul.f32 v45, v5;
	[tilespmem:s30+$0x5880] =	vst v6  }
0x1ed: {  	v13 =	vld [tilespmem:s31+$0x5810];
	v6 =	vmul.f32 v10, v47;
	[tilespmem:s30+$0x5890] =	vst v8  }
0x1ee: {  	v51 =	vld [tilespmem:s30+$0x58F0];
	v59 =	vbroadcast v4, $0xD;
	v10 =	vmul.f32 v43, v5;
	[tilespmem:s30+$0x58C0] =	vst v9  }
0x1ef: {  	v53 =	vld [tilespmem:s30+$0x5900];
	[tilespmem:s31+$0x57E0] =	vst v6;
	v6 =	vmul.f32 v44, v5  }
0x1f0: {  	v54 =	vld [tilespmem:s31+$0x5850];
	[tilespmem:s30+$0x58A0] =	vst v10;
	v12 =	vmul.f32 v12, v59  }
0x1f1: {  	v11 =	vld [tilespmem:s31+$0x5870];
	v7 =	vmul.f32 v7, v59;
	[tilespmem:s30+$0x58B0] =	vst v6  }
0x1f2: {  	v55 =	vld [tilespmem:s30+$0x5910];
	v6 =	vmul.f32 v13, v59;
	[tilespmem:s31+$0x5800] =	vst v12  }
0x1f3: {  	v57 =	vld [tilespmem:s31+$0x5880];
	v12 =	vmul.f32 v46, v5;
	[tilespmem:s31+$0x5820] =	vst v7  }
0x1f4: {  	v14 =	vld [tilespmem:s31+$0x5860];
	v13 =	vmul.f32 v50, v59;
	[tilespmem:s31+$0x5810] =	vst v6  }
0x1f5: {  	v16 =	vld [tilespmem:s30+$0x5920];
	v7 =	vmul.f32 v53, v3;
	[tilespmem:s30+$0x58D0] =	vst v12  }
0x1f6: {  	v15 =	vld [tilespmem:s30+$0x5950];
	v11 =	vmul.f32 v11, v59;
	[tilespmem:s31+$0x5830] =	vst v13  }
0x1f7: {  	v8 =	vld [tilespmem:s31+$0x5890];
	v6 =	vmul.f32 v49, v5;
	[tilespmem:s30+$0x5900] =	vst v7  }
0x1f8: {  	v17 =	vld [tilespmem:s31+$0x5840];
	v5 =	vmul.f32 v51, v5;
	[tilespmem:s31+$0x5870] =	vst v11  }
0x1f9: {  	v58 =	vld [tilespmem:s30+$0x5940];
	v4 =	vbroadcast v4, $0xE;
	v7 =	vmul.f32 v14, v59;
	[tilespmem:s30+$0x58E0] =	vst v6  }
0x1fa: {  	v61 =	vld [tilespmem:s30+$0x5960];
	v13 =	vmul.f32 v16, v3;
	[tilespmem:s30+$0x58F0] =	vst v5  }
0x1fb: {  	v9 =	vld [tilespmem:s31+$0x58C0];
	v14 =	vmul.f32 v57, v4;
	[tilespmem:s31+$0x5860] =	vst v7  }
0x1fc: {  	v10 =	vld [tilespmem:s31+$0x58A0];
	v11 =	vmul.f32 v15, v3;
	v15 =	vmul.f32 v8, v4;
	[tilespmem:s30+$0x5920] =	vst v13  }
0x1fd: {  	v63 =	vld [tilespmem:s31+$0x5900];
	v6 =	vmul.f32 v17, v59;
	[tilespmem:s31+$0x5880] =	vst v14  }
0x1fe: {  	v12 =	vld [tilespmem:s31+$0x58D0];
	v5 =	vmul.f32 v54, v59;
	[tilespmem:s31+$0x5890] =	vst v15  }
0x1ff: {  	v17 =	vld [tilespmem:s31+$0x58F0];
	[tilespmem:s31+$0x5840] =	vst v6;
	v6 =	vmul.f32 v55, v3  }
0x200: {  	v9 =	vmul.f32 v9, v4;
	v7 =	vmul.f32 v56, v3;
	[tilespmem:s31+$0x5850] =	vst v5;
	v5 =	vld [tilespmem:s31+$0x5910]  }
0x201: {  	v8 =	vmul.f32 v10, v4;
	v13 =	vmul.f32 v58, v3;
	[tilespmem:s30+$0x5910] =	vst v6;
	v6 =	vld [tilespmem:s31+$0x5920]  }
0x202: {  	v14 =	vmul.f32 v60, v4;
	[tilespmem:s30+$0x5930] =	vst v7;
	v3 =	vmul.f32 v61, v3;
	v7 =	vld [tilespmem:s31+$0x5930]  }
0x203: {  	v10 =	vld [tilespmem:s31+$0x5940];
	[tilespmem:s30+$0x5940] =	vst v13;
	v13 =	vmul.f32 v62, v4;
	v12 =	vmul.f32 v12, v4  }
0x204: {  	s0 =	simm.s32 $0x20;
	[tilespmem:s30+$0x5950] =	vst v11;
	v15 =	vld [tilespmem:s31+$0x5950];
	v11 =	vmul.f32 v17, v4;
	v4 =	vmul.f32 v63, v2  }
.LBB2_11:
0x205: {  	v16 =	vld [tilespmem:s0+$0x5100];
	s25 =	sshll.u32 s0, $0x7;
	p0 =	slt.u32 s0, $0x70;
	[tilespmem:s31+$0x58A0] =	vst v8;
	v5 =	vmul.f32 v5, v2  }
0x206: {  	s25 =	sand.u32 $0x3FFFFF80, s25;
	[tilespmem:s31+$0x58B0] =	vst v14;
	v6 =	vmul.f32 v6, v2;
	v17 =	vld [tilespmem:s31+$0x5960]  }
0x207: {  	v8 =	vld [tilespmem:s25+$0x5970];
	[tilespmem:s31+$0x58C0] =	vst v9;
	v7 =	vmul.f32 v7, v2  }
0x208: {  	v18 =	vld [tilespmem:s25+$0x5180];
	[tilespmem:s31+$0x58D0] =	vst v12;
	v19 =	vmul.f32 v10, v2  }
0x209: {  	v20 =	vld [tilespmem:s25+$0x5190];
	[tilespmem:s31+$0x58E0] =	vst v13;
	v21 =	vmul.f32 v15, v2  }
0x20a: {  	v22 =	vbroadcast v16, $0x0;
	v23 =	vld [tilespmem:s25+$0x51A0];
	v24 =	vbroadcast v16, $0xF;
	[tilespmem:s31+$0x58F0] =	vst v11  }
0x20b: {  	v26 =	vbroadcast v16, $0x1;
	v27 =	vbroadcast v16, $0x2;
	v25 =	vld [tilespmem:s25+$0x51B0];
	[tilespmem:s31+$0x5900] =	vst v4  }
0x20c: {  	v15 =	vbroadcast v16, $0x3;
	v28 =	vld [tilespmem:s25+$0x51C0];
	v4 =	vmul.f32 v8, v24;
	[tilespmem:s31+$0x5910] =	vst v5  }
0x20d: {  	v14 =	vbroadcast v16, $0x4;
	v13 =	vbroadcast v16, $0x5;
	v29 =	vld [tilespmem:s25+$0x51D0];
	[tilespmem:s31+$0x5920] =	vst v6  }
0x20e: {  	v12 =	vbroadcast v16, $0x6;
	v11 =	vbroadcast v16, $0x7;
	v30 =	vld [tilespmem:s25+$0x51E0];
	[tilespmem:s25+$0x5970] =	vst v4  }
0x20f: {  	v10 =	vbroadcast v16, $0x8;
	v9 =	vbroadcast v16, $0x9;
	v31 =	vld [tilespmem:s25+$0x51F0];
	[tilespmem:s31+$0x5930] =	vst v7  }
0x210: {  	v8 =	vbroadcast v16, $0xA;
	v7 =	vbroadcast v16, $0xB;
	v32 =	vld [tilespmem:s25+$0x5200];
	[tilespmem:s31+$0x5940] =	vst v19  }
0x211: {  	v5 =	vbroadcast v16, $0xD;
	v6 =	vbroadcast v16, $0xC;
	v19 =	vld [tilespmem:s25+$0x5210];
	[tilespmem:s31+$0x5950] =	vst v21  }
0x212: {  	v18 =	vmul.f32 v22, v18;
	v4 =	vbroadcast v16, $0xE;
	v21 =	vld [tilespmem:s25+$0x5220];
	[tilespmem:s30+$0x5960] =	vst v3;
	s30 =	smov.u32 s31;
	s31 =	smov.u32 s25  }
0x213: {  	v16 =	vmul.f32 v23, v22;
	v3 =	vmul.f32 v20, v22;
	v20 =	vld [tilespmem:s31+$0x5230]  }
0x214: {  	v23 =	vmul.f32 v28, v22;
	[tilespmem:s31+$0x5180] =	vst v18;
	v18 =	vmul.f32 v25, v22;
	v25 =	vld [tilespmem:s31+$0x5240]  }
0x215: {  	v28 =	vmul.f32 v29, v22;
	v29 =	vmul.f32 v30, v22;
	[tilespmem:s31+$0x5190] =	vst v3;
	v30 =	vld [tilespmem:s31+$0x5250]  }
0x216: {  	[tilespmem:s31+$0x51A0] =	vst v16;
	v16 =	vmul.f32 v31, v22;
	v22 =	vmul.f32 v32, v26;
	v31 =	vld [tilespmem:s31+$0x5260]  }
0x217: {  	[tilespmem:s31+$0x51B0] =	vst v18;
	v18 =	vmul.f32 v19, v26;
	v19 =	vmul.f32 v21, v26;
	v21 =	vld [tilespmem:s31+$0x5270]  }
0x218: {  	v3 =	vmul.f32 v17, v2;
	v2 =	vmov v24;
	[tilespmem:s31+$0x51C0] =	vst v23;
	v20 =	vmul.f32 v20, v26;
	v23 =	vld [tilespmem:s31+$0x5280]  }
0x219: {  	[tilespmem:s31+$0x51D0] =	vst v28;
	v17 =	vmul.f32 v25, v26;
	v24 =	vld [tilespmem:s31+$0x5290]  }
0x21a: {  	[tilespmem:s31+$0x51E0] =	vst v29;
	v25 =	vmul.f32 v30, v26;
	v28 =	vld [tilespmem:s31+$0x52A0]  }
0x21b: {  	[tilespmem:s31+$0x51F0] =	vst v16;
	v16 =	vmul.f32 v31, v26;
	v29 =	vld [tilespmem:s31+$0x52B0]  }
0x21c: {  	[tilespmem:s31+$0x5200] =	vst v22;
	v21 =	vmul.f32 v21, v26;
	v22 =	vld [tilespmem:s31+$0x52C0]  }
0x21d: {  	[tilespmem:s31+$0x5210] =	vst v18;
	v18 =	vmul.f32 v23, v27;
	v23 =	vld [tilespmem:s31+$0x52D0]  }
0x21e: {  	[tilespmem:s31+$0x5220] =	vst v19;
	v19 =	vmul.f32 v24, v27;
	v24 =	vld [tilespmem:s31+$0x52E0]  }
0x21f: {  	[tilespmem:s31+$0x5230] =	vst v20;
	v20 =	vmul.f32 v28, v27;
	v26 =	vld [tilespmem:s31+$0x52F0]  }
0x220: {  	[tilespmem:s31+$0x5240] =	vst v17;
	v17 =	vmul.f32 v29, v27;
	v28 =	vld [tilespmem:s31+$0x5300]  }
0x221: {  	[tilespmem:s31+$0x5250] =	vst v25;
	v22 =	vmul.f32 v22, v27;
	v25 =	vld [tilespmem:s31+$0x5310]  }
0x222: {  	[tilespmem:s31+$0x5260] =	vst v16;
	v16 =	vmul.f32 v23, v27;
	v23 =	vld [tilespmem:s31+$0x5320]  }
0x223: {  	[tilespmem:s31+$0x5270] =	vst v21;
	v21 =	vmul.f32 v24, v27;
	v24 =	vld [tilespmem:s31+$0x5330]  }
0x224: {  	[tilespmem:s31+$0x5280] =	vst v18;
	v18 =	vmul.f32 v26, v27;
	v26 =	vld [tilespmem:s31+$0x5340]  }
0x225: {  	[tilespmem:s31+$0x5290] =	vst v19;
	v19 =	vmul.f32 v28, v15;
	v27 =	vld [tilespmem:s31+$0x5350]  }
0x226: {  	[tilespmem:s31+$0x52A0] =	vst v20;
	v20 =	vmul.f32 v25, v15;
	v25 =	vld [tilespmem:s31+$0x5360]  }
0x227: {  	[tilespmem:s31+$0x52B0] =	vst v17;
	v17 =	vmul.f32 v23, v15;
	v23 =	vld [tilespmem:s31+$0x5370]  }
0x228: {  	[tilespmem:s31+$0x52C0] =	vst v22;
	v22 =	vmul.f32 v24, v15;
	v24 =	vld [tilespmem:s31+$0x5380]  }
0x229: {  	[tilespmem:s31+$0x52D0] =	vst v16;
	v16 =	vmul.f32 v26, v15;
	v26 =	vld [tilespmem:s31+$0x5390]  }
0x22a: {  	[tilespmem:s31+$0x52E0] =	vst v21;
	v21 =	vmul.f32 v27, v15;
	v27 =	vld [tilespmem:s31+$0x53A0]  }
0x22b: {  	[tilespmem:s31+$0x52F0] =	vst v18;
	v18 =	vmul.f32 v25, v15;
	v25 =	vld [tilespmem:s31+$0x53B0]  }
0x22c: {  	[tilespmem:s31+$0x5300] =	vst v19;
	v15 =	vmul.f32 v23, v15;
	v19 =	vld [tilespmem:s31+$0x53C0]  }
0x22d: {  	[tilespmem:s31+$0x5310] =	vst v20;
	v20 =	vmul.f32 v24, v14;
	v23 =	vld [tilespmem:s31+$0x53D0]  }
0x22e: {  	[tilespmem:s31+$0x5320] =	vst v17;
	v17 =	vmul.f32 v26, v14;
	v24 =	vld [tilespmem:s31+$0x53E0]  }
0x22f: {  	[tilespmem:s31+$0x5330] =	vst v22;
	v22 =	vmul.f32 v27, v14;
	v26 =	vld [tilespmem:s31+$0x53F0]  }
0x230: {  	[tilespmem:s31+$0x5340] =	vst v16;
	v16 =	vmul.f32 v25, v14;
	v25 =	vld [tilespmem:s31+$0x5400]  }
0x231: {  	[tilespmem:s31+$0x5350] =	vst v21;
	v19 =	vmul.f32 v19, v14;
	v21 =	vld [tilespmem:s31+$0x5410]  }
0x232: {  	[tilespmem:s31+$0x5360] =	vst v18;
	v18 =	vmul.f32 v23, v14;
	v23 =	vld [tilespmem:s31+$0x5420]  }
0x233: {  	[tilespmem:s31+$0x5370] =	vst v15;
	v15 =	vmul.f32 v24, v14;
	v24 =	vld [tilespmem:s31+$0x5430]  }
0x234: {  	[tilespmem:s31+$0x5380] =	vst v20;
	v14 =	vmul.f32 v26, v14;
	v20 =	vld [tilespmem:s31+$0x5440]  }
0x235: {  	[tilespmem:s31+$0x5390] =	vst v17;
	v17 =	vmul.f32 v25, v13;
	v25 =	vld [tilespmem:s31+$0x5450]  }
0x236: {  	[tilespmem:s31+$0x53A0] =	vst v22;
	v21 =	vmul.f32 v21, v13;
	v22 =	vld [tilespmem:s31+$0x5460]  }
0x237: {  	[tilespmem:s31+$0x53B0] =	vst v16;
	v16 =	vmul.f32 v23, v13;
	v23 =	vld [tilespmem:s31+$0x5470]  }
0x238: {  	[tilespmem:s31+$0x53C0] =	vst v19;
	v19 =	vmul.f32 v24, v13;
	v24 =	vld [tilespmem:s31+$0x5480]  }
0x239: {  	[tilespmem:s31+$0x53D0] =	vst v18;
	v18 =	vmul.f32 v20, v13;
	v20 =	vld [tilespmem:s31+$0x5490]  }
0x23a: {  	[tilespmem:s31+$0x53E0] =	vst v15;
	v15 =	vmul.f32 v25, v13;
	v25 =	vld [tilespmem:s31+$0x54A0]  }
0x23b: {  	[tilespmem:s31+$0x53F0] =	vst v14;
	v14 =	vmul.f32 v22, v13;
	v22 =	vld [tilespmem:s31+$0x54B0]  }
0x23c: {  	[tilespmem:s31+$0x5400] =	vst v17;
	v13 =	vmul.f32 v23, v13;
	v17 =	vld [tilespmem:s31+$0x54C0]  }
0x23d: {  	[tilespmem:s31+$0x5410] =	vst v21;
	v21 =	vmul.f32 v24, v12;
	v23 =	vld [tilespmem:s31+$0x54D0]  }
0x23e: {  	[tilespmem:s31+$0x5420] =	vst v16;
	v16 =	vmul.f32 v20, v12;
	v20 =	vld [tilespmem:s31+$0x54E0]  }
0x23f: {  	[tilespmem:s31+$0x5430] =	vst v19;
	v19 =	vmul.f32 v25, v12;
	v24 =	vld [tilespmem:s31+$0x54F0]  }
0x240: {  	[tilespmem:s31+$0x5440] =	vst v18;
	v18 =	vmul.f32 v22, v12;
	v22 =	vld [tilespmem:s31+$0x5500]  }
0x241: {  	[tilespmem:s31+$0x5450] =	vst v15;
	v15 =	vmul.f32 v17, v12;
	v17 =	vld [tilespmem:s31+$0x5510]  }
0x242: {  	[tilespmem:s31+$0x5460] =	vst v14;
	v14 =	vmul.f32 v23, v12;
	v23 =	vld [tilespmem:s31+$0x5520]  }
0x243: {  	[tilespmem:s31+$0x5470] =	vst v13;
	v13 =	vmul.f32 v20, v12;
	v20 =	vld [tilespmem:s31+$0x5530]  }
0x244: {  	[tilespmem:s31+$0x5480] =	vst v21;
	v12 =	vmul.f32 v24, v12;
	v21 =	vld [tilespmem:s31+$0x5540]  }
0x245: {  	[tilespmem:s31+$0x5490] =	vst v16;
	v16 =	vmul.f32 v22, v11;
	v22 =	vld [tilespmem:s31+$0x5550]  }
0x246: {  	[tilespmem:s31+$0x54A0] =	vst v19;
	v17 =	vmul.f32 v17, v11;
	v19 =	vld [tilespmem:s31+$0x5560]  }
0x247: {  	[tilespmem:s31+$0x54B0] =	vst v18;
	v18 =	vmul.f32 v23, v11;
	v23 =	vld [tilespmem:s31+$0x5570]  }
0x248: {  	[tilespmem:s31+$0x54C0] =	vst v15;
	v15 =	vmul.f32 v20, v11;
	v20 =	vld [tilespmem:s31+$0x5580]  }
0x249: {  	[tilespmem:s31+$0x54D0] =	vst v14;
	v14 =	vmul.f32 v21, v11;
	v21 =	vld [tilespmem:s31+$0x5590]  }
0x24a: {  	[tilespmem:s31+$0x54E0] =	vst v13;
	v13 =	vmul.f32 v22, v11;
	v22 =	vld [tilespmem:s31+$0x55A0]  }
0x24b: {  	[tilespmem:s31+$0x54F0] =	vst v12;
	v12 =	vmul.f32 v19, v11;
	v19 =	vld [tilespmem:s31+$0x55B0]  }
0x24c: {  	[tilespmem:s31+$0x5500] =	vst v16;
	v11 =	vmul.f32 v23, v11;
	v16 =	vld [tilespmem:s31+$0x55C0]  }
0x24d: {  	[tilespmem:s31+$0x5510] =	vst v17;
	v17 =	vmul.f32 v20, v10;
	v20 =	vld [tilespmem:s31+$0x55D0]  }
0x24e: {  	[tilespmem:s31+$0x5520] =	vst v18;
	v18 =	vmul.f32 v21, v10;
	v21 =	vld [tilespmem:s31+$0x55E0]  }
0x24f: {  	[tilespmem:s31+$0x5530] =	vst v15;
	v15 =	vmul.f32 v22, v10;
	v22 =	vld [tilespmem:s31+$0x55F0]  }
0x250: {  	[tilespmem:s31+$0x5540] =	vst v14;
	v14 =	vmul.f32 v19, v10;
	v19 =	vld [tilespmem:s31+$0x5600]  }
0x251: {  	[tilespmem:s31+$0x5550] =	vst v13;
	v13 =	vmul.f32 v16, v10;
	v16 =	vld [tilespmem:s31+$0x5610]  }
0x252: {  	[tilespmem:s31+$0x5560] =	vst v12;
	v12 =	vmul.f32 v20, v10;
	v20 =	vld [tilespmem:s31+$0x5620]  }
0x253: {  	[tilespmem:s31+$0x5570] =	vst v11;
	v11 =	vmul.f32 v21, v10;
	v21 =	vld [tilespmem:s31+$0x5630]  }
0x254: {  	[tilespmem:s31+$0x5580] =	vst v17;
	v10 =	vmul.f32 v22, v10;
	v17 =	vld [tilespmem:s31+$0x5640]  }
0x255: {  	[tilespmem:s31+$0x5590] =	vst v18;
	v18 =	vmul.f32 v19, v9;
	v19 =	vld [tilespmem:s31+$0x5650]  }
0x256: {  	[tilespmem:s31+$0x55A0] =	vst v15;
	v15 =	vmul.f32 v16, v9;
	v16 =	vld [tilespmem:s31+$0x5660]  }
0x257: {  	[tilespmem:s31+$0x55B0] =	vst v14;
	v14 =	vmul.f32 v20, v9;
	v20 =	vld [tilespmem:s31+$0x5670]  }
0x258: {  	[tilespmem:s31+$0x55C0] =	vst v13;
	v13 =	vmul.f32 v21, v9;
	v21 =	vld [tilespmem:s31+$0x5680]  }
0x259: {  	[tilespmem:s31+$0x55D0] =	vst v12;
	v12 =	vmul.f32 v17, v9;
	v17 =	vld [tilespmem:s31+$0x5690]  }
0x25a: {  	[tilespmem:s31+$0x55E0] =	vst v11;
	v11 =	vmul.f32 v19, v9;
	v19 =	vld [tilespmem:s31+$0x56A0]  }
0x25b: {  	[tilespmem:s31+$0x55F0] =	vst v10;
	v10 =	vmul.f32 v16, v9;
	v16 =	vld [tilespmem:s31+$0x56B0]  }
0x25c: {  	[tilespmem:s31+$0x5600] =	vst v18;
	v9 =	vmul.f32 v20, v9;
	v18 =	vld [tilespmem:s31+$0x56C0]  }
0x25d: {  	[tilespmem:s31+$0x5610] =	vst v15;
	v15 =	vmul.f32 v21, v8;
	v20 =	vld [tilespmem:s31+$0x56D0]  }
0x25e: {  	[tilespmem:s31+$0x5620] =	vst v14;
	v14 =	vmul.f32 v17, v8;
	v17 =	vld [tilespmem:s31+$0x56E0]  }
0x25f: {  	[tilespmem:s31+$0x5630] =	vst v13;
	v13 =	vmul.f32 v19, v8;
	v19 =	vld [tilespmem:s31+$0x56F0]  }
0x260: {  	[tilespmem:s31+$0x5640] =	vst v12;
	v12 =	vmul.f32 v16, v8;
	v16 =	vld [tilespmem:s31+$0x5700]  }
0x261: {  	[tilespmem:s31+$0x5650] =	vst v11;
	v11 =	vmul.f32 v18, v8;
	v18 =	vld [tilespmem:s31+$0x5710]  }
0x262: {  	[tilespmem:s31+$0x5660] =	vst v10;
	v10 =	vmul.f32 v20, v8;
	v20 =	vld [tilespmem:s31+$0x5720]  }
0x263: {  	[tilespmem:s31+$0x5670] =	vst v9;
	v9 =	vmul.f32 v17, v8;
	v17 =	vld [tilespmem:s31+$0x5730]  }
0x264: {  	[tilespmem:s31+$0x5680] =	vst v15;
	v8 =	vmul.f32 v19, v8;
	v15 =	vld [tilespmem:s31+$0x5740]  }
0x265: {  	[tilespmem:s31+$0x5690] =	vst v14;
	v14 =	vmul.f32 v16, v7;
	v16 =	vld [tilespmem:s31+$0x5750]  }
0x266: {  	[tilespmem:s31+$0x56A0] =	vst v13;
	v13 =	vmul.f32 v18, v7;
	v18 =	vld [tilespmem:s31+$0x5760]  }
0x267: {  	[tilespmem:s31+$0x56B0] =	vst v12;
	v12 =	vmul.f32 v20, v7;
	v19 =	vld [tilespmem:s31+$0x5770]  }
0x268: {  	[tilespmem:s31+$0x56C0] =	vst v11;
	v11 =	vmul.f32 v17, v7;
	v17 =	vld [tilespmem:s31+$0x5780]  }
0x269: {  	[tilespmem:s31+$0x56D0] =	vst v10;
	v10 =	vmul.f32 v15, v7;
	v15 =	vld [tilespmem:s31+$0x5790]  }
0x26a: {  	[tilespmem:s31+$0x56E0] =	vst v9;
	v9 =	vmul.f32 v16, v7;
	v16 =	vld [tilespmem:s31+$0x57A0]  }
0x26b: {  	[tilespmem:s31+$0x56F0] =	vst v8;
	v8 =	vmul.f32 v18, v7;
	v18 =	vld [tilespmem:s31+$0x57B0]  }
0x26c: {  	[tilespmem:s31+$0x5700] =	vst v14;
	v7 =	vmul.f32 v19, v7;
	v14 =	vld [tilespmem:s31+$0x57C0]  }
0x26d: {  	[tilespmem:s31+$0x5710] =	vst v13;
	v13 =	vmul.f32 v17, v6;
	v17 =	vld [tilespmem:s31+$0x57D0]  }
0x26e: {  	[tilespmem:s31+$0x5720] =	vst v12;
	v12 =	vmul.f32 v15, v6;
	v15 =	vld [tilespmem:s31+$0x57E0]  }
0x26f: {  	[tilespmem:s31+$0x5730] =	vst v11;
	v11 =	vmul.f32 v16, v6;
	v16 =	vld [tilespmem:s31+$0x57F0]  }
0x270: {  	[tilespmem:s31+$0x5740] =	vst v10;
	v10 =	vmul.f32 v18, v6;
	v18 =	vld [tilespmem:s31+$0x5800]  }
0x271: {  	[tilespmem:s31+$0x5750] =	vst v9;
	v9 =	vmul.f32 v14, v6;
	v14 =	vld [tilespmem:s31+$0x5810]  }
0x272: {  	[tilespmem:s31+$0x5760] =	vst v8;
	v8 =	vmul.f32 v17, v6;
	v17 =	vld [tilespmem:s31+$0x5820]  }
0x273: {  	[tilespmem:s31+$0x5770] =	vst v7;
	v7 =	vmul.f32 v15, v6;
	v15 =	vld [tilespmem:s31+$0x5830]  }
0x274: {  	[tilespmem:s31+$0x5780] =	vst v13;
	v6 =	vmul.f32 v16, v6;
	v13 =	vld [tilespmem:s31+$0x5840]  }
0x275: {  	[tilespmem:s31+$0x5790] =	vst v12;
	v12 =	vmul.f32 v18, v5;
	v16 =	vld [tilespmem:s31+$0x5850]  }
0x276: {  	[tilespmem:s31+$0x57A0] =	vst v11;
	v11 =	vmul.f32 v14, v5;
	v14 =	vld [tilespmem:s31+$0x5860]  }
0x277: {  	[tilespmem:s31+$0x57B0] =	vst v10;
	v10 =	vmul.f32 v17, v5;
	v17 =	vld [tilespmem:s31+$0x5870]  }
0x278: {  	[tilespmem:s31+$0x57C0] =	vst v9;
	v9 =	vmul.f32 v15, v5;
	v15 =	vld [tilespmem:s31+$0x5880]  }
0x279: {  	[tilespmem:s31+$0x57D0] =	vst v8;
	v13 =	vmul.f32 v13, v5;
	v8 =	vld [tilespmem:s31+$0x5890]  }
0x27a: {  	[tilespmem:s31+$0x57E0] =	vst v7;
	v7 =	vmul.f32 v16, v5;
	v16 =	vld [tilespmem:s31+$0x58A0]  }
0x27b: {  	[tilespmem:s31+$0x57F0] =	vst v6;
	v6 =	vmul.f32 v14, v5;
	v14 =	vld [tilespmem:s31+$0x58B0]  }
0x27c: {  	[tilespmem:s31+$0x5800] =	vst v12;
	v17 =	vmul.f32 v17, v5;
	v5 =	vld [tilespmem:s31+$0x58C0]  }
0x27d: {  	[tilespmem:s31+$0x5810] =	vst v11;
	v11 =	vmul.f32 v15, v4;
	v12 =	vld [tilespmem:s31+$0x58D0]  }
0x27e: {  	[tilespmem:s31+$0x5820] =	vst v10;
	v15 =	vmul.f32 v8, v4;
	v10 =	vld [tilespmem:s31+$0x58E0]  }
0x27f: {  	[tilespmem:s31+$0x5830] =	vst v9;
	v8 =	vmul.f32 v16, v4;
	v16 =	vld [tilespmem:s31+$0x58F0]  }
0x280: {  	[tilespmem:s31+$0x5840] =	vst v13;
	v14 =	vmul.f32 v14, v4;
	v18 =	vld [tilespmem:s31+$0x5900]  }
.Ltmp4:
0x281: {  	[tilespmem:s31+$0x5850] =	vst v7;
	v9 =	vmul.f32 v5, v4;
	v5 =	vld [tilespmem:s31+$0x5910];
	(pc) =	sbr.rel @p0 .LBB2_11-.Ltmp4, $4  }
0x282: {  	[tilespmem:s31+$0x5860] =	vst v6;
	v12 =	vmul.f32 v12, v4;
	v6 =	vld [tilespmem:s31+$0x5920]  }
0x283: {  	[tilespmem:s31+$0x5870] =	vst v17;
	v13 =	vmul.f32 v10, v4;
	v7 =	vld [tilespmem:s31+$0x5930]  }
0x284: {  	[tilespmem:s31+$0x5880] =	vst v11;
	v11 =	vmul.f32 v16, v4;
	v10 =	vld [tilespmem:s31+$0x5940]  }
0x285: {  	s0 =	sadd.s32 $0x10, s0;
	[tilespmem:s31+$0x5890] =	vst v15;
	v4 =	vmul.f32 v18, v2;
	v15 =	vld [tilespmem:s31+$0x5950]  }
0x286: {  	[tilespmem:s31+$0x58A0] =	vst v8  }
0x287: {  	[tilespmem:s31+$0x58B0] =	vst v14  }
0x288: {  	[tilespmem:s31+$0x58C0] =	vst v9  }
0x289: {  	[tilespmem:s31+$0x58D0] =	vst v12  }
0x28a: {  	[tilespmem:s31+$0x58E0] =	vst v13  }
0x28b: {  	[tilespmem:s31+$0x58F0] =	vst v11  }
0x28c: {  	v60 =	vld [tilespmem:s31+$0x5960];
	v5 =	vmul.f32 v5, v2;
	[tilespmem:s30+$0x5960] =	vst v3  }
0x28d: {  	v6 =	vmul.f32 v6, v2;
	[tilespmem:s31+$0x5900] =	vst v4  }
0x28e: {  	v61 =	vmul.f32 v7, v2;
	[tilespmem:s31+$0x5910] =	vst v5  }
0x28f: {  	v62 =	vmul.f32 v10, v2;
	[tilespmem:s31+$0x5920] =	vst v6  }
0x290: {  	v63 =	vmul.f32 v15, v2;
	[tilespmem:s31+$0x5930] =	vst v61  }
0x291: {  	s29 =	sadd.s32 $0x1, s29;
	[tilespmem:s31+$0x5940] =	vst v62;
	v2 =	vmul.f32 v60, v2  }
0x292: {  	p0 =	sne.s32 s29, $0x4F;
	[tilespmem:s31+$0x5950] =	vst v63  }
.Ltmp5:
0x293: {  	[tilespmem:s31+$0x5960] =	vst v2;
	(pc) =	sbr.rel @p0 .LBB2_10-.Ltmp5, $4  }
0x294: {  	[spmem:s1] =	stream.indirect.scatter.add.f32 [tilespmem:s20], [sflag:$0x1], $0x80, s22, s24, $0xb8;
	[tilespmem:$0x1F980] =	vst v63  }
0x295: {  	_ =	swait.ge [sflag:s18], $0x4000  }
0x296: {  	[sflag:s18] =	ssyncset.done $0x0  }
0x297: {  	[sflag:s18] =	ssyncadd.s32 $0xFFFFC000  }
0x298: {  	s0 =	sshll.u32 s2, $0x6  }
0x299: {  	[bflag:$0x0] =	sbarrier.arrive $0xFFFF;
	s25 =	sshrl.u32 s9, $0x3;
	s0 =	sor.u32 $0x1C01, s0  }
0x29a: {  	[hbm:s15], [sflag:s0] =	dma.local [spmem:s25], $0x2800  }
0x29b: {  	s26 =	sadd.s32 $0x1, s26;
	_ =	swait.ge [sflag:s18], $0x2800  }
0x29c: {  	p0 =	sne.s32 s26, s17;
	[sflag:s18] =	ssyncset.done $0x0  }
.Ltmp6:
0x29d: {  	s31 =	simm.s32 $0x400;
	[sflag:s18] =	ssyncadd.s32 $0xFFFFD800;
	(pc) =	sbr.rel @p0 .LBB2_1-.Ltmp6, $4  }
0x29e: {  	[hbm4b:s16+s24] =	stream.strided.scatter [tilespmem:s23], [sflag:$0x1], $0x2800, s31, s24, $0x38;
	[tilespmem:$0x1F980] =	vst v63  }
0x29f: {  	_ =	swait.ge [sflag:s18], $0x2800  }
0x2a0: {  	[sflag:s18] =	ssyncset.done $0x0  }
0x2a1: {  	[sflag:s18] =	ssyncadd.s32 $0xFFFFD800  }
0x2a2: {  	_ =	sfence.sel $0x180000  }
0x2a3: {  	[bflag:$0x0] =	sbarrier.arrive $0xFFFF  }
0x2a4: {  	_ =	strace $0x90000047  }
0x2a5: {  	[bflag:$0x2] =	sbarrier.arrive $0xFFFF  }
0x2a6: {  	p0 =	sne.s32 s2, $0x0;
	s0 =	rddreg [dreg:$0x3]  }
0x2a7: {  	s0 =	sadd.s32 @!p0 $0x100000, s0  }
0x2a8: {  	[sflag:s0] =	ssyncadd.tile.s32 @!p0 $0x1;
	_ =	shalt  }
.Lfunc_end2:
_tile_overlayer_lowered:
.L_overlay_start_2:
0x2a9: {  	(tag) =	ssettag $0x2  }
0x2aa: {  	s0 =	rddreg [dreg:$0x0];
	s2 =	stileid.u32  }
0x2ab: {  	s1 =	rddreg [dreg:$0x1];
	p0 =	sne.s32 s2, $0x0  }
0x2ac: {  	s3 =	rddreg [dreg:$0x2];
	[bflag:$0x3] =	sbarrier.arrive $0xFFFF;
	s2 =	simm.s32 @!p0 $0x1C01  }
0x2ad: {  	[timem:s3], [sflag:s2] =	dma.local @!p0 [hbm:s0], s1  }
0x2ae: {  	s0 =	simm.s32 @!p0 $0x1  }
0x2af: {  	_ =	swait.ge @!p0 [sflag:s0], s1  }
0x2b0: {  	s1 =	ssub.s32 @!p0 $0x0, s1;
	[sflag:s0] =	ssyncset.done @!p0 $0x0  }
0x2b1: {  	[sflag:s0] =	ssyncadd.s32 @!p0 s1  }
0x2b2: {  	[bflag:$0x3] =	sbarrier.arrive $0xFFFF  }
0x2b3: {  	_ =	shalt  }

</sc_bundles>
